<compile_context>
chip_gen: v7x
topology: tpu7x:2x2x1
jax: 0.10.2.dev20260603
libtpu: 0.0.44.dev20260713+nightly
codegen_flags: <defaults>
</compile_context>

<pallas_src>
import jax
import jax.numpy as jnp
from jax import lax
from jax.experimental import pallas as pl
from jax.experimental.pallas import tpu as pltpu
from jax.experimental.pallas import tpu_sc as plsc

N = 21
B, H, W = 8, 512, 512
BH = 256
NBINS = N * N
PADB = 512
NC, NS = 2, 16
NW = NC * NS
VLEN = 16
TOTAL = B * H * W
CHUNK = TOTAL // NW


def _argmax_body(p_ref, g_ref, o_ref):
    x = p_ref[0]
    m = jnp.max(x, axis=0)
    ch = lax.broadcasted_iota(jnp.int32, (N, BH, W), 0)
    am = jnp.min(jnp.where(x == m[None], ch, N), axis=0)
    o_ref[...] = g_ref[0] * N + am


def _hist_body(idx_hbm, out_hbm, idx_v, hist_v, acc_v):
    rows = idx_hbm.shape[0] // NW
    wid = lax.axis_index("c") * NS + lax.axis_index("s")

    @plsc.parallel_loop(0, VLEN * PADB, step=VLEN, unroll=8)
    def _zero(i):
        hist_v[pl.ds(i, VLEN)] = jnp.zeros((VLEN,), jnp.float32)

    pltpu.sync_copy(idx_hbm.at[pl.ds(wid * rows, rows), :], idx_v)

    lanebase = lax.iota(jnp.int32, VLEN) * PADB
    ones = jnp.ones((VLEN,), jnp.float32)

    @plsc.parallel_loop(0, rows, step=1, unroll=4)
    def _scat(i):
        for c in range(W // VLEN):
            v = idx_v[i, pl.ds(c * VLEN, VLEN)]
            plsc.addupdate_scatter(hist_v, [lanebase + v], ones)

    @plsc.parallel_loop(0, PADB, step=VLEN, unroll=2)
    def _red(cc):
        acc = hist_v[pl.ds(cc, VLEN)]
        for l in range(1, VLEN):
            acc = acc + hist_v[pl.ds(l * PADB + cc, VLEN)]
        acc_v[pl.ds(cc, VLEN)] = acc

    pltpu.sync_copy(acc_v, out_hbm.at[wid])


def _iou_from_conf(conf, o_ref):
    confb = jnp.broadcast_to(conf, (N, PADB))
    b = lax.broadcasted_iota(jnp.int32, (N, PADB), 1)
    c = lax.broadcasted_iota(jnp.int32, (N, PADB), 0)
    valid = b < NBINS
    rowm = ((b // N) == c) & valid
    colm = (lax.rem(b, N) == c) & valid
    tpm = rowm & colm
    z = jnp.zeros((N, PADB), jnp.float32)
    rowsum = jnp.sum(jnp.where(rowm, confb, z), axis=1, keepdims=True)
    colsum = jnp.sum(jnp.where(colm, confb, z), axis=1, keepdims=True)
    tp = jnp.sum(jnp.where(tpm, confb, z), axis=1, keepdims=True)
    denom = rowsum + colsum - tp
    present = denom > 0.0
    iou = jnp.where(present, tp / jnp.where(present, denom, 1.0), 0.0)
    miou = jnp.sum(iou) / jnp.sum(present.astype(jnp.float32))
    o_ref[0, 0] = miou


def _stage1(preds, gts, b0, nb):
    return pl.pallas_call(
        _argmax_body,
        grid=(nb, H // BH),
        in_specs=[
            pl.BlockSpec((1, N, BH, W), lambda b, h: (b + b0, 0, h, 0)),
            pl.BlockSpec((1, BH, W), lambda b, h: (b + b0, h, 0)),
        ],
        out_specs=pl.BlockSpec((BH, W), lambda b, h: (b * (H // BH) + h, 0)),
        out_shape=jax.ShapeDtypeStruct((nb * H, W), jnp.int32),
    )(preds, gts)


def _stage2(idx):
    rows = idx.shape[0] // NW
    mesh = plsc.VectorSubcoreMesh(core_axis_name="c", subcore_axis_name="s")
    return pl.kernel(
        _hist_body,
        out_type=jax.ShapeDtypeStruct((NW, PADB), jnp.float32),
        mesh=mesh,
        scratch_types=[
            pltpu.VMEM((rows, W), jnp.int32),
            pltpu.VMEM((VLEN * PADB,), jnp.float32),
            pltpu.VMEM((PADB,), jnp.float32),
        ],
        compiler_params=pltpu.CompilerParams(
            needs_layout_passes=False, use_tc_tiling_on_sc=True),
    )(idx)


def _iou_multi_body(*refs):
    o_ref = refs[-1]
    conf = jnp.sum(refs[0][...], axis=0, keepdims=True)
    for r in refs[1:-1]:
        conf = conf + jnp.sum(r[...], axis=0, keepdims=True)
    _iou_from_conf(conf, o_ref)


def _stage3(parts):
    return pl.pallas_call(
        _iou_multi_body,
        out_shape=jax.ShapeDtypeStruct((1, 1), jnp.float32),
        out_specs=pl.BlockSpec(memory_space=pltpu.SMEM),
    )(*parts)


SPLITS = (6, 2)


def kernel(preds, gts):
    gi = gts.astype(jnp.int32)
    parts = []
    b0 = 0
    for nb in SPLITS:
        idx = _stage1(preds, gi, b0, nb)
        parts.append(_stage2(idx))
        b0 += nb
    res = _stage3(parts)
    return res[0, 0]

# --- scband reference (transcript-rebuilt; emitter-appended) ---
"""Pipeline reference for scband-io-u-4337916969058 (READ-ONLY COPY).

The authoritative reference and input builder live on the scoring server;
editing this copy changes nothing except your own understanding.
"""

import jax, jax.numpy as jnp
import numpy as np

N_CATEGORIES = 21

def setup_inputs(seed: int = 0):
    key = jax.random.key(seed)
    k1, k2 = jax.random.split(key)
    preds = jax.random.normal(k1, (8, N_CATEGORIES, 512, 512), dtype=jnp.float32)
    gts = jax.random.randint(k2, (8, 512, 512), 0, N_CATEGORIES)
    return {"preds": preds, "gts": gts}

def reference(preds, gts):
    # Faithful translation of IoU metric: add(preds, gts) builds a confusion
    # matrix via histogram binning, value() returns (per-class IoU, mean IoU);
    # forward returns value()[1] == mean IoU.
    n = N_CATEGORIES
    # preds is (N, K, H, W) class scores -> argmax over channel dim to labels
    pred_labels = jnp.argmax(preds, axis=1)
    idx = gts.reshape(-1) * n + pred_labels.reshape(-1)
    conf = jnp.bincount(idx, length=n * n).reshape(n, n).astype(jnp.float32)
    true_positive = jnp.diag(conf)
    false_positive = jnp.sum(conf, axis=0) - true_positive
    false_negative = jnp.sum(conf, axis=1) - true_positive
    iou = true_positive / (true_positive + false_positive + false_negative)
    miou = jnp.nanmean(iou)
    return miou

if __name__ == "__main__":
    import jax
    _d = setup_inputs()
    print(jax.jit(kernel)(*tuple(_d.values())))

</pallas_src>

<mosaic_0001>
#map = affine_map<(d0, d1) -> (0, 0)>
module attributes {stable_mosaic.version = 14 : i64} {
  func.func @_hist_body(%arg0: i32, %arg1: i32, %arg2: memref<1024x512xi32, #tpu.memory_space<hbm>>, %arg3: memref<32x512xf32, #tpu.memory_space<hbm>>, %arg4: memref<32x512xi32, #tpu.memory_space<vmem>>, %arg5: memref<8192xf32, #tpu.memory_space<vmem>>, %arg6: memref<512xf32, #tpu.memory_space<vmem>>) attributes {dimension_semantics = [#tpu.dimension_semantics<core_parallel>, #tpu.dimension_semantics<subcore_parallel>], iteration_bounds = array<i64: 2, 16>, scalar_prefetch = 0 : i64, scratch_operands = 3 : i64, tpu.core_type = #tpu.core_type<sc_vector_subcore>, window_params = [{transform_indices = #map}, {transform_indices = #map}]} {
    %mul3A = arith.constant 16 : i32
    %mul3A_0 = arith.muli %arg0, %mul3A : i32
    %add3A = arith.addi %mul3A_0, %arg1 : i32
    %parallel_loop3A = arith.constant 0 : i32
    %parallel_loop3A_1 = arith.constant 8192 : i32
    %parallel_loop3A_2 = arith.constant 16 : i32
    scf.for %parallel_loop3A_15 = %parallel_loop3A to %parallel_loop3A_1 step %parallel_loop3A_2  : i32 {
      %parallel_loop3A_16 = arith.constant 0.000000e+00 : f32
      %parallel_loop3A_17 = vector.broadcast %parallel_loop3A_16 : f32 to vector<16xf32>
      %parallel_loop3A_18 = arith.index_cast %parallel_loop3A_15 : i32 to index
      %parallel_loop3A_19 = tpu.vector_load %arg5[%parallel_loop3A_18] {strides = array<i32>} : memref<8192xf32, #tpu.memory_space<vmem>>, vector<16xf32>,
      tpu.vector_store %arg5[%parallel_loop3A_18], %parallel_loop3A_17 {strides = array<i32>} : memref<8192xf32, #tpu.memory_space<vmem>>, vector<16xf32>,
    } {sc.loop_unroll_factor = 8 : i64, sc.parallel_access}
    %mul3A_3 = arith.constant 32 : i32
    %mul3A_4 = arith.muli %add3A, %mul3A_3 : i32
    "tpu.region"() ({
      %run_scoped3A = tpu.sem_alloc : memref<!tpu.dma_semaphore, #tpu.memory_space<semaphore_mem>>
      %dma_start3A = arith.constant 0 : i32
      %dma_start3A_15 = tpu.memref_slice %arg2[%mul3A_4, %dma_start3A] : memref<1024x512xi32, #tpu.memory_space<hbm>> -> memref<32x512xi32, #tpu.memory_space<hbm>>
      %dma_start3A_16 = arith.constant 0 : i32
      %dma_start3A_17 = tpu.memref_slice %arg2[%mul3A_4, %dma_start3A_16] : memref<1024x512xi32, #tpu.memory_space<hbm>> -> memref<32x512xi32, #tpu.memory_space<hbm>>
      tpu.enqueue_dma source(%dma_start3A_17 : memref<32x512xi32, #tpu.memory_space<hbm>>) target(%arg4 : memref<32x512xi32, #tpu.memory_space<vmem>>) target_semaphore(%run_scoped3A : memref<!tpu.dma_semaphore, #tpu.memory_space<semaphore_mem>>)
      %dma_wait3A = arith.constant 0 : i32
      %dma_wait3A_18 = tpu.memref_slice %arg2[%mul3A_4, %dma_wait3A] : memref<1024x512xi32, #tpu.memory_space<hbm>> -> memref<32x512xi32, #tpu.memory_space<hbm>>
      %dma_wait3A_19 = arith.constant 0 : i32
      %dma_wait3A_20 = tpu.memref_slice %arg2[%mul3A_4, %dma_wait3A_19] : memref<1024x512xi32, #tpu.memory_space<hbm>> -> memref<32x512xi32, #tpu.memory_space<hbm>>
      tpu.wait_dma2 semaphore(%run_scoped3A : memref<!tpu.dma_semaphore, #tpu.memory_space<semaphore_mem>>) src(%dma_wait3A_20 : memref<32x512xi32, #tpu.memory_space<hbm>>) dst(%arg4 : memref<32x512xi32, #tpu.memory_space<vmem>>)
      tpu.yield
    }) : () -> ()
    %iota3A = tpu.iota {dimensions = array<i32: 0>} : vector<16xi32>
    %mul3A_5 = arith.constant 512 : i32
    %mul3A_6 = vector.broadcast %mul3A_5 : i32 to vector<16xi32>
    %mul3A_7 = arith.muli %iota3A, %mul3A_6 : vector<16xi32>
    %broadcast_in_dim3A = arith.constant 1.000000e+00 : f32
    %broadcast_in_dim3A_8 = vector.broadcast %broadcast_in_dim3A : f32 to vector<16xf32>
    %parallel_loop3A_9 = arith.constant 0 : i32
    %parallel_loop3A_10 = arith.constant 32 : i32
    %parallel_loop3A_11 = arith.constant 1 : i32
    scf.for %parallel_loop3A_15 = %parallel_loop3A_9 to %parallel_loop3A_10 step %parallel_loop3A_11  : i32 {
      %parallel_loop3A_16 = arith.index_cast %parallel_loop3A_15 : i32 to index
      %parallel_loop3A_17 = arith.constant 0 : index
      %parallel_loop3A_18 = tpu.vector_load %arg4[%parallel_loop3A_16, %parallel_loop3A_17] {strides = array<i32>} : memref<32x512xi32, #tpu.memory_space<vmem>>, vector<16xi32>,
      %parallel_loop3A_19 = arith.addi %mul3A_7, %parallel_loop3A_18 : vector<16xi32>
      tpu.vector_store_idx %arg5[%parallel_loop3A_19], %broadcast_in_dim3A_8 {add = true} : memref<8192xf32, #tpu.memory_space<vmem>>[vector<16xi32>], vector<16xf32>,
      %parallel_loop3A_20 = arith.index_cast %parallel_loop3A_15 : i32 to index
      %parallel_loop3A_21 = arith.constant 16 : index
      %parallel_loop3A_22 = tpu.vector_load %arg4[%parallel_loop3A_20, %parallel_loop3A_21] {strides = array<i32>} : memref<32x512xi32, #tpu.memory_space<vmem>>, vector<16xi32>,
      %parallel_loop3A_23 = arith.addi %mul3A_7, %parallel_loop3A_22 : vector<16xi32>
      tpu.vector_store_idx %arg5[%parallel_loop3A_23], %broadcast_in_dim3A_8 {add = true} : memref<8192xf32, #tpu.memory_space<vmem>>[vector<16xi32>], vector<16xf32>,
      %parallel_loop3A_24 = arith.index_cast %parallel_loop3A_15 : i32 to index
      %parallel_loop3A_25 = arith.constant 32 : index
      %parallel_loop3A_26 = tpu.vector_load %arg4[%parallel_loop3A_24, %parallel_loop3A_25] {strides = array<i32>} : memref<32x512xi32, #tpu.memory_space<vmem>>, vector<16xi32>,
      %parallel_loop3A_27 = arith.addi %mul3A_7, %parallel_loop3A_26 : vector<16xi32>
      tpu.vector_store_idx %arg5[%parallel_loop3A_27], %broadcast_in_dim3A_8 {add = true} : memref<8192xf32, #tpu.memory_space<vmem>>[vector<16xi32>], vector<16xf32>,
      %parallel_loop3A_28 = arith.index_cast %parallel_loop3A_15 : i32 to index
      %parallel_loop3A_29 = arith.constant 48 : index
      %parallel_loop3A_30 = tpu.vector_load %arg4[%parallel_loop3A_28, %parallel_loop3A_29] {strides = array<i32>} : memref<32x512xi32, #tpu.memory_space<vmem>>, vector<16xi32>,
      %parallel_loop3A_31 = arith.addi %mul3A_7, %parallel_loop3A_30 : vector<16xi32>
      tpu.vector_store_idx %arg5[%parallel_loop3A_31], %broadcast_in_dim3A_8 {add = true} : memref<8192xf32, #tpu.memory_space<vmem>>[vector<16xi32>], vector<16xf32>,
      %parallel_loop3A_32 = arith.index_cast %parallel_loop3A_15 : i32 to index
      %parallel_loop3A_33 = arith.constant 64 : index
      %parallel_loop3A_34 = tpu.vector_load %arg4[%parallel_loop3A_32, %parallel_loop3A_33] {strides = array<i32>} : memref<32x512xi32, #tpu.memory_space<vmem>>, vector<16xi32>,
      %parallel_loop3A_35 = arith.addi %mul3A_7, %parallel_loop3A_34 : vector<16xi32>
      tpu.vector_store_idx %arg5[%parallel_loop3A_35], %broadcast_in_dim3A_8 {add = true} : memref<8192xf32, #tpu.memory_space<vmem>>[vector<16xi32>], vector<16xf32>,
      %parallel_loop3A_36 = arith.index_cast %parallel_loop3A_15 : i32 to index
      %parallel_loop3A_37 = arith.constant 80 : index
      %parallel_loop3A_38 = tpu.vector_load %arg4[%parallel_loop3A_36, %parallel_loop3A_37] {strides = array<i32>} : memref<32x512xi32, #tpu.memory_space<vmem>>, vector<16xi32>,
      %parallel_loop3A_39 = arith.addi %mul3A_7, %parallel_loop3A_38 : vector<16xi32>
      tpu.vector_store_idx %arg5[%parallel_loop3A_39], %broadcast_in_dim3A_8 {add = true} : memref<8192xf32, #tpu.memory_space<vmem>>[vector<16xi32>], vector<16xf32>,
      %parallel_loop3A_40 = arith.index_cast %parallel_loop3A_15 : i32 to index
      %parallel_loop3A_41 = arith.constant 96 : index
      %parallel_loop3A_42 = tpu.vector_load %arg4[%parallel_loop3A_40, %parallel_loop3A_41] {strides = array<i32>} : memref<32x512xi32, #tpu.memory_space<vmem>>, vector<16xi32>,
      %parallel_loop3A_43 = arith.addi %mul3A_7, %parallel_loop3A_42 : vector<16xi32>
      tpu.vector_store_idx %arg5[%parallel_loop3A_43], %broadcast_in_dim3A_8 {add = true} : memref<8192xf32, #tpu.memory_space<vmem>>[vector<16xi32>], vector<16xf32>,
      %parallel_loop3A_44 = arith.index_cast %parallel_loop3A_15 : i32 to index
      %parallel_loop3A_45 = arith.constant 112 : index
      %parallel_loop3A_46 = tpu.vector_load %arg4[%parallel_loop3A_44, %parallel_loop3A_45] {strides = array<i32>} : memref<32x512xi32, #tpu.memory_space<vmem>>, vector<16xi32>,
      %parallel_loop3A_47 = arith.addi %mul3A_7, %parallel_loop3A_46 : vector<16xi32>
      tpu.vector_store_idx %arg5[%parallel_loop3A_47], %broadcast_in_dim3A_8 {add = true} : memref<8192xf32, #tpu.memory_space<vmem>>[vector<16xi32>], vector<16xf32>,
      %parallel_loop3A_48 = arith.index_cast %parallel_loop3A_15 : i32 to index
      %parallel_loop3A_49 = arith.constant 128 : index
      %parallel_loop3A_50 = tpu.vector_load %arg4[%parallel_loop3A_48, %parallel_loop3A_49] {strides = array<i32>} : memref<32x512xi32, #tpu.memory_space<vmem>>, vector<16xi32>,
      %parallel_loop3A_51 = arith.addi %mul3A_7, %parallel_loop3A_50 : vector<16xi32>
      tpu.vector_store_idx %arg5[%parallel_loop3A_51], %broadcast_in_dim3A_8 {add = true} : memref<8192xf32, #tpu.memory_space<vmem>>[vector<16xi32>], vector<16xf32>,
      %parallel_loop3A_52 = arith.index_cast %parallel_loop3A_15 : i32 to index
      %parallel_loop3A_53 = arith.constant 144 : index
      %parallel_loop3A_54 = tpu.vector_load %arg4[%parallel_loop3A_52, %parallel_loop3A_53] {strides = array<i32>} : memref<32x512xi32, #tpu.memory_space<vmem>>, vector<16xi32>,
      %parallel_loop3A_55 = arith.addi %mul3A_7, %parallel_loop3A_54 : vector<16xi32>
      tpu.vector_store_idx %arg5[%parallel_loop3A_55], %broadcast_in_dim3A_8 {add = true} : memref<8192xf32, #tpu.memory_space<vmem>>[vector<16xi32>], vector<16xf32>,
      %parallel_loop3A_56 = arith.index_cast %parallel_loop3A_15 : i32 to index
      %parallel_loop3A_57 = arith.constant 160 : index
      %parallel_loop3A_58 = tpu.vector_load %arg4[%parallel_loop3A_56, %parallel_loop3A_57] {strides = array<i32>} : memref<32x512xi32, #tpu.memory_space<vmem>>, vector<16xi32>,
      %parallel_loop3A_59 = arith.addi %mul3A_7, %parallel_loop3A_58 : vector<16xi32>
      tpu.vector_store_idx %arg5[%parallel_loop3A_59], %broadcast_in_dim3A_8 {add = true} : memref<8192xf32, #tpu.memory_space<vmem>>[vector<16xi32>], vector<16xf32>,
      %parallel_loop3A_60 = arith.index_cast %parallel_loop3A_15 : i32 to index
      %parallel_loop3A_61 = arith.constant 176 : index
      %parallel_loop3A_62 = tpu.vector_load %arg4[%parallel_loop3A_60, %parallel_loop3A_61] {strides = array<i32>} : memref<32x512xi32, #tpu.memory_space<vmem>>, vector<16xi32>,
      %parallel_loop3A_63 = arith.addi %mul3A_7, %parallel_loop3A_62 : vector<16xi32>
      tpu.vector_store_idx %arg5[%parallel_loop3A_63], %broadcast_in_dim3A_8 {add = true} : memref<8192xf32, #tpu.memory_space<vmem>>[vector<16xi32>], vector<16xf32>,
      %parallel_loop3A_64 = arith.index_cast %parallel_loop3A_15 : i32 to index
      %parallel_loop3A_65 = arith.constant 192 : index
      %parallel_loop3A_66 = tpu.vector_load %arg4[%parallel_loop3A_64, %parallel_loop3A_65] {strides = array<i32>} : memref<32x512xi32, #tpu.memory_space<vmem>>, vector<16xi32>,
      %parallel_loop3A_67 = arith.addi %mul3A_7, %parallel_loop3A_66 : vector<16xi32>
      tpu.vector_store_idx %arg5[%parallel_loop3A_67], %broadcast_in_dim3A_8 {add = true} : memref<8192xf32, #tpu.memory_space<vmem>>[vector<16xi32>], vector<16xf32>,
      %parallel_loop3A_68 = arith.index_cast %parallel_loop3A_15 : i32 to index
      %parallel_loop3A_69 = arith.constant 208 : index
      %parallel_loop3A_70 = tpu.vector_load %arg4[%parallel_loop3A_68, %parallel_loop3A_69] {strides = array<i32>} : memref<32x512xi32, #tpu.memory_space<vmem>>, vector<16xi32>,
      %parallel_loop3A_71 = arith.addi %mul3A_7, %parallel_loop3A_70 : vector<16xi32>
      tpu.vector_store_idx %arg5[%parallel_loop3A_71], %broadcast_in_dim3A_8 {add = true} : memref<8192xf32, #tpu.memory_space<vmem>>[vector<16xi32>], vector<16xf32>,
      %parallel_loop3A_72 = arith.index_cast %parallel_loop3A_15 : i32 to index
      %parallel_loop3A_73 = arith.constant 224 : index
      %parallel_loop3A_74 = tpu.vector_load %arg4[%parallel_loop3A_72, %parallel_loop3A_73] {strides = array<i32>} : memref<32x512xi32, #tpu.memory_space<vmem>>, vector<16xi32>,
      %parallel_loop3A_75 = arith.addi %mul3A_7, %parallel_loop3A_74 : vector<16xi32>
      tpu.vector_store_idx %arg5[%parallel_loop3A_75], %broadcast_in_dim3A_8 {add = true} : memref<8192xf32, #tpu.memory_space<vmem>>[vector<16xi32>], vector<16xf32>,
      %parallel_loop3A_76 = arith.index_cast %parallel_loop3A_15 : i32 to index
      %parallel_loop3A_77 = arith.constant 240 : index
      %parallel_loop3A_78 = tpu.vector_load %arg4[%parallel_loop3A_76, %parallel_loop3A_77] {strides = array<i32>} : memref<32x512xi32, #tpu.memory_space<vmem>>, vector<16xi32>,
      %parallel_loop3A_79 = arith.addi %mul3A_7, %parallel_loop3A_78 : vector<16xi32>
      tpu.vector_store_idx %arg5[%parallel_loop3A_79], %broadcast_in_dim3A_8 {add = true} : memref<8192xf32, #tpu.memory_space<vmem>>[vector<16xi32>], vector<16xf32>,
      %parallel_loop3A_80 = arith.index_cast %parallel_loop3A_15 : i32 to index
      %parallel_loop3A_81 = arith.constant 256 : index
      %parallel_loop3A_82 = tpu.vector_load %arg4[%parallel_loop3A_80, %parallel_loop3A_81] {strides = array<i32>} : memref<32x512xi32, #tpu.memory_space<vmem>>, vector<16xi32>,
      %parallel_loop3A_83 = arith.addi %mul3A_7, %parallel_loop3A_82 : vector<16xi32>
      tpu.vector_store_idx %arg5[%parallel_loop3A_83], %broadcast_in_dim3A_8 {add = true} : memref<8192xf32, #tpu.memory_space<vmem>>[vector<16xi32>], vector<16xf32>,
      %parallel_loop3A_84 = arith.index_cast %parallel_loop3A_15 : i32 to index
      %parallel_loop3A_85 = arith.constant 272 : index
      %parallel_loop3A_86 = tpu.vector_load %arg4[%parallel_loop3A_84, %parallel_loop3A_85] {strides = array<i32>} : memref<32x512xi32, #tpu.memory_space<vmem>>, vector<16xi32>,
      %parallel_loop3A_87 = arith.addi %mul3A_7, %parallel_loop3A_86 : vector<16xi32>
      tpu.vector_store_idx %arg5[%parallel_loop3A_87], %broadcast_in_dim3A_8 {add = true} : memref<8192xf32, #tpu.memory_space<vmem>>[vector<16xi32>], vector<16xf32>,
      %parallel_loop3A_88 = arith.index_cast %parallel_loop3A_15 : i32 to index
      %parallel_loop3A_89 = arith.constant 288 : index
      %parallel_loop3A_90 = tpu.vector_load %arg4[%parallel_loop3A_88, %parallel_loop3A_89] {strides = array<i32>} : memref<32x512xi32, #tpu.memory_space<vmem>>, vector<16xi32>,
      %parallel_loop3A_91 = arith.addi %mul3A_7, %parallel_loop3A_90 : vector<16xi32>
      tpu.vector_store_idx %arg5[%parallel_loop3A_91], %broadcast_in_dim3A_8 {add = true} : memref<8192xf32, #tpu.memory_space<vmem>>[vector<16xi32>], vector<16xf32>,
      %parallel_loop3A_92 = arith.index_cast %parallel_loop3A_15 : i32 to index
      %parallel_loop3A_93 = arith.constant 304 : index
      %parallel_loop3A_94 = tpu.vector_load %arg4[%parallel_loop3A_92, %parallel_loop3A_93] {strides = array<i32>} : memref<32x512xi32, #tpu.memory_space<vmem>>, vector<16xi32>,
      %parallel_loop3A_95 = arith.addi %mul3A_7, %parallel_loop3A_94 : vector<16xi32>
      tpu.vector_store_idx %arg5[%parallel_loop3A_95], %broadcast_in_dim3A_8 {add = true} : memref<8192xf32, #tpu.memory_space<vmem>>[vector<16xi32>], vector<16xf32>,
      %parallel_loop3A_96 = arith.index_cast %parallel_loop3A_15 : i32 to index
      %parallel_loop3A_97 = arith.constant 320 : index
      %parallel_loop3A_98 = tpu.vector_load %arg4[%parallel_loop3A_96, %parallel_loop3A_97] {strides = array<i32>} : memref<32x512xi32, #tpu.memory_space<vmem>>, vector<16xi32>,
      %parallel_loop3A_99 = arith.addi %mul3A_7, %parallel_loop3A_98 : vector<16xi32>
      tpu.vector_store_idx %arg5[%parallel_loop3A_99], %broadcast_in_dim3A_8 {add = true} : memref<8192xf32, #tpu.memory_space<vmem>>[vector<16xi32>], vector<16xf32>,
      %parallel_loop3A_100 = arith.index_cast %parallel_loop3A_15 : i32 to index
      %parallel_loop3A_101 = arith.constant 336 : index
      %parallel_loop3A_102 = tpu.vector_load %arg4[%parallel_loop3A_100, %parallel_loop3A_101] {strides = array<i32>} : memref<32x512xi32, #tpu.memory_space<vmem>>, vector<16xi32>,
      %parallel_loop3A_103 = arith.addi %mul3A_7, %parallel_loop3A_102 : vector<16xi32>
      tpu.vector_store_idx %arg5[%parallel_loop3A_103], %broadcast_in_dim3A_8 {add = true} : memref<8192xf32, #tpu.memory_space<vmem>>[vector<16xi32>], vector<16xf32>,
      %parallel_loop3A_104 = arith.index_cast %parallel_loop3A_15 : i32 to index
      %parallel_loop3A_105 = arith.constant 352 : index
      %parallel_loop3A_106 = tpu.vector_load %arg4[%parallel_loop3A_104, %parallel_loop3A_105] {strides = array<i32>} : memref<32x512xi32, #tpu.memory_space<vmem>>, vector<16xi32>,
      %parallel_loop3A_107 = arith.addi %mul3A_7, %parallel_loop3A_106 : vector<16xi32>
      tpu.vector_store_idx %arg5[%parallel_loop3A_107], %broadcast_in_dim3A_8 {add = true} : memref<8192xf32, #tpu.memory_space<vmem>>[vector<16xi32>], vector<16xf32>,
      %parallel_loop3A_108 = arith.index_cast %parallel_loop3A_15 : i32 to index
      %parallel_loop3A_109 = arith.constant 368 : index
      %parallel_loop3A_110 = tpu.vector_load %arg4[%parallel_loop3A_108, %parallel_loop3A_109] {strides = array<i32>} : memref<32x512xi32, #tpu.memory_space<vmem>>, vector<16xi32>,
      %parallel_loop3A_111 = arith.addi %mul3A_7, %parallel_loop3A_110 : vector<16xi32>
      tpu.vector_store_idx %arg5[%parallel_loop3A_111], %broadcast_in_dim3A_8 {add = true} : memref<8192xf32, #tpu.memory_space<vmem>>[vector<16xi32>], vector<16xf32>,
      %parallel_loop3A_112 = arith.index_cast %parallel_loop3A_15 : i32 to index
      %parallel_loop3A_113 = arith.constant 384 : index
      %parallel_loop3A_114 = tpu.vector_load %arg4[%parallel_loop3A_112, %parallel_loop3A_113] {strides = array<i32>} : memref<32x512xi32, #tpu.memory_space<vmem>>, vector<16xi32>,
      %parallel_loop3A_115 = arith.addi %mul3A_7, %parallel_loop3A_114 : vector<16xi32>
      tpu.vector_store_idx %arg5[%parallel_loop3A_115], %broadcast_in_dim3A_8 {add = true} : memref<8192xf32, #tpu.memory_space<vmem>>[vector<16xi32>], vector<16xf32>,
      %parallel_loop3A_116 = arith.index_cast %parallel_loop3A_15 : i32 to index
      %parallel_loop3A_117 = arith.constant 400 : index
      %parallel_loop3A_118 = tpu.vector_load %arg4[%parallel_loop3A_116, %parallel_loop3A_117] {strides = array<i32>} : memref<32x512xi32, #tpu.memory_space<vmem>>, vector<16xi32>,
      %parallel_loop3A_119 = arith.addi %mul3A_7, %parallel_loop3A_118 : vector<16xi32>
      tpu.vector_store_idx %arg5[%parallel_loop3A_119], %broadcast_in_dim3A_8 {add = true} : memref<8192xf32, #tpu.memory_space<vmem>>[vector<16xi32>], vector<16xf32>,
      %parallel_loop3A_120 = arith.index_cast %parallel_loop3A_15 : i32 to index
      %parallel_loop3A_121 = arith.constant 416 : index
      %parallel_loop3A_122 = tpu.vector_load %arg4[%parallel_loop3A_120, %parallel_loop3A_121] {strides = array<i32>} : memref<32x512xi32, #tpu.memory_space<vmem>>, vector<16xi32>,
      %parallel_loop3A_123 = arith.addi %mul3A_7, %parallel_loop3A_122 : vector<16xi32>
      tpu.vector_store_idx %arg5[%parallel_loop3A_123], %broadcast_in_dim3A_8 {add = true} : memref<8192xf32, #tpu.memory_space<vmem>>[vector<16xi32>], vector<16xf32>,
      %parallel_loop3A_124 = arith.index_cast %parallel_loop3A_15 : i32 to index
      %parallel_loop3A_125 = arith.constant 432 : index
      %parallel_loop3A_126 = tpu.vector_load %arg4[%parallel_loop3A_124, %parallel_loop3A_125] {strides = array<i32>} : memref<32x512xi32, #tpu.memory_space<vmem>>, vector<16xi32>,
      %parallel_loop3A_127 = arith.addi %mul3A_7, %parallel_loop3A_126 : vector<16xi32>
      tpu.vector_store_idx %arg5[%parallel_loop3A_127], %broadcast_in_dim3A_8 {add = true} : memref<8192xf32, #tpu.memory_space<vmem>>[vector<16xi32>], vector<16xf32>,
      %parallel_loop3A_128 = arith.index_cast %parallel_loop3A_15 : i32 to index
      %parallel_loop3A_129 = arith.constant 448 : index
      %parallel_loop3A_130 = tpu.vector_load %arg4[%parallel_loop3A_128, %parallel_loop3A_129] {strides = array<i32>} : memref<32x512xi32, #tpu.memory_space<vmem>>, vector<16xi32>,
      %parallel_loop3A_131 = arith.addi %mul3A_7, %parallel_loop3A_130 : vector<16xi32>
      tpu.vector_store_idx %arg5[%parallel_loop3A_131], %broadcast_in_dim3A_8 {add = true} : memref<8192xf32, #tpu.memory_space<vmem>>[vector<16xi32>], vector<16xf32>,
      %parallel_loop3A_132 = arith.index_cast %parallel_loop3A_15 : i32 to index
      %parallel_loop3A_133 = arith.constant 464 : index
      %parallel_loop3A_134 = tpu.vector_load %arg4[%parallel_loop3A_132, %parallel_loop3A_133] {strides = array<i32>} : memref<32x512xi32, #tpu.memory_space<vmem>>, vector<16xi32>,
      %parallel_loop3A_135 = arith.addi %mul3A_7, %parallel_loop3A_134 : vector<16xi32>
      tpu.vector_store_idx %arg5[%parallel_loop3A_135], %broadcast_in_dim3A_8 {add = true} : memref<8192xf32, #tpu.memory_space<vmem>>[vector<16xi32>], vector<16xf32>,
      %parallel_loop3A_136 = arith.index_cast %parallel_loop3A_15 : i32 to index
      %parallel_loop3A_137 = arith.constant 480 : index
      %parallel_loop3A_138 = tpu.vector_load %arg4[%parallel_loop3A_136, %parallel_loop3A_137] {strides = array<i32>} : memref<32x512xi32, #tpu.memory_space<vmem>>, vector<16xi32>,
      %parallel_loop3A_139 = arith.addi %mul3A_7, %parallel_loop3A_138 : vector<16xi32>
      tpu.vector_store_idx %arg5[%parallel_loop3A_139], %broadcast_in_dim3A_8 {add = true} : memref<8192xf32, #tpu.memory_space<vmem>>[vector<16xi32>], vector<16xf32>,
      %parallel_loop3A_140 = arith.index_cast %parallel_loop3A_15 : i32 to index
      %parallel_loop3A_141 = arith.constant 496 : index
      %parallel_loop3A_142 = tpu.vector_load %arg4[%parallel_loop3A_140, %parallel_loop3A_141] {strides = array<i32>} : memref<32x512xi32, #tpu.memory_space<vmem>>, vector<16xi32>,
      %parallel_loop3A_143 = arith.addi %mul3A_7, %parallel_loop3A_142 : vector<16xi32>
      tpu.vector_store_idx %arg5[%parallel_loop3A_143], %broadcast_in_dim3A_8 {add = true} : memref<8192xf32, #tpu.memory_space<vmem>>[vector<16xi32>], vector<16xf32>,
    } {sc.loop_unroll_factor = 4 : i64, sc.parallel_access}
    %parallel_loop3A_12 = arith.constant 0 : i32
    %parallel_loop3A_13 = arith.constant 512 : i32
    %parallel_loop3A_14 = arith.constant 16 : i32
    scf.for %parallel_loop3A_15 = %parallel_loop3A_12 to %parallel_loop3A_13 step %parallel_loop3A_14  : i32 {
      %parallel_loop3A_16 = arith.index_cast %parallel_loop3A_15 : i32 to index
      %parallel_loop3A_17 = tpu.vector_load %arg5[%parallel_loop3A_16] {strides = array<i32>} : memref<8192xf32, #tpu.memory_space<vmem>>, vector<16xf32>,
      %parallel_loop3A_18 = arith.constant 512 : i32
      %parallel_loop3A_19 = arith.addi %parallel_loop3A_18, %parallel_loop3A_15 : i32
      %parallel_loop3A_20 = arith.index_cast %parallel_loop3A_19 : i32 to index
      %parallel_loop3A_21 = tpu.vector_load %arg5[%parallel_loop3A_20] {strides = array<i32>} : memref<8192xf32, #tpu.memory_space<vmem>>, vector<16xf32>,
      %parallel_loop3A_22 = arith.addf %parallel_loop3A_17, %parallel_loop3A_21 : vector<16xf32>
      %parallel_loop3A_23 = arith.constant 1024 : i32
      %parallel_loop3A_24 = arith.addi %parallel_loop3A_23, %parallel_loop3A_15 : i32
      %parallel_loop3A_25 = arith.index_cast %parallel_loop3A_24 : i32 to index
      %parallel_loop3A_26 = tpu.vector_load %arg5[%parallel_loop3A_25] {strides = array<i32>} : memref<8192xf32, #tpu.memory_space<vmem>>, vector<16xf32>,
      %parallel_loop3A_27 = arith.addf %parallel_loop3A_22, %parallel_loop3A_26 : vector<16xf32>
      %parallel_loop3A_28 = arith.constant 1536 : i32
      %parallel_loop3A_29 = arith.addi %parallel_loop3A_28, %parallel_loop3A_15 : i32
      %parallel_loop3A_30 = arith.index_cast %parallel_loop3A_29 : i32 to index
      %parallel_loop3A_31 = tpu.vector_load %arg5[%parallel_loop3A_30] {strides = array<i32>} : memref<8192xf32, #tpu.memory_space<vmem>>, vector<16xf32>,
      %parallel_loop3A_32 = arith.addf %parallel_loop3A_27, %parallel_loop3A_31 : vector<16xf32>
      %parallel_loop3A_33 = arith.constant 2048 : i32
      %parallel_loop3A_34 = arith.addi %parallel_loop3A_33, %parallel_loop3A_15 : i32
      %parallel_loop3A_35 = arith.index_cast %parallel_loop3A_34 : i32 to index
      %parallel_loop3A_36 = tpu.vector_load %arg5[%parallel_loop3A_35] {strides = array<i32>} : memref<8192xf32, #tpu.memory_space<vmem>>, vector<16xf32>,
      %parallel_loop3A_37 = arith.addf %parallel_loop3A_32, %parallel_loop3A_36 : vector<16xf32>
      %parallel_loop3A_38 = arith.constant 2560 : i32
      %parallel_loop3A_39 = arith.addi %parallel_loop3A_38, %parallel_loop3A_15 : i32
      %parallel_loop3A_40 = arith.index_cast %parallel_loop3A_39 : i32 to index
      %parallel_loop3A_41 = tpu.vector_load %arg5[%parallel_loop3A_40] {strides = array<i32>} : memref<8192xf32, #tpu.memory_space<vmem>>, vector<16xf32>,
      %parallel_loop3A_42 = arith.addf %parallel_loop3A_37, %parallel_loop3A_41 : vector<16xf32>
      %parallel_loop3A_43 = arith.constant 3072 : i32
      %parallel_loop3A_44 = arith.addi %parallel_loop3A_43, %parallel_loop3A_15 : i32
      %parallel_loop3A_45 = arith.index_cast %parallel_loop3A_44 : i32 to index
      %parallel_loop3A_46 = tpu.vector_load %arg5[%parallel_loop3A_45] {strides = array<i32>} : memref<8192xf32, #tpu.memory_space<vmem>>, vector<16xf32>,
      %parallel_loop3A_47 = arith.addf %parallel_loop3A_42, %parallel_loop3A_46 : vector<16xf32>
      %parallel_loop3A_48 = arith.constant 3584 : i32
      %parallel_loop3A_49 = arith.addi %parallel_loop3A_48, %parallel_loop3A_15 : i32
      %parallel_loop3A_50 = arith.index_cast %parallel_loop3A_49 : i32 to index
      %parallel_loop3A_51 = tpu.vector_load %arg5[%parallel_loop3A_50] {strides = array<i32>} : memref<8192xf32, #tpu.memory_space<vmem>>, vector<16xf32>,
      %parallel_loop3A_52 = arith.addf %parallel_loop3A_47, %parallel_loop3A_51 : vector<16xf32>
      %parallel_loop3A_53 = arith.constant 4096 : i32
      %parallel_loop3A_54 = arith.addi %parallel_loop3A_53, %parallel_loop3A_15 : i32
      %parallel_loop3A_55 = arith.index_cast %parallel_loop3A_54 : i32 to index
      %parallel_loop3A_56 = tpu.vector_load %arg5[%parallel_loop3A_55] {strides = array<i32>} : memref<8192xf32, #tpu.memory_space<vmem>>, vector<16xf32>,
      %parallel_loop3A_57 = arith.addf %parallel_loop3A_52, %parallel_loop3A_56 : vector<16xf32>
      %parallel_loop3A_58 = arith.constant 4608 : i32
      %parallel_loop3A_59 = arith.addi %parallel_loop3A_58, %parallel_loop3A_15 : i32
      %parallel_loop3A_60 = arith.index_cast %parallel_loop3A_59 : i32 to index
      %parallel_loop3A_61 = tpu.vector_load %arg5[%parallel_loop3A_60] {strides = array<i32>} : memref<8192xf32, #tpu.memory_space<vmem>>, vector<16xf32>,
      %parallel_loop3A_62 = arith.addf %parallel_loop3A_57, %parallel_loop3A_61 : vector<16xf32>
      %parallel_loop3A_63 = arith.constant 5120 : i32
      %parallel_loop3A_64 = arith.addi %parallel_loop3A_63, %parallel_loop3A_15 : i32
      %parallel_loop3A_65 = arith.index_cast %parallel_loop3A_64 : i32 to index
      %parallel_loop3A_66 = tpu.vector_load %arg5[%parallel_loop3A_65] {strides = array<i32>} : memref<8192xf32, #tpu.memory_space<vmem>>, vector<16xf32>,
      %parallel_loop3A_67 = arith.addf %parallel_loop3A_62, %parallel_loop3A_66 : vector<16xf32>
      %parallel_loop3A_68 = arith.constant 5632 : i32
      %parallel_loop3A_69 = arith.addi %parallel_loop3A_68, %parallel_loop3A_15 : i32
      %parallel_loop3A_70 = arith.index_cast %parallel_loop3A_69 : i32 to index
      %parallel_loop3A_71 = tpu.vector_load %arg5[%parallel_loop3A_70] {strides = array<i32>} : memref<8192xf32, #tpu.memory_space<vmem>>, vector<16xf32>,
      %parallel_loop3A_72 = arith.addf %parallel_loop3A_67, %parallel_loop3A_71 : vector<16xf32>
      %parallel_loop3A_73 = arith.constant 6144 : i32
      %parallel_loop3A_74 = arith.addi %parallel_loop3A_73, %parallel_loop3A_15 : i32
      %parallel_loop3A_75 = arith.index_cast %parallel_loop3A_74 : i32 to index
      %parallel_loop3A_76 = tpu.vector_load %arg5[%parallel_loop3A_75] {strides = array<i32>} : memref<8192xf32, #tpu.memory_space<vmem>>, vector<16xf32>,
      %parallel_loop3A_77 = arith.addf %parallel_loop3A_72, %parallel_loop3A_76 : vector<16xf32>
      %parallel_loop3A_78 = arith.constant 6656 : i32
      %parallel_loop3A_79 = arith.addi %parallel_loop3A_78, %parallel_loop3A_15 : i32
      %parallel_loop3A_80 = arith.index_cast %parallel_loop3A_79 : i32 to index
      %parallel_loop3A_81 = tpu.vector_load %arg5[%parallel_loop3A_80] {strides = array<i32>} : memref<8192xf32, #tpu.memory_space<vmem>>, vector<16xf32>,
      %parallel_loop3A_82 = arith.addf %parallel_loop3A_77, %parallel_loop3A_81 : vector<16xf32>
      %parallel_loop3A_83 = arith.constant 7168 : i32
      %parallel_loop3A_84 = arith.addi %parallel_loop3A_83, %parallel_loop3A_15 : i32
      %parallel_loop3A_85 = arith.index_cast %parallel_loop3A_84 : i32 to index
      %parallel_loop3A_86 = tpu.vector_load %arg5[%parallel_loop3A_85] {strides = array<i32>} : memref<8192xf32, #tpu.memory_space<vmem>>, vector<16xf32>,
      %parallel_loop3A_87 = arith.addf %parallel_loop3A_82, %parallel_loop3A_86 : vector<16xf32>
      %parallel_loop3A_88 = arith.constant 7680 : i32
      %parallel_loop3A_89 = arith.addi %parallel_loop3A_88, %parallel_loop3A_15 : i32
      %parallel_loop3A_90 = arith.index_cast %parallel_loop3A_89 : i32 to index
      %parallel_loop3A_91 = tpu.vector_load %arg5[%parallel_loop3A_90] {strides = array<i32>} : memref<8192xf32, #tpu.memory_space<vmem>>, vector<16xf32>,
      %parallel_loop3A_92 = arith.addf %parallel_loop3A_87, %parallel_loop3A_91 : vector<16xf32>
      %parallel_loop3A_93 = arith.index_cast %parallel_loop3A_15 : i32 to index
      %parallel_loop3A_94 = tpu.vector_load %arg6[%parallel_loop3A_93] {strides = array<i32>} : memref<512xf32, #tpu.memory_space<vmem>>, vector<16xf32>,
      tpu.vector_store %arg6[%parallel_loop3A_93], %parallel_loop3A_92 {strides = array<i32>} : memref<512xf32, #tpu.memory_space<vmem>>, vector<16xf32>,
    } {sc.loop_unroll_factor = 2 : i64, sc.parallel_access}
    "tpu.region"() ({
      %run_scoped3A = tpu.sem_alloc : memref<!tpu.dma_semaphore, #tpu.memory_space<semaphore_mem>>
      %dma_start3A = arith.constant 0 : i32
      %dma_start3A_15 = tpu.memref_slice %arg3[%add3A, %dma_start3A] : memref<32x512xf32, #tpu.memory_space<hbm>> -> memref<1x512xf32, #tpu.memory_space<hbm>>
      %dma_start3A_16 = tpu.memref_squeeze %dma_start3A_15 : memref<1x512xf32, #tpu.memory_space<hbm>> -> memref<512xf32, #tpu.memory_space<hbm>>
      %dma_start3A_17 = arith.constant 0 : i32
      %dma_start3A_18 = tpu.memref_slice %arg3[%add3A, %dma_start3A_17] : memref<32x512xf32, #tpu.memory_space<hbm>> -> memref<1x512xf32, #tpu.memory_space<hbm>>
      %dma_start3A_19 = tpu.memref_squeeze %dma_start3A_18 : memref<1x512xf32, #tpu.memory_space<hbm>> -> memref<512xf32, #tpu.memory_space<hbm>>
      tpu.enqueue_dma source(%arg6 : memref<512xf32, #tpu.memory_space<vmem>>) target(%dma_start3A_19 : memref<512xf32, #tpu.memory_space<hbm>>) target_semaphore(%run_scoped3A : memref<!tpu.dma_semaphore, #tpu.memory_space<semaphore_mem>>)
      %dma_wait3A = arith.constant 0 : i32
      %dma_wait3A_20 = tpu.memref_slice %arg3[%add3A, %dma_wait3A] : memref<32x512xf32, #tpu.memory_space<hbm>> -> memref<1x512xf32, #tpu.memory_space<hbm>>
      %dma_wait3A_21 = tpu.memref_squeeze %dma_wait3A_20 : memref<1x512xf32, #tpu.memory_space<hbm>> -> memref<512xf32, #tpu.memory_space<hbm>>
      %dma_wait3A_22 = arith.constant 0 : i32
      %dma_wait3A_23 = tpu.memref_slice %arg3[%add3A, %dma_wait3A_22] : memref<32x512xf32, #tpu.memory_space<hbm>> -> memref<1x512xf32, #tpu.memory_space<hbm>>
      %dma_wait3A_24 = tpu.memref_squeeze %dma_wait3A_23 : memref<1x512xf32, #tpu.memory_space<hbm>> -> memref<512xf32, #tpu.memory_space<hbm>>
      tpu.wait_dma2 semaphore(%run_scoped3A : memref<!tpu.dma_semaphore, #tpu.memory_space<semaphore_mem>>) src(%arg6 : memref<512xf32, #tpu.memory_space<vmem>>) dst(%dma_wait3A_24 : memref<512xf32, #tpu.memory_space<hbm>>)
      tpu.yield
    }) : () -> ()
    return
  }
}

#map = affine_map<(d0, d1) -> (0, 0)>
module attributes {stable_mosaic.version = 14 : i64} {
  func.func @_hist_body(%arg0: i32, %arg1: i32, %arg2: memref<3072x512xi32, #tpu.memory_space<hbm>>, %arg3: memref<32x512xf32, #tpu.memory_space<hbm>>, %arg4: memref<96x512xi32, #tpu.memory_space<vmem>>, %arg5: memref<8192xf32, #tpu.memory_space<vmem>>, %arg6: memref<512xf32, #tpu.memory_space<vmem>>) attributes {dimension_semantics = [#tpu.dimension_semantics<core_parallel>, #tpu.dimension_semantics<subcore_parallel>], iteration_bounds = array<i64: 2, 16>, scalar_prefetch = 0 : i64, scratch_operands = 3 : i64, tpu.core_type = #tpu.core_type<sc_vector_subcore>, window_params = [{transform_indices = #map}, {transform_indices = #map}]} {
    %mul3A = arith.constant 16 : i32
    %mul3A_0 = arith.muli %arg0, %mul3A : i32
    %add3A = arith.addi %mul3A_0, %arg1 : i32
    %parallel_loop3A = arith.constant 0 : i32
    %parallel_loop3A_1 = arith.constant 8192 : i32
    %parallel_loop3A_2 = arith.constant 16 : i32
    scf.for %parallel_loop3A_15 = %parallel_loop3A to %parallel_loop3A_1 step %parallel_loop3A_2  : i32 {
      %parallel_loop3A_16 = arith.constant 0.000000e+00 : f32
      %parallel_loop3A_17 = vector.broadcast %parallel_loop3A_16 : f32 to vector<16xf32>
      %parallel_loop3A_18 = arith.index_cast %parallel_loop3A_15 : i32 to index
      %parallel_loop3A_19 = tpu.vector_load %arg5[%parallel_loop3A_18] {strides = array<i32>} : memref<8192xf32, #tpu.memory_space<vmem>>, vector<16xf32>,
      tpu.vector_store %arg5[%parallel_loop3A_18], %parallel_loop3A_17 {strides = array<i32>} : memref<8192xf32, #tpu.memory_space<vmem>>, vector<16xf32>,
    } {sc.loop_unroll_factor = 8 : i64, sc.parallel_access}
    %mul3A_3 = arith.constant 96 : i32
    %mul3A_4 = arith.muli %add3A, %mul3A_3 : i32
    "tpu.region"() ({
      %run_scoped3A = tpu.sem_alloc : memref<!tpu.dma_semaphore, #tpu.memory_space<semaphore_mem>>
      %dma_start3A = arith.constant 0 : i32
      %dma_start3A_15 = tpu.memref_slice %arg2[%mul3A_4, %dma_start3A] : memref<3072x512xi32, #tpu.memory_space<hbm>> -> memref<96x512xi32, #tpu.memory_space<hbm>>
      %dma_start3A_16 = arith.constant 0 : i32
      %dma_start3A_17 = tpu.memref_slice %arg2[%mul3A_4, %dma_start3A_16] : memref<3072x512xi32, #tpu.memory_space<hbm>> -> memref<96x512xi32, #tpu.memory_space<hbm>>
      tpu.enqueue_dma source(%dma_start3A_17 : memref<96x512xi32, #tpu.memory_space<hbm>>) target(%arg4 : memref<96x512xi32, #tpu.memory_space<vmem>>) target_semaphore(%run_scoped3A : memref<!tpu.dma_semaphore, #tpu.memory_space<semaphore_mem>>)
      %dma_wait3A = arith.constant 0 : i32
      %dma_wait3A_18 = tpu.memref_slice %arg2[%mul3A_4, %dma_wait3A] : memref<3072x512xi32, #tpu.memory_space<hbm>> -> memref<96x512xi32, #tpu.memory_space<hbm>>
      %dma_wait3A_19 = arith.constant 0 : i32
      %dma_wait3A_20 = tpu.memref_slice %arg2[%mul3A_4, %dma_wait3A_19] : memref<3072x512xi32, #tpu.memory_space<hbm>> -> memref<96x512xi32, #tpu.memory_space<hbm>>
      tpu.wait_dma2 semaphore(%run_scoped3A : memref<!tpu.dma_semaphore, #tpu.memory_space<semaphore_mem>>) src(%dma_wait3A_20 : memref<96x512xi32, #tpu.memory_space<hbm>>) dst(%arg4 : memref<96x512xi32, #tpu.memory_space<vmem>>)
      tpu.yield
    }) : () -> ()
    %iota3A = tpu.iota {dimensions = array<i32: 0>} : vector<16xi32>
    %mul3A_5 = arith.constant 512 : i32
    %mul3A_6 = vector.broadcast %mul3A_5 : i32 to vector<16xi32>
    %mul3A_7 = arith.muli %iota3A, %mul3A_6 : vector<16xi32>
    %broadcast_in_dim3A = arith.constant 1.000000e+00 : f32
    %broadcast_in_dim3A_8 = vector.broadcast %broadcast_in_dim3A : f32 to vector<16xf32>
    %parallel_loop3A_9 = arith.constant 0 : i32
    %parallel_loop3A_10 = arith.constant 96 : i32
    %parallel_loop3A_11 = arith.constant 1 : i32
    scf.for %parallel_loop3A_15 = %parallel_loop3A_9 to %parallel_loop3A_10 step %parallel_loop3A_11  : i32 {
      %parallel_loop3A_16 = arith.index_cast %parallel_loop3A_15 : i32 to index
      %parallel_loop3A_17 = arith.constant 0 : index
      %parallel_loop3A_18 = tpu.vector_load %arg4[%parallel_loop3A_16, %parallel_loop3A_17] {strides = array<i32>} : memref<96x512xi32, #tpu.memory_space<vmem>>, vector<16xi32>,
      %parallel_loop3A_19 = arith.addi %mul3A_7, %parallel_loop3A_18 : vector<16xi32>
      tpu.vector_store_idx %arg5[%parallel_loop3A_19], %broadcast_in_dim3A_8 {add = true} : memref<8192xf32, #tpu.memory_space<vmem>>[vector<16xi32>], vector<16xf32>,
      %parallel_loop3A_20 = arith.index_cast %parallel_loop3A_15 : i32 to index
      %parallel_loop3A_21 = arith.constant 16 : index
      %parallel_loop3A_22 = tpu.vector_load %arg4[%parallel_loop3A_20, %parallel_loop3A_21] {strides = array<i32>} : memref<96x512xi32, #tpu.memory_space<vmem>>, vector<16xi32>,
      %parallel_loop3A_23 = arith.addi %mul3A_7, %parallel_loop3A_22 : vector<16xi32>
      tpu.vector_store_idx %arg5[%parallel_loop3A_23], %broadcast_in_dim3A_8 {add = true} : memref<8192xf32, #tpu.memory_space<vmem>>[vector<16xi32>], vector<16xf32>,
      %parallel_loop3A_24 = arith.index_cast %parallel_loop3A_15 : i32 to index
      %parallel_loop3A_25 = arith.constant 32 : index
      %parallel_loop3A_26 = tpu.vector_load %arg4[%parallel_loop3A_24, %parallel_loop3A_25] {strides = array<i32>} : memref<96x512xi32, #tpu.memory_space<vmem>>, vector<16xi32>,
      %parallel_loop3A_27 = arith.addi %mul3A_7, %parallel_loop3A_26 : vector<16xi32>
      tpu.vector_store_idx %arg5[%parallel_loop3A_27], %broadcast_in_dim3A_8 {add = true} : memref<8192xf32, #tpu.memory_space<vmem>>[vector<16xi32>], vector<16xf32>,
      %parallel_loop3A_28 = arith.index_cast %parallel_loop3A_15 : i32 to index
      %parallel_loop3A_29 = arith.constant 48 : index
      %parallel_loop3A_30 = tpu.vector_load %arg4[%parallel_loop3A_28, %parallel_loop3A_29] {strides = array<i32>} : memref<96x512xi32, #tpu.memory_space<vmem>>, vector<16xi32>,
      %parallel_loop3A_31 = arith.addi %mul3A_7, %parallel_loop3A_30 : vector<16xi32>
      tpu.vector_store_idx %arg5[%parallel_loop3A_31], %broadcast_in_dim3A_8 {add = true} : memref<8192xf32, #tpu.memory_space<vmem>>[vector<16xi32>], vector<16xf32>,
      %parallel_loop3A_32 = arith.index_cast %parallel_loop3A_15 : i32 to index
      %parallel_loop3A_33 = arith.constant 64 : index
      %parallel_loop3A_34 = tpu.vector_load %arg4[%parallel_loop3A_32, %parallel_loop3A_33] {strides = array<i32>} : memref<96x512xi32, #tpu.memory_space<vmem>>, vector<16xi32>,
      %parallel_loop3A_35 = arith.addi %mul3A_7, %parallel_loop3A_34 : vector<16xi32>
      tpu.vector_store_idx %arg5[%parallel_loop3A_35], %broadcast_in_dim3A_8 {add = true} : memref<8192xf32, #tpu.memory_space<vmem>>[vector<16xi32>], vector<16xf32>,
      %parallel_loop3A_36 = arith.index_cast %parallel_loop3A_15 : i32 to index
      %parallel_loop3A_37 = arith.constant 80 : index
      %parallel_loop3A_38 = tpu.vector_load %arg4[%parallel_loop3A_36, %parallel_loop3A_37] {strides = array<i32>} : memref<96x512xi32, #tpu.memory_space<vmem>>, vector<16xi32>,
      %parallel_loop3A_39 = arith.addi %mul3A_7, %parallel_loop3A_38 : vector<16xi32>
      tpu.vector_store_idx %arg5[%parallel_loop3A_39], %broadcast_in_dim3A_8 {add = true} : memref<8192xf32, #tpu.memory_space<vmem>>[vector<16xi32>], vector<16xf32>,
      %parallel_loop3A_40 = arith.index_cast %parallel_loop3A_15 : i32 to index
      %parallel_loop3A_41 = arith.constant 96 : index
      %parallel_loop3A_42 = tpu.vector_load %arg4[%parallel_loop3A_40, %parallel_loop3A_41] {strides = array<i32>} : memref<96x512xi32, #tpu.memory_space<vmem>>, vector<16xi32>,
      %parallel_loop3A_43 = arith.addi %mul3A_7, %parallel_loop3A_42 : vector<16xi32>
      tpu.vector_store_idx %arg5[%parallel_loop3A_43], %broadcast_in_dim3A_8 {add = true} : memref<8192xf32, #tpu.memory_space<vmem>>[vector<16xi32>], vector<16xf32>,
      %parallel_loop3A_44 = arith.index_cast %parallel_loop3A_15 : i32 to index
      %parallel_loop3A_45 = arith.constant 112 : index
      %parallel_loop3A_46 = tpu.vector_load %arg4[%parallel_loop3A_44, %parallel_loop3A_45] {strides = array<i32>} : memref<96x512xi32, #tpu.memory_space<vmem>>, vector<16xi32>,
      %parallel_loop3A_47 = arith.addi %mul3A_7, %parallel_loop3A_46 : vector<16xi32>
      tpu.vector_store_idx %arg5[%parallel_loop3A_47], %broadcast_in_dim3A_8 {add = true} : memref<8192xf32, #tpu.memory_space<vmem>>[vector<16xi32>], vector<16xf32>,
      %parallel_loop3A_48 = arith.index_cast %parallel_loop3A_15 : i32 to index
      %parallel_loop3A_49 = arith.constant 128 : index
      %parallel_loop3A_50 = tpu.vector_load %arg4[%parallel_loop3A_48, %parallel_loop3A_49] {strides = array<i32>} : memref<96x512xi32, #tpu.memory_space<vmem>>, vector<16xi32>,
      %parallel_loop3A_51 = arith.addi %mul3A_7, %parallel_loop3A_50 : vector<16xi32>
      tpu.vector_store_idx %arg5[%parallel_loop3A_51], %broadcast_in_dim3A_8 {add = true} : memref<8192xf32, #tpu.memory_space<vmem>>[vector<16xi32>], vector<16xf32>,
      %parallel_loop3A_52 = arith.index_cast %parallel_loop3A_15 : i32 to index
      %parallel_loop3A_53 = arith.constant 144 : index
      %parallel_loop3A_54 = tpu.vector_load %arg4[%parallel_loop3A_52, %parallel_loop3A_53] {strides = array<i32>} : memref<96x512xi32, #tpu.memory_space<vmem>>, vector<16xi32>,
      %parallel_loop3A_55 = arith.addi %mul3A_7, %parallel_loop3A_54 : vector<16xi32>
      tpu.vector_store_idx %arg5[%parallel_loop3A_55], %broadcast_in_dim3A_8 {add = true} : memref<8192xf32, #tpu.memory_space<vmem>>[vector<16xi32>], vector<16xf32>,
      %parallel_loop3A_56 = arith.index_cast %parallel_loop3A_15 : i32 to index
      %parallel_loop3A_57 = arith.constant 160 : index
      %parallel_loop3A_58 = tpu.vector_load %arg4[%parallel_loop3A_56, %parallel_loop3A_57] {strides = array<i32>} : memref<96x512xi32, #tpu.memory_space<vmem>>, vector<16xi32>,
      %parallel_loop3A_59 = arith.addi %mul3A_7, %parallel_loop3A_58 : vector<16xi32>
      tpu.vector_store_idx %arg5[%parallel_loop3A_59], %broadcast_in_dim3A_8 {add = true} : memref<8192xf32, #tpu.memory_space<vmem>>[vector<16xi32>], vector<16xf32>,
      %parallel_loop3A_60 = arith.index_cast %parallel_loop3A_15 : i32 to index
      %parallel_loop3A_61 = arith.constant 176 : index
      %parallel_loop3A_62 = tpu.vector_load %arg4[%parallel_loop3A_60, %parallel_loop3A_61] {strides = array<i32>} : memref<96x512xi32, #tpu.memory_space<vmem>>, vector<16xi32>,
      %parallel_loop3A_63 = arith.addi %mul3A_7, %parallel_loop3A_62 : vector<16xi32>
      tpu.vector_store_idx %arg5[%parallel_loop3A_63], %broadcast_in_dim3A_8 {add = true} : memref<8192xf32, #tpu.memory_space<vmem>>[vector<16xi32>], vector<16xf32>,
      %parallel_loop3A_64 = arith.index_cast %parallel_loop3A_15 : i32 to index
      %parallel_loop3A_65 = arith.constant 192 : index
      %parallel_loop3A_66 = tpu.vector_load %arg4[%parallel_loop3A_64, %parallel_loop3A_65] {strides = array<i32>} : memref<96x512xi32, #tpu.memory_space<vmem>>, vector<16xi32>,
      %parallel_loop3A_67 = arith.addi %mul3A_7, %parallel_loop3A_66 : vector<16xi32>
      tpu.vector_store_idx %arg5[%parallel_loop3A_67], %broadcast_in_dim3A_8 {add = true} : memref<8192xf32, #tpu.memory_space<vmem>>[vector<16xi32>], vector<16xf32>,
      %parallel_loop3A_68 = arith.index_cast %parallel_loop3A_15 : i32 to index
      %parallel_loop3A_69 = arith.constant 208 : index
      %parallel_loop3A_70 = tpu.vector_load %arg4[%parallel_loop3A_68, %parallel_loop3A_69] {strides = array<i32>} : memref<96x512xi32, #tpu.memory_space<vmem>>, vector<16xi32>,
      %parallel_loop3A_71 = arith.addi %mul3A_7, %parallel_loop3A_70 : vector<16xi32>
      tpu.vector_store_idx %arg5[%parallel_loop3A_71], %broadcast_in_dim3A_8 {add = true} : memref<8192xf32, #tpu.memory_space<vmem>>[vector<16xi32>], vector<16xf32>,
      %parallel_loop3A_72 = arith.index_cast %parallel_loop3A_15 : i32 to index
      %parallel_loop3A_73 = arith.constant 224 : index
      %parallel_loop3A_74 = tpu.vector_load %arg4[%parallel_loop3A_72, %parallel_loop3A_73] {strides = array<i32>} : memref<96x512xi32, #tpu.memory_space<vmem>>, vector<16xi32>,
      %parallel_loop3A_75 = arith.addi %mul3A_7, %parallel_loop3A_74 : vector<16xi32>
      tpu.vector_store_idx %arg5[%parallel_loop3A_75], %broadcast_in_dim3A_8 {add = true} : memref<8192xf32, #tpu.memory_space<vmem>>[vector<16xi32>], vector<16xf32>,
      %parallel_loop3A_76 = arith.index_cast %parallel_loop3A_15 : i32 to index
      %parallel_loop3A_77 = arith.constant 240 : index
      %parallel_loop3A_78 = tpu.vector_load %arg4[%parallel_loop3A_76, %parallel_loop3A_77] {strides = array<i32>} : memref<96x512xi32, #tpu.memory_space<vmem>>, vector<16xi32>,
      %parallel_loop3A_79 = arith.addi %mul3A_7, %parallel_loop3A_78 : vector<16xi32>
      tpu.vector_store_idx %arg5[%parallel_loop3A_79], %broadcast_in_dim3A_8 {add = true} : memref<8192xf32, #tpu.memory_space<vmem>>[vector<16xi32>], vector<16xf32>,
      %parallel_loop3A_80 = arith.index_cast %parallel_loop3A_15 : i32 to index
      %parallel_loop3A_81 = arith.constant 256 : index
      %parallel_loop3A_82 = tpu.vector_load %arg4[%parallel_loop3A_80, %parallel_loop3A_81] {strides = array<i32>} : memref<96x512xi32, #tpu.memory_space<vmem>>, vector<16xi32>,
      %parallel_loop3A_83 = arith.addi %mul3A_7, %parallel_loop3A_82 : vector<16xi32>
      tpu.vector_store_idx %arg5[%parallel_loop3A_83], %broadcast_in_dim3A_8 {add = true} : memref<8192xf32, #tpu.memory_space<vmem>>[vector<16xi32>], vector<16xf32>,
      %parallel_loop3A_84 = arith.index_cast %parallel_loop3A_15 : i32 to index
      %parallel_loop3A_85 = arith.constant 272 : index
      %parallel_loop3A_86 = tpu.vector_load %arg4[%parallel_loop3A_84, %parallel_loop3A_85] {strides = array<i32>} : memref<96x512xi32, #tpu.memory_space<vmem>>, vector<16xi32>,
      %parallel_loop3A_87 = arith.addi %mul3A_7, %parallel_loop3A_86 : vector<16xi32>
      tpu.vector_store_idx %arg5[%parallel_loop3A_87], %broadcast_in_dim3A_8 {add = true} : memref<8192xf32, #tpu.memory_space<vmem>>[vector<16xi32>], vector<16xf32>,
      %parallel_loop3A_88 = arith.index_cast %parallel_loop3A_15 : i32 to index
      %parallel_loop3A_89 = arith.constant 288 : index
      %parallel_loop3A_90 = tpu.vector_load %arg4[%parallel_loop3A_88, %parallel_loop3A_89] {strides = array<i32>} : memref<96x512xi32, #tpu.memory_space<vmem>>, vector<16xi32>,
      %parallel_loop3A_91 = arith.addi %mul3A_7, %parallel_loop3A_90 : vector<16xi32>
      tpu.vector_store_idx %arg5[%parallel_loop3A_91], %broadcast_in_dim3A_8 {add = true} : memref<8192xf32, #tpu.memory_space<vmem>>[vector<16xi32>], vector<16xf32>,
      %parallel_loop3A_92 = arith.index_cast %parallel_loop3A_15 : i32 to index
      %parallel_loop3A_93 = arith.constant 304 : index
      %parallel_loop3A_94 = tpu.vector_load %arg4[%parallel_loop3A_92, %parallel_loop3A_93] {strides = array<i32>} : memref<96x512xi32, #tpu.memory_space<vmem>>, vector<16xi32>,
      %parallel_loop3A_95 = arith.addi %mul3A_7, %parallel_loop3A_94 : vector<16xi32>
      tpu.vector_store_idx %arg5[%parallel_loop3A_95], %broadcast_in_dim3A_8 {add = true} : memref<8192xf32, #tpu.memory_space<vmem>>[vector<16xi32>], vector<16xf32>,
      %parallel_loop3A_96 = arith.index_cast %parallel_loop3A_15 : i32 to index
      %parallel_loop3A_97 = arith.constant 320 : index
      %parallel_loop3A_98 = tpu.vector_load %arg4[%parallel_loop3A_96, %parallel_loop3A_97] {strides = array<i32>} : memref<96x512xi32, #tpu.memory_space<vmem>>, vector<16xi32>,
      %parallel_loop3A_99 = arith.addi %mul3A_7, %parallel_loop3A_98 : vector<16xi32>
      tpu.vector_store_idx %arg5[%parallel_loop3A_99], %broadcast_in_dim3A_8 {add = true} : memref<8192xf32, #tpu.memory_space<vmem>>[vector<16xi32>], vector<16xf32>,
      %parallel_loop3A_100 = arith.index_cast %parallel_loop3A_15 : i32 to index
      %parallel_loop3A_101 = arith.constant 336 : index
      %parallel_loop3A_102 = tpu.vector_load %arg4[%parallel_loop3A_100, %parallel_loop3A_101] {strides = array<i32>} : memref<96x512xi32, #tpu.memory_space<vmem>>, vector<16xi32>,
      %parallel_loop3A_103 = arith.addi %mul3A_7, %parallel_loop3A_102 : vector<16xi32>
      tpu.vector_store_idx %arg5[%parallel_loop3A_103], %broadcast_in_dim3A_8 {add = true} : memref<8192xf32, #tpu.memory_space<vmem>>[vector<16xi32>], vector<16xf32>,
      %parallel_loop3A_104 = arith.index_cast %parallel_loop3A_15 : i32 to index
      %parallel_loop3A_105 = arith.constant 352 : index
      %parallel_loop3A_106 = tpu.vector_load %arg4[%parallel_loop3A_104, %parallel_loop3A_105] {strides = array<i32>} : memref<96x512xi32, #tpu.memory_space<vmem>>, vector<16xi32>,
      %parallel_loop3A_107 = arith.addi %mul3A_7, %parallel_loop3A_106 : vector<16xi32>
      tpu.vector_store_idx %arg5[%parallel_loop3A_107], %broadcast_in_dim3A_8 {add = true} : memref<8192xf32, #tpu.memory_space<vmem>>[vector<16xi32>], vector<16xf32>,
      %parallel_loop3A_108 = arith.index_cast %parallel_loop3A_15 : i32 to index
      %parallel_loop3A_109 = arith.constant 368 : index
      %parallel_loop3A_110 = tpu.vector_load %arg4[%parallel_loop3A_108, %parallel_loop3A_109] {strides = array<i32>} : memref<96x512xi32, #tpu.memory_space<vmem>>, vector<16xi32>,
      %parallel_loop3A_111 = arith.addi %mul3A_7, %parallel_loop3A_110 : vector<16xi32>
      tpu.vector_store_idx %arg5[%parallel_loop3A_111], %broadcast_in_dim3A_8 {add = true} : memref<8192xf32, #tpu.memory_space<vmem>>[vector<16xi32>], vector<16xf32>,
      %parallel_loop3A_112 = arith.index_cast %parallel_loop3A_15 : i32 to index
      %parallel_loop3A_113 = arith.constant 384 : index
      %parallel_loop3A_114 = tpu.vector_load %arg4[%parallel_loop3A_112, %parallel_loop3A_113] {strides = array<i32>} : memref<96x512xi32, #tpu.memory_space<vmem>>, vector<16xi32>,
      %parallel_loop3A_115 = arith.addi %mul3A_7, %parallel_loop3A_114 : vector<16xi32>
      tpu.vector_store_idx %arg5[%parallel_loop3A_115], %broadcast_in_dim3A_8 {add = true} : memref<8192xf32, #tpu.memory_space<vmem>>[vector<16xi32>], vector<16xf32>,
      %parallel_loop3A_116 = arith.index_cast %parallel_loop3A_15 : i32 to index
      %parallel_loop3A_117 = arith.constant 400 : index
      %parallel_loop3A_118 = tpu.vector_load %arg4[%parallel_loop3A_116, %parallel_loop3A_117] {strides = array<i32>} : memref<96x512xi32, #tpu.memory_space<vmem>>, vector<16xi32>,
      %parallel_loop3A_119 = arith.addi %mul3A_7, %parallel_loop3A_118 : vector<16xi32>
      tpu.vector_store_idx %arg5[%parallel_loop3A_119], %broadcast_in_dim3A_8 {add = true} : memref<8192xf32, #tpu.memory_space<vmem>>[vector<16xi32>], vector<16xf32>,
      %parallel_loop3A_120 = arith.index_cast %parallel_loop3A_15 : i32 to index
      %parallel_loop3A_121 = arith.constant 416 : index
      %parallel_loop3A_122 = tpu.vector_load %arg4[%parallel_loop3A_120, %parallel_loop3A_121] {strides = array<i32>} : memref<96x512xi32, #tpu.memory_space<vmem>>, vector<16xi32>,
      %parallel_loop3A_123 = arith.addi %mul3A_7, %parallel_loop3A_122 : vector<16xi32>
      tpu.vector_store_idx %arg5[%parallel_loop3A_123], %broadcast_in_dim3A_8 {add = true} : memref<8192xf32, #tpu.memory_space<vmem>>[vector<16xi32>], vector<16xf32>,
      %parallel_loop3A_124 = arith.index_cast %parallel_loop3A_15 : i32 to index
      %parallel_loop3A_125 = arith.constant 432 : index
      %parallel_loop3A_126 = tpu.vector_load %arg4[%parallel_loop3A_124, %parallel_loop3A_125] {strides = array<i32>} : memref<96x512xi32, #tpu.memory_space<vmem>>, vector<16xi32>,
      %parallel_loop3A_127 = arith.addi %mul3A_7, %parallel_loop3A_126 : vector<16xi32>
      tpu.vector_store_idx %arg5[%parallel_loop3A_127], %broadcast_in_dim3A_8 {add = true} : memref<8192xf32, #tpu.memory_space<vmem>>[vector<16xi32>], vector<16xf32>,
      %parallel_loop3A_128 = arith.index_cast %parallel_loop3A_15 : i32 to index
      %parallel_loop3A_129 = arith.constant 448 : index
      %parallel_loop3A_130 = tpu.vector_load %arg4[%parallel_loop3A_128, %parallel_loop3A_129] {strides = array<i32>} : memref<96x512xi32, #tpu.memory_space<vmem>>, vector<16xi32>,
      %parallel_loop3A_131 = arith.addi %mul3A_7, %parallel_loop3A_130 : vector<16xi32>
      tpu.vector_store_idx %arg5[%parallel_loop3A_131], %broadcast_in_dim3A_8 {add = true} : memref<8192xf32, #tpu.memory_space<vmem>>[vector<16xi32>], vector<16xf32>,
      %parallel_loop3A_132 = arith.index_cast %parallel_loop3A_15 : i32 to index
      %parallel_loop3A_133 = arith.constant 464 : index
      %parallel_loop3A_134 = tpu.vector_load %arg4[%parallel_loop3A_132, %parallel_loop3A_133] {strides = array<i32>} : memref<96x512xi32, #tpu.memory_space<vmem>>, vector<16xi32>,
      %parallel_loop3A_135 = arith.addi %mul3A_7, %parallel_loop3A_134 : vector<16xi32>
      tpu.vector_store_idx %arg5[%parallel_loop3A_135], %broadcast_in_dim3A_8 {add = true} : memref<8192xf32, #tpu.memory_space<vmem>>[vector<16xi32>], vector<16xf32>,
      %parallel_loop3A_136 = arith.index_cast %parallel_loop3A_15 : i32 to index
      %parallel_loop3A_137 = arith.constant 480 : index
      %parallel_loop3A_138 = tpu.vector_load %arg4[%parallel_loop3A_136, %parallel_loop3A_137] {strides = array<i32>} : memref<96x512xi32, #tpu.memory_space<vmem>>, vector<16xi32>,
      %parallel_loop3A_139 = arith.addi %mul3A_7, %parallel_loop3A_138 : vector<16xi32>
      tpu.vector_store_idx %arg5[%parallel_loop3A_139], %broadcast_in_dim3A_8 {add = true} : memref<8192xf32, #tpu.memory_space<vmem>>[vector<16xi32>], vector<16xf32>,
      %parallel_loop3A_140 = arith.index_cast %parallel_loop3A_15 : i32 to index
      %parallel_loop3A_141 = arith.constant 496 : index
      %parallel_loop3A_142 = tpu.vector_load %arg4[%parallel_loop3A_140, %parallel_loop3A_141] {strides = array<i32>} : memref<96x512xi32, #tpu.memory_space<vmem>>, vector<16xi32>,
      %parallel_loop3A_143 = arith.addi %mul3A_7, %parallel_loop3A_142 : vector<16xi32>
      tpu.vector_store_idx %arg5[%parallel_loop3A_143], %broadcast_in_dim3A_8 {add = true} : memref<8192xf32, #tpu.memory_space<vmem>>[vector<16xi32>], vector<16xf32>,
    } {sc.loop_unroll_factor = 4 : i64, sc.parallel_access}
    %parallel_loop3A_12 = arith.constant 0 : i32
    %parallel_loop3A_13 = arith.constant 512 : i32
    %parallel_loop3A_14 = arith.constant 16 : i32
    scf.for %parallel_loop3A_15 = %parallel_loop3A_12 to %parallel_loop3A_13 step %parallel_loop3A_14  : i32 {
      %parallel_loop3A_16 = arith.index_cast %parallel_loop3A_15 : i32 to index
      %parallel_loop3A_17 = tpu.vector_load %arg5[%parallel_loop3A_16] {strides = array<i32>} : memref<8192xf32, #tpu.memory_space<vmem>>, vector<16xf32>,
      %parallel_loop3A_18 = arith.constant 512 : i32
      %parallel_loop3A_19 = arith.addi %parallel_loop3A_18, %parallel_loop3A_15 : i32
      %parallel_loop3A_20 = arith.index_cast %parallel_loop3A_19 : i32 to index
      %parallel_loop3A_21 = tpu.vector_load %arg5[%parallel_loop3A_20] {strides = array<i32>} : memref<8192xf32, #tpu.memory_space<vmem>>, vector<16xf32>,
      %parallel_loop3A_22 = arith.addf %parallel_loop3A_17, %parallel_loop3A_21 : vector<16xf32>
      %parallel_loop3A_23 = arith.constant 1024 : i32
      %parallel_loop3A_24 = arith.addi %parallel_loop3A_23, %parallel_loop3A_15 : i32
      %parallel_loop3A_25 = arith.index_cast %parallel_loop3A_24 : i32 to index
      %parallel_loop3A_26 = tpu.vector_load %arg5[%parallel_loop3A_25] {strides = array<i32>} : memref<8192xf32, #tpu.memory_space<vmem>>, vector<16xf32>,
      %parallel_loop3A_27 = arith.addf %parallel_loop3A_22, %parallel_loop3A_26 : vector<16xf32>
      %parallel_loop3A_28 = arith.constant 1536 : i32
      %parallel_loop3A_29 = arith.addi %parallel_loop3A_28, %parallel_loop3A_15 : i32
      %parallel_loop3A_30 = arith.index_cast %parallel_loop3A_29 : i32 to index
      %parallel_loop3A_31 = tpu.vector_load %arg5[%parallel_loop3A_30] {strides = array<i32>} : memref<8192xf32, #tpu.memory_space<vmem>>, vector<16xf32>,
      %parallel_loop3A_32 = arith.addf %parallel_loop3A_27, %parallel_loop3A_31 : vector<16xf32>
      %parallel_loop3A_33 = arith.constant 2048 : i32
      %parallel_loop3A_34 = arith.addi %parallel_loop3A_33, %parallel_loop3A_15 : i32
      %parallel_loop3A_35 = arith.index_cast %parallel_loop3A_34 : i32 to index
      %parallel_loop3A_36 = tpu.vector_load %arg5[%parallel_loop3A_35] {strides = array<i32>} : memref<8192xf32, #tpu.memory_space<vmem>>, vector<16xf32>,
      %parallel_loop3A_37 = arith.addf %parallel_loop3A_32, %parallel_loop3A_36 : vector<16xf32>
      %parallel_loop3A_38 = arith.constant 2560 : i32
      %parallel_loop3A_39 = arith.addi %parallel_loop3A_38, %parallel_loop3A_15 : i32
      %parallel_loop3A_40 = arith.index_cast %parallel_loop3A_39 : i32 to index
      %parallel_loop3A_41 = tpu.vector_load %arg5[%parallel_loop3A_40] {strides = array<i32>} : memref<8192xf32, #tpu.memory_space<vmem>>, vector<16xf32>,
      %parallel_loop3A_42 = arith.addf %parallel_loop3A_37, %parallel_loop3A_41 : vector<16xf32>
      %parallel_loop3A_43 = arith.constant 3072 : i32
      %parallel_loop3A_44 = arith.addi %parallel_loop3A_43, %parallel_loop3A_15 : i32
      %parallel_loop3A_45 = arith.index_cast %parallel_loop3A_44 : i32 to index
      %parallel_loop3A_46 = tpu.vector_load %arg5[%parallel_loop3A_45] {strides = array<i32>} : memref<8192xf32, #tpu.memory_space<vmem>>, vector<16xf32>,
      %parallel_loop3A_47 = arith.addf %parallel_loop3A_42, %parallel_loop3A_46 : vector<16xf32>
      %parallel_loop3A_48 = arith.constant 3584 : i32
      %parallel_loop3A_49 = arith.addi %parallel_loop3A_48, %parallel_loop3A_15 : i32
      %parallel_loop3A_50 = arith.index_cast %parallel_loop3A_49 : i32 to index
      %parallel_loop3A_51 = tpu.vector_load %arg5[%parallel_loop3A_50] {strides = array<i32>} : memref<8192xf32, #tpu.memory_space<vmem>>, vector<16xf32>,
      %parallel_loop3A_52 = arith.addf %parallel_loop3A_47, %parallel_loop3A_51 : vector<16xf32>
      %parallel_loop3A_53 = arith.constant 4096 : i32
      %parallel_loop3A_54 = arith.addi %parallel_loop3A_53, %parallel_loop3A_15 : i32
      %parallel_loop3A_55 = arith.index_cast %parallel_loop3A_54 : i32 to index
      %parallel_loop3A_56 = tpu.vector_load %arg5[%parallel_loop3A_55] {strides = array<i32>} : memref<8192xf32, #tpu.memory_space<vmem>>, vector<16xf32>,
      %parallel_loop3A_57 = arith.addf %parallel_loop3A_52, %parallel_loop3A_56 : vector<16xf32>
      %parallel_loop3A_58 = arith.constant 4608 : i32
      %parallel_loop3A_59 = arith.addi %parallel_loop3A_58, %parallel_loop3A_15 : i32
      %parallel_loop3A_60 = arith.index_cast %parallel_loop3A_59 : i32 to index
      %parallel_loop3A_61 = tpu.vector_load %arg5[%parallel_loop3A_60] {strides = array<i32>} : memref<8192xf32, #tpu.memory_space<vmem>>, vector<16xf32>,
      %parallel_loop3A_62 = arith.addf %parallel_loop3A_57, %parallel_loop3A_61 : vector<16xf32>
      %parallel_loop3A_63 = arith.constant 5120 : i32
      %parallel_loop3A_64 = arith.addi %parallel_loop3A_63, %parallel_loop3A_15 : i32
      %parallel_loop3A_65 = arith.index_cast %parallel_loop3A_64 : i32 to index
      %parallel_loop3A_66 = tpu.vector_load %arg5[%parallel_loop3A_65] {strides = array<i32>} : memref<8192xf32, #tpu.memory_space<vmem>>, vector<16xf32>,
      %parallel_loop3A_67 = arith.addf %parallel_loop3A_62, %parallel_loop3A_66 : vector<16xf32>
      %parallel_loop3A_68 = arith.constant 5632 : i32
      %parallel_loop3A_69 = arith.addi %parallel_loop3A_68, %parallel_loop3A_15 : i32
      %parallel_loop3A_70 = arith.index_cast %parallel_loop3A_69 : i32 to index
      %parallel_loop3A_71 = tpu.vector_load %arg5[%parallel_loop3A_70] {strides = array<i32>} : memref<8192xf32, #tpu.memory_space<vmem>>, vector<16xf32>,
      %parallel_loop3A_72 = arith.addf %parallel_loop3A_67, %parallel_loop3A_71 : vector<16xf32>
      %parallel_loop3A_73 = arith.constant 6144 : i32
      %parallel_loop3A_74 = arith.addi %parallel_loop3A_73, %parallel_loop3A_15 : i32
      %parallel_loop3A_75 = arith.index_cast %parallel_loop3A_74 : i32 to index
      %parallel_loop3A_76 = tpu.vector_load %arg5[%parallel_loop3A_75] {strides = array<i32>} : memref<8192xf32, #tpu.memory_space<vmem>>, vector<16xf32>,
      %parallel_loop3A_77 = arith.addf %parallel_loop3A_72, %parallel_loop3A_76 : vector<16xf32>
      %parallel_loop3A_78 = arith.constant 6656 : i32
      %parallel_loop3A_79 = arith.addi %parallel_loop3A_78, %parallel_loop3A_15 : i32
      %parallel_loop3A_80 = arith.index_cast %parallel_loop3A_79 : i32 to index
      %parallel_loop3A_81 = tpu.vector_load %arg5[%parallel_loop3A_80] {strides = array<i32>} : memref<8192xf32, #tpu.memory_space<vmem>>, vector<16xf32>,
      %parallel_loop3A_82 = arith.addf %parallel_loop3A_77, %parallel_loop3A_81 : vector<16xf32>
      %parallel_loop3A_83 = arith.constant 7168 : i32
      %parallel_loop3A_84 = arith.addi %parallel_loop3A_83, %parallel_loop3A_15 : i32
      %parallel_loop3A_85 = arith.index_cast %parallel_loop3A_84 : i32 to index
      %parallel_loop3A_86 = tpu.vector_load %arg5[%parallel_loop3A_85] {strides = array<i32>} : memref<8192xf32, #tpu.memory_space<vmem>>, vector<16xf32>,
      %parallel_loop3A_87 = arith.addf %parallel_loop3A_82, %parallel_loop3A_86 : vector<16xf32>
      %parallel_loop3A_88 = arith.constant 7680 : i32
      %parallel_loop3A_89 = arith.addi %parallel_loop3A_88, %parallel_loop3A_15 : i32
      %parallel_loop3A_90 = arith.index_cast %parallel_loop3A_89 : i32 to index
      %parallel_loop3A_91 = tpu.vector_load %arg5[%parallel_loop3A_90] {strides = array<i32>} : memref<8192xf32, #tpu.memory_space<vmem>>, vector<16xf32>,
      %parallel_loop3A_92 = arith.addf %parallel_loop3A_87, %parallel_loop3A_91 : vector<16xf32>
      %parallel_loop3A_93 = arith.index_cast %parallel_loop3A_15 : i32 to index
      %parallel_loop3A_94 = tpu.vector_load %arg6[%parallel_loop3A_93] {strides = array<i32>} : memref<512xf32, #tpu.memory_space<vmem>>, vector<16xf32>,
      tpu.vector_store %arg6[%parallel_loop3A_93], %parallel_loop3A_92 {strides = array<i32>} : memref<512xf32, #tpu.memory_space<vmem>>, vector<16xf32>,
    } {sc.loop_unroll_factor = 2 : i64, sc.parallel_access}
    "tpu.region"() ({
      %run_scoped3A = tpu.sem_alloc : memref<!tpu.dma_semaphore, #tpu.memory_space<semaphore_mem>>
      %dma_start3A = arith.constant 0 : i32
      %dma_start3A_15 = tpu.memref_slice %arg3[%add3A, %dma_start3A] : memref<32x512xf32, #tpu.memory_space<hbm>> -> memref<1x512xf32, #tpu.memory_space<hbm>>
      %dma_start3A_16 = tpu.memref_squeeze %dma_start3A_15 : memref<1x512xf32, #tpu.memory_space<hbm>> -> memref<512xf32, #tpu.memory_space<hbm>>
      %dma_start3A_17 = arith.constant 0 : i32
      %dma_start3A_18 = tpu.memref_slice %arg3[%add3A, %dma_start3A_17] : memref<32x512xf32, #tpu.memory_space<hbm>> -> memref<1x512xf32, #tpu.memory_space<hbm>>
      %dma_start3A_19 = tpu.memref_squeeze %dma_start3A_18 : memref<1x512xf32, #tpu.memory_space<hbm>> -> memref<512xf32, #tpu.memory_space<hbm>>
      tpu.enqueue_dma source(%arg6 : memref<512xf32, #tpu.memory_space<vmem>>) target(%dma_start3A_19 : memref<512xf32, #tpu.memory_space<hbm>>) target_semaphore(%run_scoped3A : memref<!tpu.dma_semaphore, #tpu.memory_space<semaphore_mem>>)
      %dma_wait3A = arith.constant 0 : i32
      %dma_wait3A_20 = tpu.memref_slice %arg3[%add3A, %dma_wait3A] : memref<32x512xf32, #tpu.memory_space<hbm>> -> memref<1x512xf32, #tpu.memory_space<hbm>>
      %dma_wait3A_21 = tpu.memref_squeeze %dma_wait3A_20 : memref<1x512xf32, #tpu.memory_space<hbm>> -> memref<512xf32, #tpu.memory_space<hbm>>
      %dma_wait3A_22 = arith.constant 0 : i32
      %dma_wait3A_23 = tpu.memref_slice %arg3[%add3A, %dma_wait3A_22] : memref<32x512xf32, #tpu.memory_space<hbm>> -> memref<1x512xf32, #tpu.memory_space<hbm>>
      %dma_wait3A_24 = tpu.memref_squeeze %dma_wait3A_23 : memref<1x512xf32, #tpu.memory_space<hbm>> -> memref<512xf32, #tpu.memory_space<hbm>>
      tpu.wait_dma2 semaphore(%run_scoped3A : memref<!tpu.dma_semaphore, #tpu.memory_space<semaphore_mem>>) src(%arg6 : memref<512xf32, #tpu.memory_space<vmem>>) dst(%dma_wait3A_24 : memref<512xf32, #tpu.memory_space<hbm>>)
      tpu.yield
    }) : () -> ()
    return
  }
}

module attributes {stable_mosaic.version = 14 : i64} {
  func.func @_iou_multi_body(%arg0: memref<32x512xf32, #tpu.memory_space<vmem>>, %arg1: memref<32x512xf32, #tpu.memory_space<vmem>>, %arg2: memref<1x1xf32, #tpu.memory_space<smem>>) attributes {dimension_semantics = [], scalar_prefetch = 0 : i64, scratch_operands = 0 : i64, tpu.core_type = #tpu.core_type<tc>} {
    %get3A = arith.constant 0 : index
    %get3A_0 = arith.constant 0 : index
    %get3A_1 = vector.load %arg0[%get3A, %get3A_0] : memref<32x512xf32, #tpu.memory_space<vmem>>, vector<32x512xf32>
    %reduce_sum3A = arith.constant dense<0.000000e+00> : vector<512xf32>
    %reduce_sum3A_2 = vector.multi_reduction <add>, %get3A_1, %reduce_sum3A [0] : vector<32x512xf32> to vector<512xf32>
    %broadcast_in_dim3A = vector.shape_cast %reduce_sum3A_2 : vector<512xf32> to vector<1x512xf32>
    %get3A_3 = arith.constant 0 : index
    %get3A_4 = arith.constant 0 : index
    %get3A_5 = vector.load %arg1[%get3A_3, %get3A_4] : memref<32x512xf32, #tpu.memory_space<vmem>>, vector<32x512xf32>
    %reduce_sum3A_6 = arith.constant dense<0.000000e+00> : vector<512xf32>
    %reduce_sum3A_7 = vector.multi_reduction <add>, %get3A_5, %reduce_sum3A_6 [0] : vector<32x512xf32> to vector<512xf32>
    %broadcast_in_dim3A_8 = vector.shape_cast %reduce_sum3A_7 : vector<512xf32> to vector<1x512xf32>
    %add3A = arith.addf %broadcast_in_dim3A, %broadcast_in_dim3A_8 : vector<1x512xf32>
    %broadcast_in_dim3A_9 = vector.shape_cast %add3A : vector<1x512xf32> to vector<1x512xf32>
    %broadcast_in_dim3A_10 = vector.broadcast %broadcast_in_dim3A_9 : vector<1x512xf32> to vector<21x512xf32>
    %iota3A = tpu.iota {dimensions = array<i32: 1>} : vector<21x512xi32>
    %iota3A_11 = tpu.iota {dimensions = array<i32: 0>} : vector<21x512xi32>
    %lt3A = arith.constant 441 : i32
    %lt3A_12 = vector.broadcast %lt3A : i32 to vector<21x512xi32>
    %lt3A_13 = arith.cmpi slt, %iota3A, %lt3A_12 : vector<21x512xi32>
    %jit3A = arith.constant 21 : i32
    %div3A = vector.broadcast %jit3A : i32 to vector<21x512xi32>
    %div3A_14 = arith.divsi %iota3A, %div3A : vector<21x512xi32>
    %sign3A = arith.constant 0 : i32
    %sign3A_15 = vector.broadcast %sign3A : i32 to vector<21x512xi32>
    %sign3A_16 = arith.cmpi sgt, %iota3A, %sign3A_15 : vector<21x512xi32>
    %sign3A_17 = arith.extui %sign3A_16 : vector<21x512xi1> to vector<21x512xi32>
    %sign3A_18 = arith.constant 0 : i32
    %sign3A_19 = vector.broadcast %sign3A_18 : i32 to vector<21x512xi32>
    %sign3A_20 = arith.cmpi slt, %iota3A, %sign3A_19 : vector<21x512xi32>
    %sign3A_21 = arith.extui %sign3A_20 : vector<21x512xi1> to vector<21x512xi32>
    %sign3A_22 = arith.subi %sign3A_17, %sign3A_21 : vector<21x512xi32>
    %sign3A_23 = arith.constant 0 : i32
    %sign3A_24 = arith.cmpi sgt, %jit3A, %sign3A_23 : i32
    %sign3A_25 = arith.extui %sign3A_24 : i1 to i32
    %sign3A_26 = arith.constant 0 : i32
    %sign3A_27 = arith.cmpi slt, %jit3A, %sign3A_26 : i32
    %sign3A_28 = arith.extui %sign3A_27 : i1 to i32
    %sign3A_29 = arith.subi %sign3A_25, %sign3A_28 : i32
    %ne3A = vector.broadcast %sign3A_29 : i32 to vector<21x512xi32>
    %ne3A_30 = arith.cmpi ne, %sign3A_22, %ne3A : vector<21x512xi32>
    %rem3A = vector.broadcast %jit3A : i32 to vector<21x512xi32>
    %rem3A_31 = arith.remsi %iota3A, %rem3A : vector<21x512xi32>
    %ne3A_32 = arith.constant 0 : i32
    %ne3A_33 = vector.broadcast %ne3A_32 : i32 to vector<21x512xi32>
    %ne3A_34 = arith.cmpi ne, %rem3A_31, %ne3A_33 : vector<21x512xi32>
    %and3A = arith.andi %ne3A_30, %ne3A_34 : vector<21x512xi1>
    %sub3A = arith.constant 1 : i32
    %sub3A_35 = vector.broadcast %sub3A : i32 to vector<21x512xi32>
    %sub3A_36 = arith.subi %div3A_14, %sub3A_35 : vector<21x512xi32>
    %select_n3A = arith.select %and3A, %sub3A_36, %div3A_14 : vector<21x512xi1>, vector<21x512xi32>
    %eq3A = arith.cmpi eq, %select_n3A, %iota3A_11 : vector<21x512xi32>
    %and3A_37 = arith.andi %eq3A, %lt3A_13 : vector<21x512xi1>
    %rem3A_38 = arith.constant 21 : i32
    %rem3A_39 = vector.broadcast %rem3A_38 : i32 to vector<21x512xi32>
    %rem3A_40 = arith.remsi %iota3A, %rem3A_39 : vector<21x512xi32>
    %eq3A_41 = arith.cmpi eq, %rem3A_40, %iota3A_11 : vector<21x512xi32>
    %and3A_42 = arith.andi %eq3A_41, %lt3A_13 : vector<21x512xi1>
    %and3A_43 = arith.andi %and3A_37, %and3A_42 : vector<21x512xi1>
    %broadcast_in_dim3A_44 = arith.constant 0.000000e+00 : f32
    %broadcast_in_dim3A_45 = vector.broadcast %broadcast_in_dim3A_44 : f32 to vector<21x512xf32>
    %select_n3A_46 = arith.select %and3A_37, %broadcast_in_dim3A_10, %broadcast_in_dim3A_45 : vector<21x512xi1>, vector<21x512xf32>
    %reduce_sum3A_47 = arith.constant dense<0.000000e+00> : vector<21xf32>
    %reduce_sum3A_48 = vector.multi_reduction <add>, %select_n3A_46, %reduce_sum3A_47 [1] : vector<21x512xf32> to vector<21xf32>
    %broadcast_in_dim3A_49 = vector.shape_cast %reduce_sum3A_48 : vector<21xf32> to vector<21x1xf32>
    %select_n3A_50 = arith.select %and3A_42, %broadcast_in_dim3A_10, %broadcast_in_dim3A_45 : vector<21x512xi1>, vector<21x512xf32>
    %reduce_sum3A_51 = arith.constant dense<0.000000e+00> : vector<21xf32>
    %reduce_sum3A_52 = vector.multi_reduction <add>, %select_n3A_50, %reduce_sum3A_51 [1] : vector<21x512xf32> to vector<21xf32>
    %broadcast_in_dim3A_53 = vector.shape_cast %reduce_sum3A_52 : vector<21xf32> to vector<21x1xf32>
    %select_n3A_54 = arith.select %and3A_43, %broadcast_in_dim3A_10, %broadcast_in_dim3A_45 : vector<21x512xi1>, vector<21x512xf32>
    %reduce_sum3A_55 = arith.constant dense<0.000000e+00> : vector<21xf32>
    %reduce_sum3A_56 = vector.multi_reduction <add>, %select_n3A_54, %reduce_sum3A_55 [1] : vector<21x512xf32> to vector<21xf32>
    %broadcast_in_dim3A_57 = vector.shape_cast %reduce_sum3A_56 : vector<21xf32> to vector<21x1xf32>
    %add3A_58 = arith.addf %broadcast_in_dim3A_49, %broadcast_in_dim3A_53 : vector<21x1xf32>
    %sub3A_59 = arith.subf %add3A_58, %broadcast_in_dim3A_57 : vector<21x1xf32>
    %gt3A = arith.constant 0.000000e+00 : f32
    %gt3A_60 = vector.broadcast %gt3A : f32 to vector<21x1xf32>
    %gt3A_61 = arith.cmpf ogt, %sub3A_59, %gt3A_60 : vector<21x1xf32>
    %jit3A_62 = arith.constant 1.000000e+00 : f32
    %broadcast_in_dim3A_63 = vector.broadcast %jit3A_62 : f32 to vector<21x1xf32>
    %select_n3A_64 = arith.select %gt3A_61, %sub3A_59, %broadcast_in_dim3A_63 : vector<21x1xi1>, vector<21x1xf32>
    %div3A_65 = arith.divf %broadcast_in_dim3A_57, %select_n3A_64 : vector<21x1xf32>
    %jit3A_66 = arith.constant 0.000000e+00 : f32
    %broadcast_in_dim3A_67 = vector.broadcast %jit3A_66 : f32 to vector<21x1xf32>
    %select_n3A_68 = arith.select %gt3A_61, %div3A_65, %broadcast_in_dim3A_67 : vector<21x1xi1>, vector<21x1xf32>
    %reduce_sum3A_69 = vector.shape_cast %select_n3A_68 : vector<21x1xf32> to vector<1x21x1xf32>
    %reduce_sum3A_70 = arith.constant dense<0.000000e+00> : vector<1xf32>
    %reduce_sum3A_71 = vector.multi_reduction <add>, %reduce_sum3A_69, %reduce_sum3A_70 [1, 2] : vector<1x21x1xf32> to vector<1xf32>
    %reduce_sum3A_72 = vector.shape_cast %reduce_sum3A_71 : vector<1xf32> to vector<1x1x1xf32>
    %reduce_sum3A_73 = vector.extract %reduce_sum3A_72[0, 0, 0] : f32 from vector<1x1x1xf32>
    %convert_element_type3A = arith.extui %gt3A_61 : vector<21x1xi1> to vector<21x1xi32>
    %convert_element_type3A_74 = arith.sitofp %convert_element_type3A : vector<21x1xi32> to vector<21x1xf32>
    %reduce_sum3A_75 = vector.shape_cast %convert_element_type3A_74 : vector<21x1xf32> to vector<1x21x1xf32>
    %reduce_sum3A_76 = arith.constant dense<0.000000e+00> : vector<1xf32>
    %reduce_sum3A_77 = vector.multi_reduction <add>, %reduce_sum3A_75, %reduce_sum3A_76 [1, 2] : vector<1x21x1xf32> to vector<1xf32>
    %reduce_sum3A_78 = vector.shape_cast %reduce_sum3A_77 : vector<1xf32> to vector<1x1x1xf32>
    %reduce_sum3A_79 = vector.extract %reduce_sum3A_78[0, 0, 0] : f32 from vector<1x1x1xf32>
    %div3A_80 = arith.divf %reduce_sum3A_73, %reduce_sum3A_79 : f32
    %swap3A = arith.constant 0 : index
    %swap3A_81 = arith.constant 0 : index
    %swap3A_82 = memref.load %arg2[%swap3A, %swap3A_81] : memref<1x1xf32, #tpu.memory_space<smem>>
    memref.store %div3A_80, %arg2[%swap3A, %swap3A_81] : memref<1x1xf32, #tpu.memory_space<smem>>
    return
  }
}

module attributes {stable_mosaic.version = 14 : i64} {
  func.func @_argmax_body(%arg0: i32, %arg1: i32, %arg2: memref<1x21x256x512xf32, #tpu.memory_space<vmem>>, %arg3: memref<1x256x512xi32, #tpu.memory_space<vmem>>, %arg4: memref<256x512xi32, #tpu.memory_space<vmem>>) attributes {dimension_semantics = [#tpu.dimension_semantics<arbitrary>, #tpu.dimension_semantics<arbitrary>], iteration_bounds = array<i64: 6, 2>, scalar_prefetch = 0 : i64, scratch_operands = 0 : i64, tpu.core_type = #tpu.core_type<tc>, window_params = [{transform_indices = @transform_0, window_bounds = array<i64: 1, 21, 256, 512>}, {transform_indices = @transform_1, window_bounds = array<i64: 1, 256, 512>}, {transform_indices = @transform_2, window_bounds = array<i64: 256, 512>}]} {
    %get3A = arith.constant 0 : index
    %get3A_0 = arith.constant 0 : index
    %get3A_1 = arith.constant 0 : index
    %get3A_2 = arith.constant 0 : index
    %get3A_3 = vector.load %arg2[%get3A, %get3A_0, %get3A_1, %get3A_2] : memref<1x21x256x512xf32, #tpu.memory_space<vmem>>, vector<1x21x256x512xf32>
    %get3A_4 = vector.shape_cast %get3A_3 : vector<1x21x256x512xf32> to vector<21x256x512xf32>
    %reduce_max3A = arith.constant dense<0xFF800000> : vector<256x512xf32>
    %reduce_max3A_5 = vector.multi_reduction <maximumf>, %get3A_4, %reduce_max3A [0] : vector<21x256x512xf32> to vector<256x512xf32>
    %iota3A = tpu.iota {dimensions = array<i32: 0>} : vector<21x256x512xi32>
    %broadcast_in_dim3A = vector.shape_cast %reduce_max3A_5 : vector<256x512xf32> to vector<1x256x512xf32>
    %eq3A = vector.broadcast %broadcast_in_dim3A : vector<1x256x512xf32> to vector<21x256x512xf32>
    %eq3A_6 = arith.cmpf oeq, %get3A_4, %eq3A : vector<21x256x512xf32>
    %jit3A = arith.constant 21 : i32
    %broadcast_in_dim3A_7 = vector.broadcast %jit3A : i32 to vector<21x256x512xi32>
    %select_n3A = arith.select %eq3A_6, %iota3A, %broadcast_in_dim3A_7 : vector<21x256x512xi1>, vector<21x256x512xi32>
    %reduce_min3A = arith.constant dense<2147483647> : vector<256x512xi32>
    %reduce_min3A_8 = vector.multi_reduction <minsi>, %select_n3A, %reduce_min3A [0] : vector<21x256x512xi32> to vector<256x512xi32>
    %get3A_9 = arith.constant 0 : index
    %get3A_10 = arith.constant 0 : index
    %get3A_11 = arith.constant 0 : index
    %get3A_12 = vector.load %arg3[%get3A_9, %get3A_10, %get3A_11] : memref<1x256x512xi32, #tpu.memory_space<vmem>>, vector<1x256x512xi32>
    %get3A_13 = vector.shape_cast %get3A_12 : vector<1x256x512xi32> to vector<256x512xi32>
    %mul3A = arith.constant 21 : i32
    %mul3A_14 = vector.broadcast %mul3A : i32 to vector<256x512xi32>
    %mul3A_15 = arith.muli %get3A_13, %mul3A_14 : vector<256x512xi32>
    %add3A = arith.addi %mul3A_15, %reduce_min3A_8 : vector<256x512xi32>
    %swap3A = arith.constant 0 : index
    %swap3A_16 = arith.constant 0 : index
    %swap3A_17 = vector.load %arg4[%swap3A, %swap3A_16] : memref<256x512xi32, #tpu.memory_space<vmem>>, vector<256x512xi32>
    tpu.vector_store %arg4[%swap3A, %swap3A_16], %add3A {strides = array<i32>} : memref<256x512xi32, #tpu.memory_space<vmem>>, vector<256x512xi32>,
    return
  }
  func.func @transform_0(%arg0: i32, %arg1: i32) -> (i32, i32, i32, i32) {
    %add3A = arith.constant 0 : i32
    %add3A_0 = arith.addi %arg0, %add3A : i32
    %c0_i32 = arith.constant 0 : i32
    %c0_i32_1 = arith.constant 0 : i32
    %c0_i32_2 = arith.constant 0 : i32
    return %add3A_0, %c0_i32, %arg1, %c0_i32_1 : i32, i32, i32, i32
  }
  func.func @transform_1(%arg0: i32, %arg1: i32) -> (i32, i32, i32) {
    %add3A = arith.constant 0 : i32
    %add3A_0 = arith.addi %arg0, %add3A : i32
    %c0_i32 = arith.constant 0 : i32
    %c0_i32_1 = arith.constant 0 : i32
    return %add3A_0, %arg1, %c0_i32 : i32, i32, i32
  }
  func.func @transform_2(%arg0: i32, %arg1: i32) -> (i32, i32) {
    %mul3A = arith.constant 2 : i32
    %mul3A_0 = arith.muli %arg0, %mul3A : i32
    %add3A = arith.addi %mul3A_0, %arg1 : i32
    %c0_i32 = arith.constant 0 : i32
    %c0_i32_1 = arith.constant 0 : i32
    return %add3A, %c0_i32 : i32, i32
  }
}

module attributes {stable_mosaic.version = 14 : i64} {
  func.func @_argmax_body(%arg0: i32, %arg1: i32, %arg2: memref<1x21x256x512xf32, #tpu.memory_space<vmem>>, %arg3: memref<1x256x512xi32, #tpu.memory_space<vmem>>, %arg4: memref<256x512xi32, #tpu.memory_space<vmem>>) attributes {dimension_semantics = [#tpu.dimension_semantics<arbitrary>, #tpu.dimension_semantics<arbitrary>], iteration_bounds = array<i64: 2, 2>, scalar_prefetch = 0 : i64, scratch_operands = 0 : i64, tpu.core_type = #tpu.core_type<tc>, window_params = [{transform_indices = @transform_0, window_bounds = array<i64: 1, 21, 256, 512>}, {transform_indices = @transform_1, window_bounds = array<i64: 1, 256, 512>}, {transform_indices = @transform_2, window_bounds = array<i64: 256, 512>}]} {
    %get3A = arith.constant 0 : index
    %get3A_0 = arith.constant 0 : index
    %get3A_1 = arith.constant 0 : index
    %get3A_2 = arith.constant 0 : index
    %get3A_3 = vector.load %arg2[%get3A, %get3A_0, %get3A_1, %get3A_2] : memref<1x21x256x512xf32, #tpu.memory_space<vmem>>, vector<1x21x256x512xf32>
    %get3A_4 = vector.shape_cast %get3A_3 : vector<1x21x256x512xf32> to vector<21x256x512xf32>
    %reduce_max3A = arith.constant dense<0xFF800000> : vector<256x512xf32>
    %reduce_max3A_5 = vector.multi_reduction <maximumf>, %get3A_4, %reduce_max3A [0] : vector<21x256x512xf32> to vector<256x512xf32>
    %iota3A = tpu.iota {dimensions = array<i32: 0>} : vector<21x256x512xi32>
    %broadcast_in_dim3A = vector.shape_cast %reduce_max3A_5 : vector<256x512xf32> to vector<1x256x512xf32>
    %eq3A = vector.broadcast %broadcast_in_dim3A : vector<1x256x512xf32> to vector<21x256x512xf32>
    %eq3A_6 = arith.cmpf oeq, %get3A_4, %eq3A : vector<21x256x512xf32>
    %jit3A = arith.constant 21 : i32
    %broadcast_in_dim3A_7 = vector.broadcast %jit3A : i32 to vector<21x256x512xi32>
    %select_n3A = arith.select %eq3A_6, %iota3A, %broadcast_in_dim3A_7 : vector<21x256x512xi1>, vector<21x256x512xi32>
    %reduce_min3A = arith.constant dense<2147483647> : vector<256x512xi32>
    %reduce_min3A_8 = vector.multi_reduction <minsi>, %select_n3A, %reduce_min3A [0] : vector<21x256x512xi32> to vector<256x512xi32>
    %get3A_9 = arith.constant 0 : index
    %get3A_10 = arith.constant 0 : index
    %get3A_11 = arith.constant 0 : index
    %get3A_12 = vector.load %arg3[%get3A_9, %get3A_10, %get3A_11] : memref<1x256x512xi32, #tpu.memory_space<vmem>>, vector<1x256x512xi32>
    %get3A_13 = vector.shape_cast %get3A_12 : vector<1x256x512xi32> to vector<256x512xi32>
    %mul3A = arith.constant 21 : i32
    %mul3A_14 = vector.broadcast %mul3A : i32 to vector<256x512xi32>
    %mul3A_15 = arith.muli %get3A_13, %mul3A_14 : vector<256x512xi32>
    %add3A = arith.addi %mul3A_15, %reduce_min3A_8 : vector<256x512xi32>
    %swap3A = arith.constant 0 : index
    %swap3A_16 = arith.constant 0 : index
    %swap3A_17 = vector.load %arg4[%swap3A, %swap3A_16] : memref<256x512xi32, #tpu.memory_space<vmem>>, vector<256x512xi32>
    tpu.vector_store %arg4[%swap3A, %swap3A_16], %add3A {strides = array<i32>} : memref<256x512xi32, #tpu.memory_space<vmem>>, vector<256x512xi32>,
    return
  }
  func.func @transform_0(%arg0: i32, %arg1: i32) -> (i32, i32, i32, i32) {
    %add3A = arith.constant 6 : i32
    %add3A_0 = arith.addi %arg0, %add3A : i32
    %c0_i32 = arith.constant 0 : i32
    %c0_i32_1 = arith.constant 0 : i32
    %c0_i32_2 = arith.constant 0 : i32
    return %add3A_0, %c0_i32, %arg1, %c0_i32_1 : i32, i32, i32, i32
  }
  func.func @transform_1(%arg0: i32, %arg1: i32) -> (i32, i32, i32) {
    %add3A = arith.constant 6 : i32
    %add3A_0 = arith.addi %arg0, %add3A : i32
    %c0_i32 = arith.constant 0 : i32
    %c0_i32_1 = arith.constant 0 : i32
    return %add3A_0, %arg1, %c0_i32 : i32, i32, i32
  }
  func.func @transform_2(%arg0: i32, %arg1: i32) -> (i32, i32) {
    %mul3A = arith.constant 2 : i32
    %mul3A_0 = arith.muli %arg0, %mul3A : i32
    %add3A = arith.addi %mul3A_0, %arg1 : i32
    %c0_i32 = arith.constant 0 : i32
    %c0_i32_1 = arith.constant 0 : i32
    return %add3A, %c0_i32 : i32, i32
  }
}

</mosaic_0001>

<sc_bundles>
// kernel: kernel.10.cloned.1.call-start
scs
__scs_entry_jumppad:
0x0: {  	(pc) =	sbr.rel $0x88, $3  }
0x1: {  	(tag) =	ssettag $0x0;
	lr =	simm.s32 $0x1  }
0x2: {  	[smem:$0x3F9F] =	sst lr;
	_ =	strace $0xD0000000  }
0x3: {  	_ = 	snop  }
0x4: {  	_ = 	snop  }
0x5: {  	_ = 	snop  }
0x6: {  	_ = 	snop  }
0x7: {  	_ = 	snop  }
__scs_overlays_trampoline_lowered:
0x8: {  	[smem:$0x3FAE] =	sst s0  }
0x9: {  	[smem:$0x3FAF] =	sst s1  }
0xa: {  	[smem:$0x3FB0] =	sst s2  }
0xb: {  	[smem:$0x3FB1] =	sst s3  }
0xc: {  	[smem:$0x3FB2] =	sst s4  }
0xd: {  	[smem:$0x3FB3] =	sst s5  }
0xe: {  	[smem:$0x3FB4] =	sst s6  }
0xf: {  	[smem:$0x3FB5] =	sst s7  }
0x10: {  	[smem:$0x3FB6] =	sst s8  }
0x11: {  	[smem:$0x3FB7] =	sst s9;
	s0 =	simm.s32 @!p0 $0x0  }
0x12: {  	s1 =	sld [smem:$0x3F9D];
	s0 =	simm.s32 @p0 $0x1  }
0x13: {  	[smem:$0x3FB8] =	sst s0;
	s0 =	simm.s32 @!p1 $0x0  }
0x14: {  	s2 =	sld [smem:$0x3F9C];
	s0 =	simm.s32 @p1 $0x1  }
0x15: {  	[smem:$0x3FB9] =	sst s0;
	s0 =	simm.s32 @!p2 $0x0  }
0x16: {  	s3 =	sld [smem:$0x3FDB];
	s0 =	simm.s32 @p2 $0x1  }
0x17: {  	s4 =	simm.s32 $0x1BF5;
	[smem:$0x3FBB] =	sst s0  }
0x18: {  	s0 =	sld [smem:$0x3F9E];
	_ =	swait.ge [sflag:s4], $0x0  }
0x19: {  	s7 =	sld [smem:$0x3F9F]  }
0x1a: {  	s8 =	sadd.s32 $0xFFFFE003, lr  }
0x1b: {  	s9 =	sadd.s32 $0xFFFFFEF7, lr;
	s5 =	simm.s32 $0xFFFFFFFF;
	p2 =	slt.u32 s8, $0xFFFFF086  }
0x1c: {  	p1 =	slt.u32 s9, $0xF7A;
	s5 =	simm.s32 @!p2 $0x0  }
0x1d: {  	s5 =	simm.s32 @p1 $0x1;
	p0 =	seq.s32 s7, s2  }
0x1e: {  	s7 =	smul.u32 @!p0 $0xF7A, s2;
	p2 =	seq.s32 @!p0 s5, $0x0  }
0x1f: {  	s9 =	smul.u32 $0xF7A, s1;
	s8 =	simm.s32 @!p0 $0x1BF5;
	p2 =	por !p2, p0  }
0x20: {  	[sflag:s8] =	ssyncset.s32 @!p0 $0xFFFFF086;
	s6 =	sadd.s32 @!p0 s3, s7;
	s7 =	simm.s32 @!p0 $0x108  }
0x21: {  	s3 =	sadd.s32 s3, s9;
	s6 =	sadd.s32 @!p0 $0x88, s6;
	s7 =	simm.s32 @p2 $0x1082  }
0x22: {  	[simem:s7], [sflag:s8] =	dma.local @!p0 [hbm:s6], $0xF7A  }
0x23: {  	s9 =	sor.u32 $0xD0000000, s2;
	s6 =	simm.s32 $0x108;
	_ =	swait.ge @!p0 [sflag:s8], $0x0  }
0x24: {  	s3 =	sadd.s32 $0x88, s3;
	s6 =	simm.s32 @!p1 $0x1082;
	[sflag:s4] =	ssyncset.s32 $0xFFFFF086  }
0x25: {  	[simem:s6], [sflag:s4] =	dma.local [hbm:s3], $0xF7A  }
0x26: {  	[smem:$0x3F9F] =	sst s1;
	(tag) =	ssettag s2;
	_ =	strace s9  }
0x27: {  	s1 =	sld [smem:$0x3FAF]  }
0x28: {  	s2 =	sld [smem:$0x3FB0]  }
0x29: {  	s4 =	sld [smem:$0x3FB2]  }
0x2a: {  	p0 =	seq.s32 s5, $0x0;
	s5 =	sld [smem:$0x3FB3]  }
0x2b: {  	s6 =	sld [smem:$0x3FB4]  }
0x2c: {  	s7 =	sld [smem:$0x3FB5]  }
0x2d: {  	s3 =	simm.s32 $0x108;
	s8 =	sld [smem:$0x3FB6]  }
0x2e: {  	s3 =	simm.s32 @!p0 $0x1082;
	s9 =	sld [smem:$0x3FB7]  }
0x2f: {  	lr =	sadd.s32 s0, s3;
	s0 =	sld [smem:$0x3FAE]  }
0x30: {  	s3 =	sld [smem:$0x3FB1]  }
0x31: {  	[smem:$0x3FBA] =	sst s10  }
0x32: {  	s10 =	sld [smem:$0x3FB8];
	_ =	sdelay $0x3  }
0x33: {  	p0 =	seq.s32 s10, $0x1;
	s10 =	sld [smem:$0x3FBA];
	_ =	sdelay $0x3  }
0x34: {  	[smem:$0x3FBA] =	sst s10  }
0x35: {  	s10 =	sld [smem:$0x3FB9];
	_ =	sdelay $0x3  }
0x36: {  	p1 =	seq.s32 s10, $0x1;
	s10 =	sld [smem:$0x3FBA];
	_ =	sdelay $0x3  }
0x37: {  	[smem:$0x3FBA] =	sst s10  }
0x38: {  	s10 =	sld [smem:$0x3FBB]  }
0x39: {  	_ = 	snop;
	(pc) =	sbr.ind lr, $3  }
0x3a: {  	_ = 	snop  }
0x3b: {  	_ = 	snop  }
0x3c: {  	p2 =	seq.s32 s10, $0x1;
	s10 =	sld [smem:$0x3FBA]  }
0x3d: {  	_ =	shalt  }
0x3e: {  	_ =	shalt  }
0x3f: {  	_ =	shalt  }
0x40: {  	_ =	shalt  }
0x41: {  	_ =	shalt  }
0x42: {  	_ =	shalt  }
0x43: {  	_ =	shalt  }
0x44: {  	_ =	shalt  }
0x45: {  	_ =	shalt  }
0x46: {  	_ =	shalt  }
0x47: {  	_ =	shalt  }
0x48: {  	_ =	shalt  }
0x49: {  	_ =	shalt  }
0x4a: {  	_ =	shalt  }
0x4b: {  	_ =	shalt  }
0x4c: {  	_ =	shalt  }
0x4d: {  	_ =	shalt  }
0x4e: {  	_ =	shalt  }
0x4f: {  	_ =	shalt  }
0x50: {  	_ =	shalt  }
0x51: {  	_ =	shalt  }
0x52: {  	_ =	shalt  }
0x53: {  	_ =	shalt  }
0x54: {  	_ =	shalt  }
0x55: {  	_ =	shalt  }
0x56: {  	_ =	shalt  }
0x57: {  	_ =	shalt  }
0x58: {  	_ =	shalt  }
0x59: {  	_ =	shalt  }
0x5a: {  	_ =	shalt  }
0x5b: {  	_ =	shalt  }
0x5c: {  	_ =	shalt  }
0x5d: {  	_ =	shalt  }
0x5e: {  	_ =	shalt  }
0x5f: {  	_ =	shalt  }
0x60: {  	_ =	shalt  }
0x61: {  	_ =	shalt  }
0x62: {  	_ =	shalt  }
0x63: {  	_ =	shalt  }
0x64: {  	_ =	shalt  }
0x65: {  	_ =	shalt  }
0x66: {  	_ =	shalt  }
0x67: {  	_ =	shalt  }
0x68: {  	_ =	shalt  }
0x69: {  	_ =	shalt  }
0x6a: {  	_ =	shalt  }
0x6b: {  	_ =	shalt  }
0x6c: {  	_ =	shalt  }
0x6d: {  	_ =	shalt  }
0x6e: {  	_ =	shalt  }
0x6f: {  	_ =	shalt  }
0x70: {  	_ =	shalt  }
0x71: {  	_ =	shalt  }
0x72: {  	_ =	shalt  }
0x73: {  	_ =	shalt  }
0x74: {  	_ =	shalt  }
0x75: {  	_ =	shalt  }
0x76: {  	_ =	shalt  }
0x77: {  	_ =	shalt  }
0x78: {  	_ =	shalt  }
0x79: {  	_ =	shalt  }
0x7a: {  	_ =	shalt  }
0x7b: {  	_ =	shalt  }
0x7c: {  	_ =	shalt  }
0x7d: {  	_ =	shalt  }
0x7e: {  	_ =	shalt  }
0x7f: {  	_ =	shalt  }
0x80: {  	_ =	shalt  }
0x81: {  	_ =	shalt  }
0x82: {  	_ =	shalt  }
0x83: {  	_ =	shalt  }
0x84: {  	_ =	shalt  }
0x85: {  	_ =	shalt  }
0x86: {  	_ =	shalt  }
0x87: {  	_ =	shalt  }
.Lfunc_end0:
.L_simem_size_0:
called_computation.1_lowered:
.L_overlay_start_0:
0x88: {  	s2 =	sld [smem:$0x3FD9]  }
0x89: {  	s3 =	sld [smem:$0x3FFE];
	_ =	sdelay $0x1  }
0x8a: {  	s1 =	srdreg.scid  }
0x8b: {  	s0 =	sand.u32 $0x1, s1  }
0x8c: {  	s17 =	sshll.u32 s0, $0xA;
	s2 =	sadd.s32 s3, s2  }
0x8d: {  	s2 =	sadd.s32 s2, s17  }
0x8e: {  	[smem:$0x3FC6] =	sst s2  }
0x8f: {  	_ = 	snop  }
0x90: {  	(tm) =	ssettm $0x1  }
0x91: {  	s18 =	sld [smem:$0x3FFB];
	_ =	sdelay $0x3  }
0x92: {  	_ =	strace s18  }
0x93: {  	s2 =	sld [smem:$0x3FFC];
	_ =	sdelay $0x3  }
0x94: {  	_ =	strace s2  }
0x95: {  	s2 =	sld [smem:$0x3FFD];
	_ =	sdelay $0x3  }
0x96: {  	_ =	strace s2  }
0x97: {  	_ =	strace $0x8FFFFFFF  }
0x98: {  	s19 =	sld [smem:$0x3FDB];
	_ =	sdelay $0x1  }
0x99: {  	s20 =	simm.s32 $_scs_section_size  }
0x9a: {  	s4 =	simm.s32 $_size__tile_overlayer_lowered;
	s5 =	simm.s32 $_tile_overlayer_lowered  }
0x9b: {  	s6 =	simm.s32 $0x1BFF;
	s21 =	sshll.u32 s5, $0x1;
	s3 =	sadd.s32 s20, s19  }
0x9c: {  	s22 =	simm.s32 $0x0;
	s4 =	sshll.u32 s4, $0x1;
	s5 =	sadd.s32 s21, s3  }
0x9d: {  	[timem:s22], [sflag:s6] =	dma.local [hbm:s5], s4  }
0x9e: {  	_ =	swait.ge [sflag:s6], s4  }
0x9f: {  	s4 =	ssub.s32 $0x0, s4;
	[sflag:s6] =	ssyncset.done $0x0  }
0xa0: {  	[sflag:s6] =	ssyncadd.s32 s4;
	_ =	sdelay $0x1  }
0xa1: {  	s23 =	simm.s32 $0x1B8B  }
0xa2: {  	_ =	swait.ge [sflag:s23], $0x1  }
0xa3: {  	[sflag:s23] =	ssyncset.done $0x0  }
0xa4: {  	[sflag:s23] =	ssyncadd.s32 $0xFFFFFFFF  }
0xa5: {  	s4 =	sld [smem:$0x0]  }
0xa6: {  	s5 =	sand.u32 $0xFFFFFFFE, s1  }
0xa7: {  	p0 =	sne.s32 s1, s5  }
0xa8: {  	s5 =	sshll.u32 @p0 s5, $0xE  }
0xa9: {  	s5 =	sadd.s32 @p0 $0x11B8D, s5;
	s6 =	sshll.u32 @p0 s4, $0x11  }
0xaa: {  	s5 =	sor.u32 @p0 s6, s5  }
0xab: {  	[sflag:s5] =	ssyncadd.remote.s32 @p0 $0x1;
	_ =	sdelay $0x1  }
0xac: {  	s5 =	simm.s32 @p0 $0x1B8D  }
0xad: {  	_ =	swait.eq @p0 [sflag:s5], $0x1  }
0xae: {  	[sflag:s5] =	ssyncadd.s32 @p0 $0xFFFFFFFF  }
0xaf: {  	s6 =	sshll.u32 @!p0 s1, $0xE  }
0xb0: {  	s6 =	sor.u32 @!p0 $0x4000, s6;
	s5 =	simm.s32 @!p0 $0x1B8D  }
0xb1: {  	s4 =	sshll.u32 @!p0 s4, $0x11;
	s6 =	sadd.s32 @!p0 $0x11B8D, s6;
	_ =	swait.eq @!p0 [sflag:s5], $0x1  }
0xb2: {  	s4 =	sor.u32 @!p0 s4, s6;
	[sflag:s5] =	ssyncadd.s32 @!p0 $0xFFFFFFFF  }
0xb3: {  	s25 =	simm.s32 $0x1B8E;
	s24 =	sld [smem:$0x3FFE];
	[sflag:s4] =	ssyncadd.remote.s32 @!p0 $0x1  }
0xb4: {  	s26 =	simm.s32 $execute0_lowered;
	[smem:$0x3FD2] =	sst s25  }
0xb5: {  	s5 =	sshll.u32 s26, $0x1;
	_ =	strace $0x80000049;
	[dreg:$0x1] =	wrdreg $0xFFFFFFFF  }
0xb6: {  	s28 =	simm.s32 $_size_execute0_lowered;
	s3 =	sadd.s32 s3, s5;
	[dreg:$0x0] =	wrdreg $0x0  }
0xb7: {  	s5 =	sshll.u32 s28, $0x1;
	[dreg:$0x2] =	wrdreg s3  }
0xb8: {  	[dreg:$0x3] =	wrdreg s5  }
0xb9: {  	[dreg:$0x4] =	wrdreg $0xC0  }
0xba: {  	_ =	task [dreg:s22], $0x5FFFF  }
0xbb: {  	[dreg:$0x1] =	wrdreg $0xFFFFFFFF  }
0xbc: {  	[dreg:$0x0] =	wrdreg $0x60  }
0xbd: {  	[dreg:$0x2] =	wrdreg s24  }
0xbe: {  	[dreg:$0x3] =	wrdreg $0xA  }
0xbf: {  	_ =	task.clear_ibuf [dreg:s22], $0x4FFFF;
	_ =	strace $0x90000049  }
0xc0: {  	s29 =	simm.s32 $0xA;
	_ =	strace $0x8000004B  }
0xc1: {  	_ =	swait.ge [sflag:s29], $0x1  }
0xc2: {  	[sflag:s29] =	ssyncadd.s32 $0xFFFFFFFF  }
0xc3: {  	_ =	strace $0x9000004B  }
0xc4: {  	_ =	sfence  }
0xc5: {  	s30 =	sld [smem:$0x0];
	_ =	sdelay $0x2  }
0xc6: {  	s31 =	sshll.u32 s1, $0xD;
	s1 =	sshrl.u32 s1, $0x2  }
0xc7: {  	s4 =	sand.u32 $0x4000, s31;
	s1 =	sadd.s32 s1, s30  }
0xc8: {  	s0 =	sor.u32 s4, s0;
	s1 =	sshll.u32 s1, $0x11  }
0xc9: {  	s0 =	sor.u32 s1, s0  }
0xca: {  	s0 =	sadd.s32 $0x8F2B, s0  }
0xcb: {  	[sflag:s0] =	ssyncadd.remote.s32 $0x1  }
0xcc: {  	_ =	sfence.sel $0xFFFF  }
0xcd: {  	[dreg:$0x0] =	wrdreg $0xFFFFFFFF;
	(pc) =	sbr.abs _section_cstart, $3  }
0xce: {  	[dreg:$0x1] =	wrdreg $0xFFFFFFFF  }
0xcf: {  	_ =	task.clear_ibuf [dreg:s22], $0x2FFFF;
	_ =	strace $0x9FFFFFFF  }
0xd0: {  	(tm) =	ssettm $0x7FFFFFFF  }
0xd1: {  	_ =	shalt  }
tec
execute0_lowered:
.L_overlay_start_1:
0x0: {  	(tag) =	ssettag $0x1  }
0x1: {  	s0 =	rddreg [dreg:$0x0];
	s1 =	srdreg.scid;
	s5 =	simm.s32 $0x0  }
0x2: {  	s1 =	sand.u32 $0x1, s1;
	[smem:$0x7FF] =	sst s5  }
0x3: {  	s3 =	stileid.u32;
	s2 =	sshll.u32 s1, $0x4;
	_ =	strace $0x8000004A  }
0x4: {  	s1 =	ssub.s32 $0x2, s1;
	s2 =	sor.u32 s3, s2;
	s3 =	sshll.u32 s3, $0x4  }
0x5: {  	s29 =	sshrl.u32 s1, $0x1;
	s4 =	sshll.u32 s2, $0xB;
	s3 =	sand.u32 $0x70, s3  }
0x6: {  	s2 =	sshll.u32 s2, $0x6;
	s1 =	ssub.s32 s1, s29;
	s3 =	sadd.s32 s3, s0  }
0x7: {  	s2 =	sand.u32 $0x600, s2;
	s0 =	sadd.s32 s4, s0;
	s31 =	smax.u32 s1, $0x1  }
0x8: {  	s2 =	sadd.s32 s2, s3;
	s0 =	sadd.s32 $0x31A00, s0;
	[smem:$0x7FD] =	sst s31  }
0x9: {  	v1 =	vlaneseq.u32;
	[smem:$0x7FB] =	sst s0;
	s30 =	sadd.s32 $0x41A00, s2  }
0xa: {  	s7 =	simm.s32 $0x4000;
	v0 =	vimm.f32 $0.0e+00;
	v2 =	vimm.f32 $1.000000000e+00;
	v1 =	vmul.u32 $0x200, v1;
	s2 =	simm.s32 $0x1;
	[smem:$0x7FC] =	sst s30  }
.LBB2_1:
0xb: {  	[smem:$0x7FA] =	sst s5;
	s0 =	simm.s32 $0x4040  }
0xc: {  	[tilespmem:s0+$0xFFFFFFC0] =	vst v0  }
0xd: {  	[tilespmem:s0+$0x30] =	vst v0  }
0xe: {  	[tilespmem:s0+$0x20] =	vst v0  }
0xf: {  	[tilespmem:s0+$0x10] =	vst v0  }
0x10: {  	[tilespmem:s0+$0x0] =	vst v0  }
0x11: {  	[tilespmem:s0+$0xFFFFFFF0] =	vst v0  }
0x12: {  	s1 =	simm.s32 $0x0;
	[tilespmem:s0+$0xFFFFFFE0] =	vst v0  }
.LBB2_2:
0x13: {  	s1 =	sadd.s32 $0x80, s1;
	[tilespmem:s0+$0xFFFFFFD0] =	vst v0;
	s0 =	sadd.s32 $0x80, s0  }
0x14: {  	[tilespmem:s0+$0xFFFFFFC0] =	vst v0;
	p0 =	slt.u32 s1, $0x1F80  }
0x15: {  	[tilespmem:s0+$0x30] =	vst v0  }
.Ltmp0:
0x16: {  	[tilespmem:s0+$0x20] =	vst v0;
	(pc) =	sbr.rel @p0 .LBB2_2-.Ltmp0, $4  }
0x17: {  	[tilespmem:s0+$0x10] =	vst v0  }
0x18: {  	[tilespmem:s0+$0x0] =	vst v0  }
0x19: {  	[tilespmem:s0+$0xFFFFFFF0] =	vst v0  }
0x1a: {  	[tilespmem:s0+$0xFFFFFFE0] =	vst v0  }
0x1b: {  	[tilespmem:s0+$0xFFFFFFD0] =	vst v0  }
0x1c: {  	s1 =	sld [smem:$0x7FB];
	_ =	sdelay $0x1  }
0x1d: {  	s9 =	simm.s32 $0x0  }
0x1e: {  	[tilespmem:s9], [sflag:$0x1] =	stream.linear.gather [hbm4b:s1+s9], $0x4000, $0x38;
	[tilespmem:$0x6200] =	vst v63  }
0x1f: {  	_ =	swait.ge [sflag:s2], $0x4000  }
0x20: {  	s10 =	sand.u32 $0x3000, s9;
	s0 =	sand.u32 $0x200, s9;
	[sflag:s2] =	ssyncset.done $0x0  }
0x21: {  	s0 =	sor.u32 s0, s10;
	[sflag:s2] =	ssyncadd.s32 $0xFFFFC000  }
0x22: {  	v3 =	vld [tilespmem:s0+$0x180];
	_ =	sdelay $0x4  }
0x23: {  	v3 =	vadd.s32 v1, v3;
	_ =	sdelay $0x4  }
0x24: {  	[tilespmem:v3+s7+$0x0] =	vst.idx.add.f32.msk $0xffff, v2  }
0x25: {  	v3 =	vld [tilespmem:s0+$0x190];
	_ =	sdelay $0x3  }
0x26: {  	v4 =	vld [tilespmem:s0+$0x0]  }
0x27: {  	v3 =	vadd.s32 v1, v3  }
0x28: {  	v5 =	vld [tilespmem:s0+$0x80];
	_ =	sdelay $0x2  }
0x29: {  	v6 =	vld [tilespmem:s0+$0x100];
	v4 =	vadd.s32 v1, v4  }
0x2a: {  	[tilespmem:v3+s7+$0x0] =	vst.idx.add.f32.msk $0xffff, v2  }
0x2b: {  	v3 =	vadd.s32 v1, v5;
	v5 =	vld [tilespmem:s0+$0x1A0];
	_ =	sdelay $0x2  }
0x2c: {  	v6 =	vadd.s32 v1, v6;
	[tilespmem:v4+s7+$0x0] =	vst.idx.add.f32.msk $0xffff, v2  }
0x2d: {  	v4 =	vld [tilespmem:s0+$0x10]  }
0x2e: {  	[tilespmem:v3+s7+$0x0] =	vst.idx.add.f32.msk $0xffff, v2;
	v3 =	vadd.s32 v1, v5  }
0x2f: {  	v5 =	vld [tilespmem:s0+$0x90];
	_ =	sdelay $0x1  }
0x30: {  	[tilespmem:v6+s7+$0x0] =	vst.idx.add.f32.msk $0xffff, v2  }
0x31: {  	v6 =	vld [tilespmem:s0+$0x110];
	v4 =	vadd.s32 v1, v4  }
0x32: {  	[tilespmem:v3+s7+$0x0] =	vst.idx.add.f32.msk $0xffff, v2  }
0x33: {  	v3 =	vadd.s32 v1, v5;
	v5 =	vld [tilespmem:s0+$0x1B0];
	_ =	sdelay $0x2  }
0x34: {  	v6 =	vadd.s32 v1, v6;
	[tilespmem:v4+s7+$0x0] =	vst.idx.add.f32.msk $0xffff, v2  }
0x35: {  	v4 =	vld [tilespmem:s0+$0x20]  }
0x36: {  	[tilespmem:v3+s7+$0x0] =	vst.idx.add.f32.msk $0xffff, v2;
	v3 =	vadd.s32 v1, v5  }
0x37: {  	v5 =	vld [tilespmem:s0+$0xA0];
	_ =	sdelay $0x1  }
0x38: {  	[tilespmem:v6+s7+$0x0] =	vst.idx.add.f32.msk $0xffff, v2  }
0x39: {  	v6 =	vld [tilespmem:s0+$0x120];
	v4 =	vadd.s32 v1, v4  }
0x3a: {  	[tilespmem:v3+s7+$0x0] =	vst.idx.add.f32.msk $0xffff, v2  }
0x3b: {  	v3 =	vadd.s32 v1, v5;
	v5 =	vld [tilespmem:s0+$0x1C0];
	_ =	sdelay $0x2  }
0x3c: {  	[tilespmem:v4+s7+$0x0] =	vst.idx.add.f32.msk $0xffff, v2;
	v4 =	vadd.s32 v1, v6  }
0x3d: {  	v6 =	vld [tilespmem:s0+$0x30]  }
0x3e: {  	[tilespmem:v3+s7+$0x0] =	vst.idx.add.f32.msk $0xffff, v2;
	v3 =	vadd.s32 v1, v5  }
0x3f: {  	v5 =	vld [tilespmem:s0+$0xB0];
	_ =	sdelay $0x1  }
0x40: {  	[tilespmem:v4+s7+$0x0] =	vst.idx.add.f32.msk $0xffff, v2  }
0x41: {  	v4 =	vadd.s32 v1, v6;
	v6 =	vld [tilespmem:s0+$0x130]  }
0x42: {  	[tilespmem:v3+s7+$0x0] =	vst.idx.add.f32.msk $0xffff, v2  }
0x43: {  	v3 =	vadd.s32 v1, v5;
	v5 =	vld [tilespmem:s0+$0x1D0];
	_ =	sdelay $0x2  }
0x44: {  	[tilespmem:v4+s7+$0x0] =	vst.idx.add.f32.msk $0xffff, v2;
	v4 =	vadd.s32 v1, v6  }
0x45: {  	v6 =	vld [tilespmem:s0+$0x40]  }
0x46: {  	[tilespmem:v3+s7+$0x0] =	vst.idx.add.f32.msk $0xffff, v2;
	v3 =	vadd.s32 v1, v5  }
0x47: {  	v5 =	vld [tilespmem:s0+$0xC0];
	_ =	sdelay $0x1  }
0x48: {  	[tilespmem:v4+s7+$0x0] =	vst.idx.add.f32.msk $0xffff, v2  }
0x49: {  	v4 =	vadd.s32 v1, v6;
	v6 =	vld [tilespmem:s0+$0x140]  }
0x4a: {  	[tilespmem:v3+s7+$0x0] =	vst.idx.add.f32.msk $0xffff, v2  }
0x4b: {  	v3 =	vadd.s32 v1, v5;
	v5 =	vld [tilespmem:s0+$0x1E0];
	_ =	sdelay $0x2  }
0x4c: {  	[tilespmem:v4+s7+$0x0] =	vst.idx.add.f32.msk $0xffff, v2;
	v4 =	vadd.s32 v1, v6  }
0x4d: {  	v6 =	vld [tilespmem:s0+$0x50]  }
0x4e: {  	[tilespmem:v3+s7+$0x0] =	vst.idx.add.f32.msk $0xffff, v2;
	v3 =	vadd.s32 v1, v5  }
0x4f: {  	v5 =	vld [tilespmem:s0+$0xD0];
	_ =	sdelay $0x1  }
0x50: {  	[tilespmem:v4+s7+$0x0] =	vst.idx.add.f32.msk $0xffff, v2  }
0x51: {  	v4 =	vadd.s32 v1, v6;
	v6 =	vld [tilespmem:s0+$0x150]  }
0x52: {  	[tilespmem:v3+s7+$0x0] =	vst.idx.add.f32.msk $0xffff, v2  }
0x53: {  	v3 =	vadd.s32 v1, v5;
	v5 =	vld [tilespmem:s0+$0x1F0];
	_ =	sdelay $0x2  }
0x54: {  	[tilespmem:v4+s7+$0x0] =	vst.idx.add.f32.msk $0xffff, v2;
	v4 =	vadd.s32 v1, v6  }
0x55: {  	v6 =	vld [tilespmem:s0+$0x60]  }
0x56: {  	[tilespmem:v3+s7+$0x0] =	vst.idx.add.f32.msk $0xffff, v2;
	v3 =	vadd.s32 v1, v5  }
0x57: {  	v5 =	vld [tilespmem:s0+$0xE0];
	_ =	sdelay $0x1  }
0x58: {  	[tilespmem:v4+s7+$0x0] =	vst.idx.add.f32.msk $0xffff, v2  }
0x59: {  	v4 =	vadd.s32 v1, v6;
	v6 =	vld [tilespmem:s0+$0x160]  }
0x5a: {  	[tilespmem:v3+s7+$0x0] =	vst.idx.add.f32.msk $0xffff, v2  }
0x5b: {  	v3 =	vadd.s32 v1, v5;
	v5 =	vld [tilespmem:s0+$0x580];
	_ =	sdelay $0x2  }
0x5c: {  	[tilespmem:v4+s7+$0x0] =	vst.idx.add.f32.msk $0xffff, v2;
	v4 =	vadd.s32 v1, v6  }
0x5d: {  	v6 =	vld [tilespmem:s0+$0x70]  }
0x5e: {  	[tilespmem:v3+s7+$0x0] =	vst.idx.add.f32.msk $0xffff, v2;
	v3 =	vadd.s32 v1, v5  }
0x5f: {  	v5 =	vld [tilespmem:s0+$0xF0];
	_ =	sdelay $0x1  }
0x60: {  	[tilespmem:v4+s7+$0x0] =	vst.idx.add.f32.msk $0xffff, v2  }
0x61: {  	v4 =	vadd.s32 v1, v6;
	v6 =	vld [tilespmem:s0+$0x170]  }
0x62: {  	[tilespmem:v3+s7+$0x0] =	vst.idx.add.f32.msk $0xffff, v2  }
0x63: {  	v3 =	vadd.s32 v1, v5;
	v5 =	vld [tilespmem:s0+$0x590];
	_ =	sdelay $0x2  }
0x64: {  	[tilespmem:v4+s7+$0x0] =	vst.idx.add.f32.msk $0xffff, v2;
	v4 =	vadd.s32 v1, v6  }
0x65: {  	v6 =	vld [tilespmem:s0+$0x400]  }
0x66: {  	[tilespmem:v3+s7+$0x0] =	vst.idx.add.f32.msk $0xffff, v2;
	v3 =	vadd.s32 v1, v5  }
0x67: {  	v5 =	vld [tilespmem:s0+$0x480];
	_ =	sdelay $0x1  }
0x68: {  	[tilespmem:v4+s7+$0x0] =	vst.idx.add.f32.msk $0xffff, v2  }
0x69: {  	v4 =	vadd.s32 v1, v6;
	v6 =	vld [tilespmem:s0+$0x500]  }
0x6a: {  	[tilespmem:v3+s7+$0x0] =	vst.idx.add.f32.msk $0xffff, v2  }
0x6b: {  	v3 =	vadd.s32 v1, v5;
	v5 =	vld [tilespmem:s0+$0x5A0];
	_ =	sdelay $0x2  }
0x6c: {  	[tilespmem:v4+s7+$0x0] =	vst.idx.add.f32.msk $0xffff, v2;
	v4 =	vadd.s32 v1, v6  }
0x6d: {  	v6 =	vld [tilespmem:s0+$0x410]  }
0x6e: {  	[tilespmem:v3+s7+$0x0] =	vst.idx.add.f32.msk $0xffff, v2;
	v3 =	vadd.s32 v1, v5  }
0x6f: {  	v5 =	vld [tilespmem:s0+$0x490];
	_ =	sdelay $0x1  }
0x70: {  	[tilespmem:v4+s7+$0x0] =	vst.idx.add.f32.msk $0xffff, v2  }
0x71: {  	v4 =	vadd.s32 v1, v6;
	v6 =	vld [tilespmem:s0+$0x510]  }
0x72: {  	[tilespmem:v3+s7+$0x0] =	vst.idx.add.f32.msk $0xffff, v2  }
0x73: {  	v3 =	vadd.s32 v1, v5;
	v5 =	vld [tilespmem:s0+$0x5B0];
	_ =	sdelay $0x2  }
0x74: {  	[tilespmem:v4+s7+$0x0] =	vst.idx.add.f32.msk $0xffff, v2;
	v4 =	vadd.s32 v1, v6  }
0x75: {  	v6 =	vld [tilespmem:s0+$0x420]  }
0x76: {  	[tilespmem:v3+s7+$0x0] =	vst.idx.add.f32.msk $0xffff, v2;
	v3 =	vadd.s32 v1, v5  }
0x77: {  	v5 =	vld [tilespmem:s0+$0x4A0];
	_ =	sdelay $0x1  }
0x78: {  	[tilespmem:v4+s7+$0x0] =	vst.idx.add.f32.msk $0xffff, v2  }
0x79: {  	v4 =	vadd.s32 v1, v6;
	v6 =	vld [tilespmem:s0+$0x520]  }
0x7a: {  	[tilespmem:v3+s7+$0x0] =	vst.idx.add.f32.msk $0xffff, v2  }
0x7b: {  	v3 =	vadd.s32 v1, v5;
	v5 =	vld [tilespmem:s0+$0x5C0];
	_ =	sdelay $0x2  }
0x7c: {  	[tilespmem:v4+s7+$0x0] =	vst.idx.add.f32.msk $0xffff, v2;
	v4 =	vadd.s32 v1, v6  }
0x7d: {  	v6 =	vld [tilespmem:s0+$0x430]  }
0x7e: {  	[tilespmem:v3+s7+$0x0] =	vst.idx.add.f32.msk $0xffff, v2;
	v3 =	vadd.s32 v1, v5  }
0x7f: {  	v5 =	vld [tilespmem:s0+$0x4B0];
	_ =	sdelay $0x1  }
0x80: {  	[tilespmem:v4+s7+$0x0] =	vst.idx.add.f32.msk $0xffff, v2  }
0x81: {  	v4 =	vadd.s32 v1, v6;
	v6 =	vld [tilespmem:s0+$0x530]  }
0x82: {  	[tilespmem:v3+s7+$0x0] =	vst.idx.add.f32.msk $0xffff, v2  }
0x83: {  	v3 =	vadd.s32 v1, v5;
	v5 =	vld [tilespmem:s0+$0x5D0];
	_ =	sdelay $0x2  }
0x84: {  	[tilespmem:v4+s7+$0x0] =	vst.idx.add.f32.msk $0xffff, v2;
	v4 =	vadd.s32 v1, v6  }
0x85: {  	v6 =	vld [tilespmem:s0+$0x440]  }
0x86: {  	[tilespmem:v3+s7+$0x0] =	vst.idx.add.f32.msk $0xffff, v2;
	v3 =	vadd.s32 v1, v5  }
0x87: {  	v5 =	vld [tilespmem:s0+$0x4C0];
	_ =	sdelay $0x1  }
0x88: {  	[tilespmem:v4+s7+$0x0] =	vst.idx.add.f32.msk $0xffff, v2  }
0x89: {  	v4 =	vadd.s32 v1, v6;
	v6 =	vld [tilespmem:s0+$0x540]  }
0x8a: {  	[tilespmem:v3+s7+$0x0] =	vst.idx.add.f32.msk $0xffff, v2  }
0x8b: {  	v3 =	vadd.s32 v1, v5;
	v5 =	vld [tilespmem:s0+$0x5E0];
	_ =	sdelay $0x2  }
0x8c: {  	[tilespmem:v4+s7+$0x0] =	vst.idx.add.f32.msk $0xffff, v2;
	v4 =	vadd.s32 v1, v6  }
0x8d: {  	v6 =	vld [tilespmem:s0+$0x450]  }
0x8e: {  	[tilespmem:v3+s7+$0x0] =	vst.idx.add.f32.msk $0xffff, v2;
	v3 =	vadd.s32 v1, v5  }
0x8f: {  	v5 =	vld [tilespmem:s0+$0x4D0];
	_ =	sdelay $0x1  }
0x90: {  	[tilespmem:v4+s7+$0x0] =	vst.idx.add.f32.msk $0xffff, v2  }
0x91: {  	v4 =	vadd.s32 v1, v6;
	v6 =	vld [tilespmem:s0+$0x550]  }
0x92: {  	[tilespmem:v3+s7+$0x0] =	vst.idx.add.f32.msk $0xffff, v2  }
0x93: {  	v3 =	vadd.s32 v1, v5;
	v5 =	vld [tilespmem:s0+$0x5F0];
	_ =	sdelay $0x2  }
0x94: {  	[tilespmem:v4+s7+$0x0] =	vst.idx.add.f32.msk $0xffff, v2;
	v4 =	vadd.s32 v1, v6  }
0x95: {  	v6 =	vld [tilespmem:s0+$0x460]  }
0x96: {  	p0 =	por $0x0, $0x0;
	s1 =	simm.s32 $0x1;
	[tilespmem:v3+s7+$0x0] =	vst.idx.add.f32.msk $0xffff, v2;
	v3 =	vadd.s32 v1, v5  }
0x97: {  	s1 =	simm.s32 @!p0 $0x0;
	v5 =	vld [tilespmem:s0+$0x4E0]  }
0x98: {  	s1 =	sshll.u32 s1, $0x9  }
0x99: {  	s1 =	sadd.s32 $0x0, s1;
	[tilespmem:v4+s7+$0x0] =	vst.idx.add.f32.msk $0xffff, v2  }
0x9a: {  	s21 =	sadd.s32 $0x180, s1;
	v4 =	vadd.s32 v1, v6;
	v6 =	vld [tilespmem:s0+$0x560]  }
0x9b: {  	s11 =	sor.u32 $0x800, s21;
	[tilespmem:v3+s7+$0x0] =	vst.idx.add.f32.msk $0xffff, v2  }
0x9c: {  	v3 =	vadd.s32 v1, v5;
	v5 =	vld [tilespmem:s11+$0x0];
	_ =	sdelay $0x2  }
0x9d: {  	[tilespmem:v4+s7+$0x0] =	vst.idx.add.f32.msk $0xffff, v2;
	v4 =	vadd.s32 v1, v6  }
0x9e: {  	v6 =	vld [tilespmem:s0+$0x470]  }
0x9f: {  	[tilespmem:v3+s7+$0x0] =	vst.idx.add.f32.msk $0xffff, v2;
	v3 =	vadd.s32 v1, v5  }
0xa0: {  	v5 =	vld [tilespmem:s0+$0x4F0];
	_ =	sdelay $0x1  }
0xa1: {  	[tilespmem:v4+s7+$0x0] =	vst.idx.add.f32.msk $0xffff, v2  }
0xa2: {  	v4 =	vadd.s32 v1, v6;
	v6 =	vld [tilespmem:s0+$0x570]  }
0xa3: {  	s12 =	sor.u32 $0x810, s21;
	[tilespmem:v3+s7+$0x0] =	vst.idx.add.f32.msk $0xffff, v2  }
0xa4: {  	v3 =	vadd.s32 v1, v5;
	v5 =	vld [tilespmem:s12+$0x0];
	_ =	sdelay $0x2  }
0xa5: {  	s13 =	sor.u32 $0x800, s1;
	[tilespmem:v4+s7+$0x0] =	vst.idx.add.f32.msk $0xffff, v2;
	v4 =	vadd.s32 v1, v6  }
0xa6: {  	s4 =	sadd.s32 $0x80, s1;
	v6 =	vld [tilespmem:s13+$0x0]  }
0xa7: {  	s14 =	sor.u32 $0x800, s4;
	[tilespmem:v3+s7+$0x0] =	vst.idx.add.f32.msk $0xffff, v2;
	v3 =	vadd.s32 v1, v5  }
0xa8: {  	v5 =	vld [tilespmem:s14+$0x0]  }
0xa9: {  	s3 =	sadd.s32 $0x100, s1  }
0xaa: {  	s15 =	sor.u32 $0x800, s3;
	[tilespmem:v4+s7+$0x0] =	vst.idx.add.f32.msk $0xffff, v2  }
0xab: {  	v4 =	vadd.s32 v1, v6;
	v6 =	vld [tilespmem:s15+$0x0]  }
0xac: {  	s16 =	sor.u32 $0x820, s21;
	[tilespmem:v3+s7+$0x0] =	vst.idx.add.f32.msk $0xffff, v2  }
0xad: {  	v3 =	vadd.s32 v1, v5;
	v5 =	vld [tilespmem:s16+$0x0];
	_ =	sdelay $0x2  }
0xae: {  	s17 =	sor.u32 $0x810, s1;
	[tilespmem:v4+s7+$0x0] =	vst.idx.add.f32.msk $0xffff, v2;
	v4 =	vadd.s32 v1, v6  }
0xaf: {  	v6 =	vld [tilespmem:s17+$0x0]  }
0xb0: {  	s18 =	sor.u32 $0x810, s4;
	[tilespmem:v3+s7+$0x0] =	vst.idx.add.f32.msk $0xffff, v2;
	v3 =	vadd.s32 v1, v5  }
0xb1: {  	v5 =	vld [tilespmem:s18+$0x0];
	_ =	sdelay $0x1  }
0xb2: {  	s19 =	sor.u32 $0x810, s3;
	[tilespmem:v4+s7+$0x0] =	vst.idx.add.f32.msk $0xffff, v2  }
0xb3: {  	v4 =	vadd.s32 v1, v6;
	v6 =	vld [tilespmem:s19+$0x0]  }
0xb4: {  	s20 =	sor.u32 $0x830, s21;
	[tilespmem:v3+s7+$0x0] =	vst.idx.add.f32.msk $0xffff, v2  }
0xb5: {  	v3 =	vadd.s32 v1, v5;
	v5 =	vld [tilespmem:s20+$0x0];
	_ =	sdelay $0x2  }
0xb6: {  	s22 =	sor.u32 $0x820, s1;
	[tilespmem:v4+s7+$0x0] =	vst.idx.add.f32.msk $0xffff, v2;
	v4 =	vadd.s32 v1, v6  }
0xb7: {  	v6 =	vld [tilespmem:s22+$0x0]  }
0xb8: {  	s23 =	sor.u32 $0x820, s4;
	[tilespmem:v3+s7+$0x0] =	vst.idx.add.f32.msk $0xffff, v2;
	v3 =	vadd.s32 v1, v5  }
0xb9: {  	v5 =	vld [tilespmem:s23+$0x0];
	_ =	sdelay $0x1  }
0xba: {  	s24 =	sor.u32 $0x820, s3;
	[tilespmem:v4+s7+$0x0] =	vst.idx.add.f32.msk $0xffff, v2  }
0xbb: {  	v4 =	vadd.s32 v1, v6;
	v6 =	vld [tilespmem:s24+$0x0]  }
0xbc: {  	s25 =	sor.u32 $0x840, s21;
	[tilespmem:v3+s7+$0x0] =	vst.idx.add.f32.msk $0xffff, v2  }
0xbd: {  	v3 =	vadd.s32 v1, v5;
	v5 =	vld [tilespmem:s25+$0x0];
	_ =	sdelay $0x2  }
0xbe: {  	s26 =	sor.u32 $0x830, s1;
	[tilespmem:v4+s7+$0x0] =	vst.idx.add.f32.msk $0xffff, v2;
	v4 =	vadd.s32 v1, v6  }
0xbf: {  	v6 =	vld [tilespmem:s26+$0x0]  }
0xc0: {  	s2 =	sor.u32 $0x830, s4;
	[tilespmem:v3+s7+$0x0] =	vst.idx.add.f32.msk $0xffff, v2;
	v3 =	vadd.s32 v1, v5  }
0xc1: {  	v5 =	vld [tilespmem:s2+$0x0];
	_ =	sdelay $0x1  }
0xc2: {  	s5 =	sor.u32 $0x830, s3;
	[tilespmem:v4+s7+$0x0] =	vst.idx.add.f32.msk $0xffff, v2  }
0xc3: {  	v4 =	vadd.s32 v1, v6;
	v6 =	vld [tilespmem:s5+$0x0]  }
0xc4: {  	s6 =	sor.u32 $0x850, s21;
	[tilespmem:v3+s7+$0x0] =	vst.idx.add.f32.msk $0xffff, v2  }
0xc5: {  	v3 =	vadd.s32 v1, v5;
	v5 =	vld [tilespmem:s6+$0x0];
	_ =	sdelay $0x2  }
0xc6: {  	s8 =	sor.u32 $0x840, s1;
	[tilespmem:v4+s7+$0x0] =	vst.idx.add.f32.msk $0xffff, v2;
	v4 =	vadd.s32 v1, v6  }
0xc7: {  	v6 =	vld [tilespmem:s8+$0x0]  }
0xc8: {  	s9 =	sor.u32 $0x840, s4;
	[tilespmem:v3+s7+$0x0] =	vst.idx.add.f32.msk $0xffff, v2;
	v3 =	vadd.s32 v1, v5  }
0xc9: {  	v5 =	vld [tilespmem:s9+$0x0];
	_ =	sdelay $0x1  }
0xca: {  	s10 =	sor.u32 $0x840, s3;
	[tilespmem:v4+s7+$0x0] =	vst.idx.add.f32.msk $0xffff, v2  }
0xcb: {  	s29 =	sor.u32 $0x870, s4;
	s28 =	sor.u32 $0x870, s3;
	v4 =	vadd.s32 v1, v6;
	v6 =	vld [tilespmem:s10+$0x0]  }
0xcc: {  	s31 =	sor.u32 $0xC10, s4;
	s30 =	sor.u32 $0xC40, s3;
	s8 =	sor.u32 $0x860, s4;
	[tilespmem:v3+s7+$0x0] =	vst.idx.add.f32.msk $0xffff, v2  }
0xcd: {  	s13 =	sor.u32 $0x860, s21;
	s14 =	sor.u32 $0x860, s3;
	v3 =	vadd.s32 v1, v5;
	[dreg:$0xa] =	wrdreg s8  }
0xce: {  	s11 =	sor.u32 $0x850, s4;
	s15 =	sor.u32 $0x860, s1;
	v5 =	vld [tilespmem:s13+$0x0];
	[dreg:$0x9] =	wrdreg s14  }
0xcf: {  	s0 =	simm.s32 $0x800;
	s16 =	sor.u32 $0x870, s1;
	[dreg:$0xb] =	wrdreg s15  }
0xd0: {  	s12 =	sor.u32 $0xC40, s1;
	s17 =	sor.u32 $0xC50, s1;
	[dreg:$0x8] =	wrdreg s16  }
0xd1: {  	s19 =	sor.u32 $0xC60, s1;
	s22 =	sor.u32 $0x870, s21;
	s18 =	sor.u32 $0xC30, s1;
	[tilespmem:v4+s7+$0x0] =	vst.idx.add.f32.msk $0xffff, v2;
	v4 =	vadd.s32 v1, v6  }
0xd2: {  	s24 =	sor.u32 $0xC30, s3;
	s20 =	sor.u32 $0xC20, s1;
	s6 =	sor.u32 $0x850, s1;
	[tilespmem:v3+s7+$0x0] =	vst.idx.add.f32.msk $0xffff, v2  }
0xd3: {  	s26 =	sor.u32 $0xC10, s3;
	s5 =	sor.u32 $0x850, s3;
	v6 =	vld [tilespmem:s6+$0x0];
	[dreg:$0x6] =	wrdreg s17;
	v3 =	vadd.s32 v1, v5  }
0xd4: {  	s23 =	sor.u32 $0xC60, s4;
	s25 =	sor.u32 $0xC50, s4;
	s2 =	sor.u32 $0xC00, s4;
	v5 =	vld [tilespmem:s11+$0x0]  }
0xd5: {  	s10 =	sor.u32 $0xC00, s1;
	s9 =	sor.u32 $0xC40, s4;
	[dreg:$0x7] =	wrdreg s19  }
0xd6: {  	s8 =	sor.u32 $0xC20, s3;
	s16 =	sor.u32 $0xC00, s3;
	s14 =	sor.u32 $0xC10, s1;
	[tilespmem:v4+s7+$0x0] =	vst.idx.add.f32.msk $0xffff, v2  }
0xd7: {  	s15 =	sor.u32 $0xC20, s4;
	s13 =	sor.u32 $0xC30, s4;
	s1 =	sor.u32 $0xC70, s1;
	v4 =	vld [tilespmem:s5+$0x0]  }
0xd8: {  	s6 =	sor.u32 $0xC70, s4;
	s4 =	simm.s32 $0x0;
	s17 =	sor.u32 $0xC50, s3;
	[tilespmem:v3+s7+$0x0] =	vst.idx.add.f32.msk $0xffff, v2  }
0xd9: {  	s19 =	sor.u32 $0xC60, s3;
	s3 =	sor.u32 $0xC70, s3;
	v6 =	vadd.s32 v1, v6;
	s5 =	simm.s32 $0x200;
	v5 =	vadd.s32 v1, v5;
	v3 =	vld [tilespmem:s22+$0x0]  }
.LBB2_4:
0xda: {  	[dreg:$0xe] =	wrdreg s3  }
0xdb: {  	[dreg:$0x4] =	wrdreg s0  }
0xdc: {  	s4 =	sadd.s32 $0x4, s4;
	s0 =	rddreg [dreg:$0x4]  }
0xdd: {  	s3 =	sand.u32 $0x200, s5;
	[dreg:$0x2] =	wrdreg s4  }
0xde: {  	[tilespmem:v6+s7+$0x0] =	vst.idx.add.f32.msk $0xffff, v2;
	p1 =	slt.u32 s4, $0x1C;
	s4 =	rddreg [dreg:$0xb];
	s0 =	sand.u32 $0x3000, s0  }
0xdf: {  	[dreg:$0x3] =	wrdreg s5;
	v6 =	vld [tilespmem:s4+$0x0];
	s5 =	sor.u32 s3, s0  }
0xe0: {  	v4 =	vadd.s32 v1, v4;
	v7 =	vld [tilespmem:s5+$0x180]  }
0xe1: {  	v8 =	vld [tilespmem:s5+$0x0]  }
0xe2: {  	v9 =	vld [tilespmem:s5+$0x80];
	v3 =	vadd.s32 v1, v3  }
0xe3: {  	v10 =	vld [tilespmem:s5+$0x100]  }
0xe4: {  	[dreg:$0x10] =	wrdreg s6;
	[tilespmem:v5+s7+$0x0] =	vst.idx.add.f32.msk $0xffff, v2  }
0xe5: {  	s6 =	rddreg [dreg:$0xa];
	[tilespmem:v4+s7+$0x0] =	vst.idx.add.f32.msk $0xffff, v2;
	v5 =	vadd.s32 v1, v7  }
0xe6: {  	[dreg:$0x17] =	wrdreg s19;
	v4 =	vadd.s32 v1, v8;
	v7 =	vld [tilespmem:s6+$0x0]  }
0xe7: {  	s19 =	rddreg [dreg:$0x9];
	v8 =	vadd.s32 v1, v9;
	[tilespmem:v3+s7+$0x0] =	vst.idx.add.f32.msk $0xffff, v2  }
0xe8: {  	s11 =	sor.u32 $0xC00, s21;
	v46 =	vld [tilespmem:s19+$0x0]  }
0xe9: {  	v3 =	vadd.s32 v1, v10;
	v45 =	vld [tilespmem:s11+$0x0]  }
0xea: {  	[tilespmem:v5+s7+$0x0] =	vst.idx.add.f32.msk $0xffff, v2  }
0xeb: {  	[tilespmem:v4+s7+$0x0] =	vst.idx.add.f32.msk $0xffff, v2  }
0xec: {  	[tilespmem:v8+s7+$0x0] =	vst.idx.add.f32.msk $0xffff, v2  }
0xed: {  	v6 =	vadd.s32 v1, v6;
	v5 =	vld [tilespmem:s5+$0x190]  }
0xee: {  	v7 =	vadd.s32 v1, v7;
	[tilespmem:v3+s7+$0x0] =	vst.idx.add.f32.msk $0xffff, v2  }
0xef: {  	v4 =	vadd.s32 v1, v45;
	v8 =	vld [tilespmem:s5+$0x10]  }
0xf0: {  	v47 =	vld [tilespmem:s5+$0x90]  }
0xf1: {  	v3 =	vadd.s32 v1, v46;
	v48 =	vld [tilespmem:s5+$0x110]  }
0xf2: {  	[tilespmem:v6+s7+$0x0] =	vst.idx.add.f32.msk $0xffff, v2;
	v5 =	vadd.s32 v1, v5  }
0xf3: {  	[tilespmem:v7+s7+$0x0] =	vst.idx.add.f32.msk $0xffff, v2  }
0xf4: {  	s22 =	sor.u32 $0xC10, s21;
	[tilespmem:v4+s7+$0x0] =	vst.idx.add.f32.msk $0xffff, v2;
	v8 =	vadd.s32 v1, v8  }
0xf5: {  	v6 =	vadd.s32 v1, v47;
	v4 =	vld [tilespmem:s22+$0x0]  }
0xf6: {  	[tilespmem:v3+s7+$0x0] =	vst.idx.add.f32.msk $0xffff, v2  }
0xf7: {  	[tilespmem:v5+s7+$0x0] =	vst.idx.add.f32.msk $0xffff, v2;
	v5 =	vadd.s32 v1, v48  }
0xf8: {  	v49 =	vld [tilespmem:s5+$0x1A0]  }
0xf9: {  	[tilespmem:v8+s7+$0x0] =	vst.idx.add.f32.msk $0xffff, v2  }
0xfa: {  	[tilespmem:v6+s7+$0x0] =	vst.idx.add.f32.msk $0xffff, v2;
	v3 =	vadd.s32 v1, v4  }
0xfb: {  	v6 =	vld [tilespmem:s5+$0xA0]  }
0xfc: {  	[tilespmem:v5+s7+$0x0] =	vst.idx.add.f32.msk $0xffff, v2  }
0xfd: {  	v5 =	vld [tilespmem:s5+$0x20];
	v4 =	vadd.s32 v1, v49  }
0xfe: {  	[dreg:$0x1b] =	wrdreg s23;
	v7 =	vld [tilespmem:s5+$0x120]  }
0xff: {  	[dreg:$0x5] =	wrdreg s1;
	s23 =	sor.u32 $0xC20, s21;
	[tilespmem:v3+s7+$0x0] =	vst.idx.add.f32.msk $0xffff, v2  }
0x100: {  	s1 =	rddreg [dreg:$0x8];
	v3 =	vld [tilespmem:s23+$0x0]  }
0x101: {  	v8 =	vld [tilespmem:s1+$0x0];
	v6 =	vadd.s32 v1, v6  }
0x102: {  	[tilespmem:v4+s7+$0x0] =	vst.idx.add.f32.msk $0xffff, v2;
	v4 =	vadd.s32 v1, v5  }
0x103: {  	v7 =	vadd.s32 v1, v7;
	v5 =	vld [tilespmem:s5+$0x1B0]  }
0x104: {  	v50 =	vld [tilespmem:s29+$0x0]  }
0x105: {  	v51 =	vld [tilespmem:s28+$0x0];
	v3 =	vadd.s32 v1, v3  }
0x106: {  	[tilespmem:v6+s7+$0x0] =	vst.idx.add.f32.msk $0xffff, v2  }
0x107: {  	[tilespmem:v4+s7+$0x0] =	vst.idx.add.f32.msk $0xffff, v2  }
0x108: {  	[tilespmem:v7+s7+$0x0] =	vst.idx.add.f32.msk $0xffff, v2;
	v4 =	vadd.s32 v1, v5  }
0x109: {  	v5 =	vld [tilespmem:s5+$0x30]  }
0x10a: {  	s3 =	sor.u32 $0xC30, s21;
	[tilespmem:v3+s7+$0x0] =	vst.idx.add.f32.msk $0xffff, v2  }
0x10b: {  	v52 =	vld [tilespmem:s3+$0x0]  }
0x10c: {  	v8 =	vadd.s32 v1, v8;
	v7 =	vld [tilespmem:s5+$0xB0]  }
0x10d: {  	v3 =	vadd.s32 v1, v50;
	[tilespmem:v4+s7+$0x0] =	vst.idx.add.f32.msk $0xffff, v2  }
0x10e: {  	v4 =	vadd.s32 v1, v5;
	v5 =	vld [tilespmem:s5+$0x1C0];
	_ =	sdelay $0x1  }
0x10f: {  	v53 =	vld [tilespmem:s5+$0x130];
	v9 =	vadd.s32 v1, v52  }
0x110: {  	[tilespmem:v8+s7+$0x0] =	vst.idx.add.f32.msk $0xffff, v2  }
0x111: {  	v7 =	vadd.s32 v1, v7;
	[tilespmem:v3+s7+$0x0] =	vst.idx.add.f32.msk $0xffff, v2  }
0x112: {  	[tilespmem:v4+s7+$0x0] =	vst.idx.add.f32.msk $0xffff, v2;
	v4 =	vadd.s32 v1, v5  }
0x113: {  	v5 =	vld [tilespmem:s5+$0x40]  }
0x114: {  	s4 =	sor.u32 $0xC40, s21;
	v8 =	vadd.s32 v1, v53;
	[tilespmem:v9+s7+$0x0] =	vst.idx.add.f32.msk $0xffff, v2  }
0x115: {  	v9 =	vld [tilespmem:s4+$0x0]  }
0x116: {  	[tilespmem:v7+s7+$0x0] =	vst.idx.add.f32.msk $0xffff, v2  }
0x117: {  	[tilespmem:v4+s7+$0x0] =	vst.idx.add.f32.msk $0xffff, v2  }
0x118: {  	v3 =	vadd.s32 v1, v5;
	v4 =	vld [tilespmem:s5+$0x1D0]  }
0x119: {  	[tilespmem:v8+s7+$0x0] =	vst.idx.add.f32.msk $0xffff, v2  }
0x11a: {  	v8 =	vld [tilespmem:s5+$0x140];
	v5 =	vadd.s32 v1, v9  }
0x11b: {  	v7 =	vld [tilespmem:s5+$0xC0]  }
0x11c: {  	v6 =	vadd.s32 v1, v51  }
0x11d: {  	[tilespmem:v3+s7+$0x0] =	vst.idx.add.f32.msk $0xffff, v2;
	v3 =	vadd.s32 v1, v4  }
0x11e: {  	v4 =	vld [tilespmem:s5+$0x50]  }
0x11f: {  	s6 =	sor.u32 $0xC50, s21;
	v8 =	vadd.s32 v1, v8;
	[tilespmem:v5+s7+$0x0] =	vst.idx.add.f32.msk $0xffff, v2  }
0x120: {  	v5 =	vadd.s32 v1, v7;
	v7 =	vld [tilespmem:s6+$0x0]  }
0x121: {  	[tilespmem:v6+s7+$0x0] =	vst.idx.add.f32.msk $0xffff, v2  }
0x122: {  	[tilespmem:v3+s7+$0x0] =	vst.idx.add.f32.msk $0xffff, v2  }
0x123: {  	v3 =	vadd.s32 v1, v4;
	v4 =	vld [tilespmem:s5+$0x1E0]  }
0x124: {  	[tilespmem:v8+s7+$0x0] =	vst.idx.add.f32.msk $0xffff, v2  }
0x125: {  	[tilespmem:v5+s7+$0x0] =	vst.idx.add.f32.msk $0xffff, v2;
	v5 =	vadd.s32 v1, v7  }
0x126: {  	v6 =	vld [tilespmem:s10+$0x0]  }
0x127: {  	v8 =	vld [tilespmem:s5+$0x150]  }
0x128: {  	v7 =	vld [tilespmem:s5+$0xD0];
	v4 =	vadd.s32 v1, v4  }
0x129: {  	[tilespmem:v3+s7+$0x0] =	vst.idx.add.f32.msk $0xffff, v2  }
0x12a: {  	s10 =	sor.u32 $0xC60, s21;
	[tilespmem:v5+s7+$0x0] =	vst.idx.add.f32.msk $0xffff, v2  }
0x12b: {  	v5 =	vld [tilespmem:s10+$0x0]  }
0x12c: {  	v8 =	vadd.s32 v1, v8;
	v3 =	vadd.s32 v1, v6;
	v6 =	vld [tilespmem:s5+$0x60]  }
0x12d: {  	v7 =	vadd.s32 v1, v7;
	[tilespmem:v4+s7+$0x0] =	vst.idx.add.f32.msk $0xffff, v2  }
0x12e: {  	v4 =	vld [tilespmem:s5+$0x1F0]  }
0x12f: {  	v55 =	vld [tilespmem:s16+$0x0]  }
0x130: {  	v54 =	vld [tilespmem:s2+$0x0];
	v5 =	vadd.s32 v1, v5  }
0x131: {  	[tilespmem:v8+s7+$0x0] =	vst.idx.add.f32.msk $0xffff, v2  }
0x132: {  	v6 =	vadd.s32 v1, v6;
	[tilespmem:v7+s7+$0x0] =	vst.idx.add.f32.msk $0xffff, v2  }
0x133: {  	v7 =	vld [tilespmem:s5+$0xE0];
	v4 =	vadd.s32 v1, v4  }
0x134: {  	v8 =	vld [tilespmem:s5+$0x160]  }
0x135: {  	s11 =	sor.u32 $0xC70, s21;
	[tilespmem:v5+s7+$0x0] =	vst.idx.add.f32.msk $0xffff, v2  }
0x136: {  	v5 =	vld [tilespmem:s11+$0x0]  }
0x137: {  	v9 =	vadd.s32 v1, v54;
	[tilespmem:v6+s7+$0x0] =	vst.idx.add.f32.msk $0xffff, v2  }
0x138: {  	v6 =	vadd.s32 v1, v7;
	[tilespmem:v4+s7+$0x0] =	vst.idx.add.f32.msk $0xffff, v2  }
0x139: {  	v4 =	vadd.s32 v1, v8;
	v7 =	vld [tilespmem:s5+$0x580]  }
0x13a: {  	v8 =	vld [tilespmem:s5+$0x70]  }
0x13b: {  	[tilespmem:v3+s7+$0x0] =	vst.idx.add.f32.msk $0xffff, v2;
	v3 =	vadd.s32 v1, v5  }
0x13c: {  	[tilespmem:v9+s7+$0x0] =	vst.idx.add.f32.msk $0xffff, v2  }
0x13d: {  	[tilespmem:v6+s7+$0x0] =	vst.idx.add.f32.msk $0xffff, v2  }
0x13e: {  	[tilespmem:v4+s7+$0x0] =	vst.idx.add.f32.msk $0xffff, v2;
	v4 =	vadd.s32 v1, v7  }
0x13f: {  	v6 =	vld [tilespmem:s5+$0xF0]  }
0x140: {  	v10 =	vadd.s32 v1, v55;
	[tilespmem:v3+s7+$0x0] =	vst.idx.add.f32.msk $0xffff, v2  }
0x141: {  	v5 =	vadd.s32 v1, v8;
	v3 =	vld [tilespmem:s5+$0x170]  }
0x142: {  	v8 =	vld [tilespmem:s31+$0x0]  }
0x143: {  	[tilespmem:v4+s7+$0x0] =	vst.idx.add.f32.msk $0xffff, v2  }
0x144: {  	v4 =	vadd.s32 v1, v6;
	v6 =	vld [tilespmem:s5+$0x590]  }
0x145: {  	[tilespmem:v10+s7+$0x0] =	vst.idx.add.f32.msk $0xffff, v2  }
0x146: {  	[tilespmem:v5+s7+$0x0] =	vst.idx.add.f32.msk $0xffff, v2;
	v3 =	vadd.s32 v1, v3  }
0x147: {  	v5 =	vld [tilespmem:s5+$0x400]  }
0x148: {  	v7 =	vld [tilespmem:s14+$0x0]  }
0x149: {  	[tilespmem:v4+s7+$0x0] =	vst.idx.add.f32.msk $0xffff, v2;
	v4 =	vadd.s32 v1, v6  }
0x14a: {  	v6 =	vld [tilespmem:s5+$0x480]  }
0x14b: {  	v8 =	vadd.s32 v1, v8;
	[tilespmem:v3+s7+$0x0] =	vst.idx.add.f32.msk $0xffff, v2  }
0x14c: {  	v5 =	vadd.s32 v1, v5;
	v3 =	vld [tilespmem:s5+$0x500]  }
0x14d: {  	v56 =	vld [tilespmem:s26+$0x0]  }
0x14e: {  	v7 =	vadd.s32 v1, v7;
	[tilespmem:v4+s7+$0x0] =	vst.idx.add.f32.msk $0xffff, v2  }
0x14f: {  	v4 =	vadd.s32 v1, v6;
	v6 =	vld [tilespmem:s5+$0x5A0]  }
0x150: {  	[tilespmem:v8+s7+$0x0] =	vst.idx.add.f32.msk $0xffff, v2  }
0x151: {  	[tilespmem:v5+s7+$0x0] =	vst.idx.add.f32.msk $0xffff, v2;
	v3 =	vadd.s32 v1, v3  }
0x152: {  	v5 =	vld [tilespmem:s5+$0x410]  }
0x153: {  	[tilespmem:v7+s7+$0x0] =	vst.idx.add.f32.msk $0xffff, v2;
	v7 =	vadd.s32 v1, v56  }
0x154: {  	[tilespmem:v4+s7+$0x0] =	vst.idx.add.f32.msk $0xffff, v2;
	v4 =	vadd.s32 v1, v6  }
0x155: {  	v6 =	vld [tilespmem:s5+$0x490]  }
0x156: {  	[tilespmem:v3+s7+$0x0] =	vst.idx.add.f32.msk $0xffff, v2  }
0x157: {  	v5 =	vadd.s32 v1, v5;
	v3 =	vld [tilespmem:s5+$0x510]  }
0x158: {  	[tilespmem:v7+s7+$0x0] =	vst.idx.add.f32.msk $0xffff, v2  }
0x159: {  	[tilespmem:v4+s7+$0x0] =	vst.idx.add.f32.msk $0xffff, v2  }
0x15a: {  	v4 =	vadd.s32 v1, v6;
	v6 =	vld [tilespmem:s5+$0x5B0]  }
0x15b: {  	v8 =	vld [tilespmem:s15+$0x0]  }
0x15c: {  	[tilespmem:v5+s7+$0x0] =	vst.idx.add.f32.msk $0xffff, v2;
	v3 =	vadd.s32 v1, v3  }
0x15d: {  	v5 =	vld [tilespmem:s5+$0x420]  }
0x15e: {  	v7 =	vld [tilespmem:s20+$0x0]  }
0x15f: {  	[tilespmem:v4+s7+$0x0] =	vst.idx.add.f32.msk $0xffff, v2;
	v4 =	vadd.s32 v1, v6  }
0x160: {  	v6 =	vld [tilespmem:s5+$0x4A0]  }
0x161: {  	v8 =	vadd.s32 v1, v8;
	[tilespmem:v3+s7+$0x0] =	vst.idx.add.f32.msk $0xffff, v2  }
0x162: {  	v5 =	vadd.s32 v1, v5;
	v3 =	vld [tilespmem:s5+$0x520]  }
0x163: {  	v57 =	vld [tilespmem:s8+$0x0]  }
0x164: {  	v7 =	vadd.s32 v1, v7;
	[tilespmem:v4+s7+$0x0] =	vst.idx.add.f32.msk $0xffff, v2  }
0x165: {  	v4 =	vadd.s32 v1, v6;
	v6 =	vld [tilespmem:s5+$0x5C0]  }
0x166: {  	[tilespmem:v8+s7+$0x0] =	vst.idx.add.f32.msk $0xffff, v2  }
0x167: {  	[tilespmem:v5+s7+$0x0] =	vst.idx.add.f32.msk $0xffff, v2;
	v3 =	vadd.s32 v1, v3  }
0x168: {  	v5 =	vld [tilespmem:s5+$0x430]  }
0x169: {  	[tilespmem:v7+s7+$0x0] =	vst.idx.add.f32.msk $0xffff, v2;
	v7 =	vadd.s32 v1, v57  }
0x16a: {  	[tilespmem:v4+s7+$0x0] =	vst.idx.add.f32.msk $0xffff, v2;
	v4 =	vadd.s32 v1, v6  }
0x16b: {  	v6 =	vld [tilespmem:s5+$0x4B0]  }
0x16c: {  	[tilespmem:v3+s7+$0x0] =	vst.idx.add.f32.msk $0xffff, v2  }
0x16d: {  	v5 =	vadd.s32 v1, v5;
	v3 =	vld [tilespmem:s5+$0x530]  }
0x16e: {  	[tilespmem:v7+s7+$0x0] =	vst.idx.add.f32.msk $0xffff, v2  }
0x16f: {  	[tilespmem:v4+s7+$0x0] =	vst.idx.add.f32.msk $0xffff, v2  }
0x170: {  	v4 =	vadd.s32 v1, v6;
	v6 =	vld [tilespmem:s5+$0x5D0]  }
0x171: {  	v8 =	vld [tilespmem:s13+$0x0]  }
0x172: {  	[tilespmem:v5+s7+$0x0] =	vst.idx.add.f32.msk $0xffff, v2;
	v3 =	vadd.s32 v1, v3  }
0x173: {  	v5 =	vld [tilespmem:s5+$0x440]  }
0x174: {  	v7 =	vld [tilespmem:s18+$0x0]  }
0x175: {  	[tilespmem:v4+s7+$0x0] =	vst.idx.add.f32.msk $0xffff, v2;
	v4 =	vadd.s32 v1, v6  }
0x176: {  	v6 =	vld [tilespmem:s5+$0x4C0]  }
0x177: {  	v8 =	vadd.s32 v1, v8;
	[tilespmem:v3+s7+$0x0] =	vst.idx.add.f32.msk $0xffff, v2  }
0x178: {  	v5 =	vadd.s32 v1, v5;
	v3 =	vld [tilespmem:s5+$0x540]  }
0x179: {  	v58 =	vld [tilespmem:s24+$0x0]  }
0x17a: {  	v7 =	vadd.s32 v1, v7;
	[tilespmem:v4+s7+$0x0] =	vst.idx.add.f32.msk $0xffff, v2  }
0x17b: {  	v4 =	vadd.s32 v1, v6;
	v6 =	vld [tilespmem:s5+$0x5E0]  }
0x17c: {  	[tilespmem:v8+s7+$0x0] =	vst.idx.add.f32.msk $0xffff, v2  }
0x17d: {  	[tilespmem:v5+s7+$0x0] =	vst.idx.add.f32.msk $0xffff, v2;
	v3 =	vadd.s32 v1, v3  }
0x17e: {  	v5 =	vld [tilespmem:s5+$0x450]  }
0x17f: {  	[tilespmem:v7+s7+$0x0] =	vst.idx.add.f32.msk $0xffff, v2;
	v7 =	vadd.s32 v1, v58  }
0x180: {  	[tilespmem:v4+s7+$0x0] =	vst.idx.add.f32.msk $0xffff, v2;
	v4 =	vadd.s32 v1, v6  }
0x181: {  	v6 =	vld [tilespmem:s5+$0x4D0]  }
0x182: {  	[tilespmem:v3+s7+$0x0] =	vst.idx.add.f32.msk $0xffff, v2  }
0x183: {  	v5 =	vadd.s32 v1, v5;
	v3 =	vld [tilespmem:s5+$0x550]  }
0x184: {  	[tilespmem:v7+s7+$0x0] =	vst.idx.add.f32.msk $0xffff, v2  }
0x185: {  	[tilespmem:v4+s7+$0x0] =	vst.idx.add.f32.msk $0xffff, v2  }
0x186: {  	v4 =	vadd.s32 v1, v6;
	v6 =	vld [tilespmem:s5+$0x5F0]  }
0x187: {  	v8 =	vld [tilespmem:s9+$0x0]  }
0x188: {  	[tilespmem:v5+s7+$0x0] =	vst.idx.add.f32.msk $0xffff, v2;
	v3 =	vadd.s32 v1, v3  }
0x189: {  	v5 =	vld [tilespmem:s5+$0x460]  }
0x18a: {  	v7 =	vld [tilespmem:s12+$0x0]  }
0x18b: {  	p0 =	por !p0, !p0;
	s0 =	simm.s32 $0x1;
	[tilespmem:v4+s7+$0x0] =	vst.idx.add.f32.msk $0xffff, v2;
	v4 =	vadd.s32 v1, v6  }
0x18c: {  	s0 =	simm.s32 @!p0 $0x0;
	v6 =	vld [tilespmem:s5+$0x4E0]  }
0x18d: {  	s0 =	sshll.u32 s0, $0x9;
	s13 =	rddreg [dreg:$0x4];
	v8 =	vadd.s32 v1, v8;
	[tilespmem:v3+s7+$0x0] =	vst.idx.add.f32.msk $0xffff, v2  }
0x18e: {  	s4 =	sadd.s32 s0, s13;
	v5 =	vadd.s32 v1, v5;
	v3 =	vld [tilespmem:s5+$0x560]  }
0x18f: {  	s21 =	sadd.s32 $0x180, s4;
	v59 =	vld [tilespmem:s30+$0x0]  }
0x190: {  	s14 =	sor.u32 $0x800, s21;
	v7 =	vadd.s32 v1, v7;
	[tilespmem:v4+s7+$0x0] =	vst.idx.add.f32.msk $0xffff, v2  }
0x191: {  	v4 =	vadd.s32 v1, v6;
	v6 =	vld [tilespmem:s14+$0x0]  }
0x192: {  	[tilespmem:v8+s7+$0x0] =	vst.idx.add.f32.msk $0xffff, v2  }
0x193: {  	[tilespmem:v5+s7+$0x0] =	vst.idx.add.f32.msk $0xffff, v2;
	v3 =	vadd.s32 v1, v3  }
0x194: {  	v5 =	vld [tilespmem:s5+$0x470]  }
0x195: {  	[tilespmem:v7+s7+$0x0] =	vst.idx.add.f32.msk $0xffff, v2;
	v7 =	vadd.s32 v1, v59  }
0x196: {  	[tilespmem:v4+s7+$0x0] =	vst.idx.add.f32.msk $0xffff, v2;
	v4 =	vadd.s32 v1, v6  }
0x197: {  	v6 =	vld [tilespmem:s5+$0x4F0]  }
0x198: {  	[tilespmem:v3+s7+$0x0] =	vst.idx.add.f32.msk $0xffff, v2  }
0x199: {  	s9 =	sadd.s32 $0x80, s4;
	v5 =	vadd.s32 v1, v5;
	v3 =	vld [tilespmem:s5+$0x570]  }
0x19a: {  	s23 =	sor.u32 $0x830, s9;
	[tilespmem:v7+s7+$0x0] =	vst.idx.add.f32.msk $0xffff, v2  }
0x19b: {  	[dreg:$0x15] =	wrdreg s23;
	s23 =	sor.u32 $0x810, s21;
	[tilespmem:v4+s7+$0x0] =	vst.idx.add.f32.msk $0xffff, v2  }
0x19c: {  	s3 =	smov.u32 s25;
	v4 =	vadd.s32 v1, v6;
	v6 =	vld [tilespmem:s23+$0x0]  }
0x19d: {  	v8 =	vld [tilespmem:s3+$0x0]  }
0x19e: {  	s18 =	sor.u32 $0x800, s4;
	[tilespmem:v5+s7+$0x0] =	vst.idx.add.f32.msk $0xffff, v2;
	v3 =	vadd.s32 v1, v3  }
0x19f: {  	s5 =	rddreg [dreg:$0x6];
	v5 =	vld [tilespmem:s18+$0x0]  }
0x1a0: {  	v7 =	vld [tilespmem:s5+$0x0]  }
0x1a1: {  	s8 =	smov.u32 s17;
	s17 =	sor.u32 $0x800, s9;
	[tilespmem:v4+s7+$0x0] =	vst.idx.add.f32.msk $0xffff, v2;
	v4 =	vadd.s32 v1, v6  }
0x1a2: {  	s25 =	sadd.s32 $0x100, s4;
	v6 =	vld [tilespmem:s17+$0x0]  }
0x1a3: {  	s1 =	sor.u32 $0x810, s4;
	s22 =	sor.u32 $0x820, s4;
	s6 =	sor.u32 $0x800, s25;
	v8 =	vadd.s32 v1, v8;
	[tilespmem:v3+s7+$0x0] =	vst.idx.add.f32.msk $0xffff, v2  }
0x1a4: {  	s26 =	sor.u32 $0x830, s4;
	s11 =	sor.u32 $0x840, s4;
	[dreg:$0x1d] =	wrdreg s22;
	v5 =	vadd.s32 v1, v5;
	v3 =	vld [tilespmem:s6+$0x0]  }
0x1a5: {  	s16 =	sor.u32 $0x810, s25;
	s20 =	sor.u32 $0x820, s25;
	[dreg:$0x16] =	wrdreg s26;
	v60 =	vld [tilespmem:s8+$0x0]  }
0x1a6: {  	s10 =	sor.u32 $0x840, s25;
	[dreg:$0x13] =	wrdreg s11;
	v7 =	vadd.s32 v1, v7;
	s8 =	sor.u32 $0x820, s21;
	[tilespmem:v4+s7+$0x0] =	vst.idx.add.f32.msk $0xffff, v2  }
0x1a7: {  	s13 =	sor.u32 $0x850, s25;
	[dreg:$0x1e] =	wrdreg s16;
	s16 =	sor.u32 $0x860, s25;
	v4 =	vadd.s32 v1, v6;
	v6 =	vld [tilespmem:s8+$0x0]  }
0x1a8: {  	s28 =	sor.u32 $0x870, s25;
	[dreg:$0x9] =	wrdreg s16;
	s24 =	sor.u32 $0x830, s25;
	[tilespmem:v8+s7+$0x0] =	vst.idx.add.f32.msk $0xffff, v2  }
0x1a9: {  	s0 =	sor.u32 $0xC00, s25;
	[dreg:$0x14] =	wrdreg s24;
	s15 =	sor.u32 $0x810, s9;
	[tilespmem:v5+s7+$0x0] =	vst.idx.add.f32.msk $0xffff, v2;
	v3 =	vadd.s32 v1, v3  }
0x1aa: {  	s26 =	sor.u32 $0xC30, s25;
	s11 =	sor.u32 $0xC40, s9;
	[dreg:$0x1f] =	wrdreg s15;
	v5 =	vld [tilespmem:s1+$0x0]  }
0x1ab: {  	s16 =	sor.u32 $0xC10, s25;
	[dreg:$0x19] =	wrdreg s11;
	s11 =	sor.u32 $0xC50, s25;
	[tilespmem:v7+s7+$0x0] =	vst.idx.add.f32.msk $0xffff, v2;
	v7 =	vadd.s32 v1, v60  }
0x1ac: {  	s24 =	sor.u32 $0xC20, s25;
	s17 =	smov.u32 s11;
	s11 =	rddreg [dreg:$0x1f];
	[tilespmem:v4+s7+$0x0] =	vst.idx.add.f32.msk $0xffff, v2;
	v4 =	vadd.s32 v1, v6  }
0x1ad: {  	s30 =	sor.u32 $0xC40, s25;
	s18 =	sor.u32 $0xC60, s25;
	s23 =	sor.u32 $0xC50, s9;
	v6 =	vld [tilespmem:s11+$0x0]  }
0x1ae: {  	s5 =	sor.u32 $0xC70, s25;
	s25 =	smov.u32 s23;
	s23 =	rddreg [dreg:$0x1e];
	[tilespmem:v3+s7+$0x0] =	vst.idx.add.f32.msk $0xffff, v2  }
0x1af: {  	[dreg:$0x18] =	wrdreg s20;
	v5 =	vadd.s32 v1, v5;
	v3 =	vld [tilespmem:s23+$0x0]  }
0x1b0: {  	[dreg:$0x1a] =	wrdreg s26;
	s19 =	sor.u32 $0x820, s9;
	[tilespmem:v7+s7+$0x0] =	vst.idx.add.f32.msk $0xffff, v2  }
0x1b1: {  	s26 =	sor.u32 $0xC50, s4;
	[dreg:$0x1c] =	wrdreg s19;
	s1 =	sor.u32 $0x830, s21;
	[tilespmem:v4+s7+$0x0] =	vst.idx.add.f32.msk $0xffff, v2  }
0x1b2: {  	s3 =	smov.u32 s26;
	s11 =	rddreg [dreg:$0x1b];
	v4 =	vadd.s32 v1, v6;
	v6 =	vld [tilespmem:s1+$0x0]  }
0x1b3: {  	[dreg:$0x6] =	wrdreg s3;
	v8 =	vld [tilespmem:s11+$0x0]  }
0x1b4: {  	s3 =	rddreg [dreg:$0x1d];
	[tilespmem:v5+s7+$0x0] =	vst.idx.add.f32.msk $0xffff, v2;
	v3 =	vadd.s32 v1, v3  }
0x1b5: {  	s19 =	sor.u32 $0x860, s4;
	s6 =	rddreg [dreg:$0x7];
	v5 =	vld [tilespmem:s3+$0x0]  }
0x1b6: {  	[dreg:$0xb] =	wrdreg s19;
	s19 =	sor.u32 $0xC60, s9;
	v7 =	vld [tilespmem:s6+$0x0]  }
0x1b7: {  	s22 =	sor.u32 $0xC20, s9;
	s23 =	smov.u32 s19;
	s19 =	rddreg [dreg:$0x1c];
	[tilespmem:v4+s7+$0x0] =	vst.idx.add.f32.msk $0xffff, v2;
	v4 =	vadd.s32 v1, v6  }
0x1b8: {  	[smem:$0x7F9] =	sst s22;
	s22 =	sor.u32 $0xC60, s4;
	v6 =	vld [tilespmem:s19+$0x0]  }
0x1b9: {  	s8 =	smov.u32 s22;
	s22 =	rddreg [dreg:$0x18];
	v8 =	vadd.s32 v1, v8;
	[tilespmem:v3+s7+$0x0] =	vst.idx.add.f32.msk $0xffff, v2  }
0x1ba: {  	s1 =	rddreg [dreg:$0x17];
	v5 =	vadd.s32 v1, v5;
	v3 =	vld [tilespmem:s22+$0x0]  }
0x1bb: {  	v61 =	vld [tilespmem:s1+$0x0]  }
0x1bc: {  	s3 =	sor.u32 $0x840, s21;
	v7 =	vadd.s32 v1, v7;
	[tilespmem:v4+s7+$0x0] =	vst.idx.add.f32.msk $0xffff, v2  }
0x1bd: {  	v4 =	vadd.s32 v1, v6;
	v6 =	vld [tilespmem:s3+$0x0]  }
0x1be: {  	[tilespmem:v8+s7+$0x0] =	vst.idx.add.f32.msk $0xffff, v2  }
0x1bf: {  	s6 =	rddreg [dreg:$0x16];
	[tilespmem:v5+s7+$0x0] =	vst.idx.add.f32.msk $0xffff, v2;
	v3 =	vadd.s32 v1, v3  }
0x1c0: {  	v5 =	vld [tilespmem:s6+$0x0]  }
0x1c1: {  	[tilespmem:v7+s7+$0x0] =	vst.idx.add.f32.msk $0xffff, v2;
	v7 =	vadd.s32 v1, v61  }
0x1c2: {  	s11 =	rddreg [dreg:$0x15];
	[tilespmem:v4+s7+$0x0] =	vst.idx.add.f32.msk $0xffff, v2;
	v4 =	vadd.s32 v1, v6  }
0x1c3: {  	v6 =	vld [tilespmem:s11+$0x0]  }
0x1c4: {  	s22 =	rddreg [dreg:$0x14];
	[tilespmem:v3+s7+$0x0] =	vst.idx.add.f32.msk $0xffff, v2  }
0x1c5: {  	v5 =	vadd.s32 v1, v5;
	v3 =	vld [tilespmem:s22+$0x0]  }
0x1c6: {  	[tilespmem:v7+s7+$0x0] =	vst.idx.add.f32.msk $0xffff, v2  }
0x1c7: {  	[dreg:$0x7] =	wrdreg s8;
	s8 =	smov.u32 s24;
	s24 =	sor.u32 $0x850, s21;
	[tilespmem:v4+s7+$0x0] =	vst.idx.add.f32.msk $0xffff, v2  }
0x1c8: {  	s6 =	rddreg [dreg:$0x10];
	v4 =	vadd.s32 v1, v6;
	v6 =	vld [tilespmem:s24+$0x0]  }
0x1c9: {  	v8 =	vld [tilespmem:s6+$0x0]  }
0x1ca: {  	s1 =	rddreg [dreg:$0x13];
	[tilespmem:v5+s7+$0x0] =	vst.idx.add.f32.msk $0xffff, v2;
	v3 =	vadd.s32 v1, v3  }
0x1cb: {  	s2 =	sor.u32 $0x840, s9;
	s3 =	rddreg [dreg:$0x5];
	v5 =	vld [tilespmem:s1+$0x0]  }
0x1cc: {  	[dreg:$0x12] =	wrdreg s2;
	v7 =	vld [tilespmem:s3+$0x0]  }
0x1cd: {  	s11 =	rddreg [dreg:$0x12];
	[tilespmem:v4+s7+$0x0] =	vst.idx.add.f32.msk $0xffff, v2;
	v4 =	vadd.s32 v1, v6  }
0x1ce: {  	[dreg:$0x11] =	wrdreg s10;
	v6 =	vld [tilespmem:s11+$0x0]  }
0x1cf: {  	s22 =	rddreg [dreg:$0x11];
	v8 =	vadd.s32 v1, v8;
	[tilespmem:v3+s7+$0x0] =	vst.idx.add.f32.msk $0xffff, v2  }
0x1d0: {  	s3 =	rddreg [dreg:$0xe];
	v5 =	vadd.s32 v1, v5;
	v3 =	vld [tilespmem:s22+$0x0]  }
0x1d1: {  	[dreg:$0xc] =	wrdreg s13;
	s20 =	sor.u32 $0x870, s4;
	s10 =	sor.u32 $0xC00, s4;
	v62 =	vld [tilespmem:s3+$0x0]  }
0x1d2: {  	[dreg:$0x8] =	wrdreg s20;
	s15 =	sor.u32 $0x860, s9;
	v7 =	vadd.s32 v1, v7;
	s11 =	sor.u32 $0x860, s21;
	[tilespmem:v4+s7+$0x0] =	vst.idx.add.f32.msk $0xffff, v2  }
0x1d3: {  	s20 =	sor.u32 $0xC20, s4;
	[dreg:$0xa] =	wrdreg s15;
	s14 =	sor.u32 $0x850, s4;
	v4 =	vadd.s32 v1, v6;
	v6 =	vld [tilespmem:s11+$0x0]  }
0x1d4: {  	s29 =	sor.u32 $0x870, s9;
	s31 =	sor.u32 $0xC10, s9;
	[dreg:$0xf] =	wrdreg s14;
	[tilespmem:v8+s7+$0x0] =	vst.idx.add.f32.msk $0xffff, v2  }
0x1d5: {  	s13 =	sor.u32 $0xC30, s9;
	s12 =	sor.u32 $0x850, s9;
	s22 =	rddreg [dreg:$0xf];
	[tilespmem:v5+s7+$0x0] =	vst.idx.add.f32.msk $0xffff, v2;
	v3 =	vadd.s32 v1, v3  }
0x1d6: {  	s2 =	sor.u32 $0xC00, s9;
	s15 =	sor.u32 $0xC30, s4;
	[dreg:$0xd] =	wrdreg s12;
	v5 =	vld [tilespmem:s22+$0x0]  }
0x1d7: {  	s19 =	smov.u32 s18;
	s18 =	smov.u32 s15;
	s15 =	sld [smem:$0x7F9];
	[tilespmem:v7+s7+$0x0] =	vst.idx.add.f32.msk $0xffff, v2;
	v7 =	vadd.s32 v1, v62  }
0x1d8: {  	s12 =	sor.u32 $0xC40, s4;
	s9 =	sor.u32 $0xC70, s9;
	s11 =	rddreg [dreg:$0xd];
	[tilespmem:v4+s7+$0x0] =	vst.idx.add.f32.msk $0xffff, v2;
	v8 =	vadd.s32 v1, v6  }
0x1d9: {  	s14 =	sor.u32 $0xC10, s4;
	s6 =	smov.u32 s9;
	s9 =	rddreg [dreg:$0x19];
	v63 =	vld [tilespmem:s11+$0x0]  }
.Ltmp1:
0x1da: {  	s4 =	sor.u32 $0xC70, s4;
	s22 =	rddreg [dreg:$0xc];
	[tilespmem:v3+s7+$0x0] =	vst.idx.add.f32.msk $0xffff, v2;
	(pc) =	sbr.rel @p1 .LBB2_4-.Ltmp1, $4  }
0x1db: {  	s1 =	smov.u32 s4;
	s4 =	rddreg [dreg:$0x2];
	v4 =	vld [tilespmem:s22+$0x0]  }
0x1dc: {  	s26 =	smov.u32 s16;
	s3 =	smov.u32 s5;
	s5 =	rddreg [dreg:$0x3];
	[tilespmem:v7+s7+$0x0] =	vst.idx.add.f32.msk $0xffff, v2  }
0x1dd: {  	s16 =	smov.u32 s0;
	s11 =	sor.u32 $0x870, s21;
	s22 =	rddreg [dreg:$0x4];
	[tilespmem:v8+s7+$0x0] =	vst.idx.add.f32.msk $0xffff, v2  }
0x1de: {  	s24 =	rddreg [dreg:$0x1a];
	s5 =	sadd.s32 $0x200, s5;
	v6 =	vadd.s32 v1, v5;
	s0 =	sadd.s32 $0x800, s22;
	v5 =	vadd.s32 v1, v63;
	v3 =	vld [tilespmem:s11+$0x0]  }
0x1df: {  	_ =	sdelay $0x3  }
0x1e0: {  	[tilespmem:v6+s7+$0x0] =	vst.idx.add.f32.msk $0xffff, v2  }
0x1e1: {  	s0 =	rddreg [dreg:$0xb];
	[tilespmem:v5+s7+$0x0] =	vst.idx.add.f32.msk $0xffff, v2  }
0x1e2: {  	v6 =	vld [tilespmem:s0+$0x0];
	s11 =	rddreg [dreg:$0xa]  }
0x1e3: {  	v5 =	vld [tilespmem:s11+$0x0]  }
0x1e4: {  	v4 =	vadd.s32 v1, v4;
	_ =	sdelay $0x2  }
0x1e5: {  	v6 =	vadd.s32 v1, v6  }
0x1e6: {  	v5 =	vadd.s32 v1, v5  }
0x1e7: {  	[tilespmem:v4+s7+$0x0] =	vst.idx.add.f32.msk $0xffff, v2  }
0x1e8: {  	s22 =	rddreg [dreg:$0x9]  }
0x1e9: {  	v4 =	vld [tilespmem:s22+$0x0]  }
0x1ea: {  	[tilespmem:v6+s7+$0x0] =	vst.idx.add.f32.msk $0xffff, v2  }
0x1eb: {  	s4 =	rddreg [dreg:$0x8];
	[tilespmem:v5+s7+$0x0] =	vst.idx.add.f32.msk $0xffff, v2  }
0x1ec: {  	v6 =	vld [tilespmem:s4+$0x0]  }
0x1ed: {  	v3 =	vadd.s32 v1, v3;
	v5 =	vld [tilespmem:s29+$0x0];
	_ =	sdelay $0x1  }
0x1ee: {  	v4 =	vadd.s32 v1, v4;
	_ =	sdelay $0x1  }
0x1ef: {  	v6 =	vadd.s32 v1, v6  }
0x1f0: {  	s5 =	sor.u32 $0xC00, s21;
	[tilespmem:v3+s7+$0x0] =	vst.idx.add.f32.msk $0xffff, v2;
	v5 =	vadd.s32 v1, v5  }
0x1f1: {  	v3 =	vld [tilespmem:s5+$0x0]  }
0x1f2: {  	[tilespmem:v4+s7+$0x0] =	vst.idx.add.f32.msk $0xffff, v2  }
0x1f3: {  	v4 =	vld [tilespmem:s28+$0x0]  }
0x1f4: {  	[tilespmem:v6+s7+$0x0] =	vst.idx.add.f32.msk $0xffff, v2  }
0x1f5: {  	[tilespmem:v5+s7+$0x0] =	vst.idx.add.f32.msk $0xffff, v2  }
0x1f6: {  	v6 =	vld [tilespmem:s10+$0x0]  }
0x1f7: {  	v3 =	vadd.s32 v1, v3;
	v5 =	vld [tilespmem:s2+$0x0];
	_ =	sdelay $0x1  }
0x1f8: {  	v4 =	vadd.s32 v1, v4;
	_ =	sdelay $0x1  }
0x1f9: {  	v6 =	vadd.s32 v1, v6  }
0x1fa: {  	s11 =	sor.u32 $0xC10, s21;
	[tilespmem:v3+s7+$0x0] =	vst.idx.add.f32.msk $0xffff, v2;
	v5 =	vadd.s32 v1, v5  }
0x1fb: {  	v3 =	vld [tilespmem:s11+$0x0]  }
0x1fc: {  	[tilespmem:v4+s7+$0x0] =	vst.idx.add.f32.msk $0xffff, v2  }
0x1fd: {  	v4 =	vld [tilespmem:s16+$0x0]  }
0x1fe: {  	[tilespmem:v6+s7+$0x0] =	vst.idx.add.f32.msk $0xffff, v2  }
0x1ff: {  	[tilespmem:v5+s7+$0x0] =	vst.idx.add.f32.msk $0xffff, v2  }
0x200: {  	v6 =	vld [tilespmem:s14+$0x0]  }
0x201: {  	v3 =	vadd.s32 v1, v3;
	v5 =	vld [tilespmem:s31+$0x0]  }
0x202: {  	v4 =	vadd.s32 v1, v4;
	_ =	sdelay $0x2  }
0x203: {  	v6 =	vadd.s32 v1, v6  }
0x204: {  	[tilespmem:v3+s7+$0x0] =	vst.idx.add.f32.msk $0xffff, v2;
	v5 =	vadd.s32 v1, v5  }
0x205: {  	[tilespmem:v4+s7+$0x0] =	vst.idx.add.f32.msk $0xffff, v2  }
0x206: {  	s14 =	sor.u32 $0xC20, s21;
	v4 =	vld [tilespmem:s26+$0x0]  }
0x207: {  	v3 =	vld [tilespmem:s14+$0x0]  }
0x208: {  	[tilespmem:v6+s7+$0x0] =	vst.idx.add.f32.msk $0xffff, v2  }
0x209: {  	[tilespmem:v5+s7+$0x0] =	vst.idx.add.f32.msk $0xffff, v2  }
0x20a: {  	v6 =	vld [tilespmem:s20+$0x0]  }
0x20b: {  	v4 =	vadd.s32 v1, v4;
	v5 =	vld [tilespmem:s15+$0x0];
	_ =	sdelay $0x1  }
0x20c: {  	v3 =	vadd.s32 v1, v3;
	_ =	sdelay $0x1  }
0x20d: {  	v6 =	vadd.s32 v1, v6  }
0x20e: {  	[tilespmem:v4+s7+$0x0] =	vst.idx.add.f32.msk $0xffff, v2;
	v5 =	vadd.s32 v1, v5  }
0x20f: {  	v4 =	vld [tilespmem:s8+$0x0]  }
0x210: {  	s16 =	sor.u32 $0xC30, s21;
	[tilespmem:v3+s7+$0x0] =	vst.idx.add.f32.msk $0xffff, v2  }
0x211: {  	v3 =	vld [tilespmem:s16+$0x0]  }
0x212: {  	[tilespmem:v6+s7+$0x0] =	vst.idx.add.f32.msk $0xffff, v2  }
0x213: {  	[tilespmem:v5+s7+$0x0] =	vst.idx.add.f32.msk $0xffff, v2  }
0x214: {  	v4 =	vadd.s32 v1, v4;
	v6 =	vld [tilespmem:s18+$0x0]  }
0x215: {  	v5 =	vld [tilespmem:s13+$0x0];
	_ =	sdelay $0x1  }
0x216: {  	v3 =	vadd.s32 v1, v3;
	_ =	sdelay $0x1  }
0x217: {  	[tilespmem:v4+s7+$0x0] =	vst.idx.add.f32.msk $0xffff, v2;
	v6 =	vadd.s32 v1, v6  }
0x218: {  	v4 =	vld [tilespmem:s24+$0x0];
	v5 =	vadd.s32 v1, v5;
	_ =	sdelay $0x1  }
0x219: {  	s20 =	sor.u32 $0xC40, s21;
	[tilespmem:v3+s7+$0x0] =	vst.idx.add.f32.msk $0xffff, v2  }
0x21a: {  	v3 =	vld [tilespmem:s20+$0x0]  }
0x21b: {  	[tilespmem:v6+s7+$0x0] =	vst.idx.add.f32.msk $0xffff, v2  }
0x21c: {  	v4 =	vadd.s32 v1, v4;
	[tilespmem:v5+s7+$0x0] =	vst.idx.add.f32.msk $0xffff, v2  }
0x21d: {  	v6 =	vld [tilespmem:s12+$0x0]  }
0x21e: {  	v5 =	vld [tilespmem:s9+$0x0];
	_ =	sdelay $0x1  }
0x21f: {  	v3 =	vadd.s32 v1, v3  }
0x220: {  	[tilespmem:v4+s7+$0x0] =	vst.idx.add.f32.msk $0xffff, v2  }
0x221: {  	v4 =	vld [tilespmem:s30+$0x0];
	v6 =	vadd.s32 v1, v6  }
0x222: {  	v5 =	vadd.s32 v1, v5;
	_ =	sdelay $0x1  }
0x223: {  	s22 =	sor.u32 $0xC50, s21;
	[tilespmem:v3+s7+$0x0] =	vst.idx.add.f32.msk $0xffff, v2  }
0x224: {  	v3 =	vld [tilespmem:s22+$0x0]  }
0x225: {  	v4 =	vadd.s32 v1, v4;
	[tilespmem:v6+s7+$0x0] =	vst.idx.add.f32.msk $0xffff, v2  }
0x226: {  	s24 =	rddreg [dreg:$0x6];
	[tilespmem:v5+s7+$0x0] =	vst.idx.add.f32.msk $0xffff, v2  }
0x227: {  	v6 =	vld [tilespmem:s24+$0x0]  }
0x228: {  	v5 =	vld [tilespmem:s25+$0x0];
	_ =	sdelay $0x1  }
0x229: {  	v3 =	vadd.s32 v1, v3;
	[tilespmem:v4+s7+$0x0] =	vst.idx.add.f32.msk $0xffff, v2  }
0x22a: {  	v4 =	vld [tilespmem:s17+$0x0]  }
0x22b: {  	v6 =	vadd.s32 v1, v6  }
0x22c: {  	v5 =	vadd.s32 v1, v5;
	_ =	sdelay $0x1  }
0x22d: {  	[tilespmem:v3+s7+$0x0] =	vst.idx.add.f32.msk $0xffff, v2;
	s25 =	sor.u32 $0xC60, s21  }
0x22e: {  	v3 =	vld [tilespmem:s25+$0x0];
	v4 =	vadd.s32 v1, v4  }
0x22f: {  	[tilespmem:v6+s7+$0x0] =	vst.idx.add.f32.msk $0xffff, v2  }
0x230: {  	s26 =	rddreg [dreg:$0x7];
	[tilespmem:v5+s7+$0x0] =	vst.idx.add.f32.msk $0xffff, v2  }
0x231: {  	v6 =	vld [tilespmem:s26+$0x0]  }
0x232: {  	v5 =	vld [tilespmem:s23+$0x0]  }
0x233: {  	[tilespmem:v4+s7+$0x0] =	vst.idx.add.f32.msk $0xffff, v2  }
0x234: {  	v3 =	vadd.s32 v1, v3;
	v4 =	vld [tilespmem:s19+$0x0];
	_ =	sdelay $0x1  }
0x235: {  	v6 =	vadd.s32 v1, v6  }
0x236: {  	v5 =	vadd.s32 v1, v5;
	_ =	sdelay $0x1  }
0x237: {  	s28 =	sor.u32 $0xC70, s21;
	[tilespmem:v3+s7+$0x0] =	vst.idx.add.f32.msk $0xffff, v2;
	v3 =	vadd.s32 v1, v4  }
0x238: {  	v4 =	vld [tilespmem:s28+$0x0]  }
0x239: {  	[tilespmem:v6+s7+$0x0] =	vst.idx.add.f32.msk $0xffff, v2  }
0x23a: {  	[tilespmem:v5+s7+$0x0] =	vst.idx.add.f32.msk $0xffff, v2  }
0x23b: {  	v6 =	vld [tilespmem:s1+$0x0]  }
0x23c: {  	[tilespmem:v3+s7+$0x0] =	vst.idx.add.f32.msk $0xffff, v2  }
0x23d: {  	v3 =	vld [tilespmem:s6+$0x0]  }
0x23e: {  	v5 =	vld [tilespmem:s3+$0x0];
	_ =	sdelay $0x1  }
0x23f: {  	v4 =	vadd.s32 v1, v4  }
0x240: {  	v6 =	vadd.s32 v1, v6  }
0x241: {  	v3 =	vadd.s32 v1, v3  }
0x242: {  	v5 =	vadd.s32 v1, v5;
	_ =	sdelay $0x1  }
0x243: {  	[tilespmem:v4+s7+$0x0] =	vst.idx.add.f32.msk $0xffff, v2  }
0x244: {  	[tilespmem:v6+s7+$0x0] =	vst.idx.add.f32.msk $0xffff, v2  }
0x245: {  	[tilespmem:v3+s7+$0x0] =	vst.idx.add.f32.msk $0xffff, v2  }
0x246: {  	s29 =	simm.s32 $0x0;
	s30 =	simm.s32 $0x5010;
	[tilespmem:v5+s7+$0x0] =	vst.idx.add.f32.msk $0xffff, v2  }
0x247: {  	s0 =	sand.u32 $0x1E0, s29;
	v3 =	vld [tilespmem:s30+$0xFFFFEFF0]  }
0x248: {  	v4 =	vld [tilespmem:s0+$0x4200]  }
0x249: {  	v5 =	vld [tilespmem:s30+$0xFFFFF000]  }
0x24a: {  	v6 =	vld [tilespmem:s0+$0x4400]  }
0x24b: {  	v7 =	vld [tilespmem:s30+$0xFFFFF200]  }
0x24c: {  	v8 =	vld [tilespmem:s0+$0x4600]  }
0x24d: {  	v9 =	vld [tilespmem:s30+$0xFFFFF400]  }
0x24e: {  	v10 =	vld [tilespmem:s0+$0x4800]  }
0x24f: {  	v11 =	vld [tilespmem:s30+$0xFFFFF600]  }
0x250: {  	v12 =	vld [tilespmem:s0+$0x4A00]  }
0x251: {  	v13 =	vld [tilespmem:s30+$0xFFFFF800]  }
0x252: {  	v14 =	vld [tilespmem:s0+$0x4C00]  }
0x253: {  	v15 =	vld [tilespmem:s30+$0xFFFFFA00]  }
0x254: {  	v16 =	vld [tilespmem:s0+$0x4E00]  }
0x255: {  	v17 =	vld [tilespmem:s30+$0xFFFFFC00]  }
0x256: {  	v18 =	vld [tilespmem:s0+$0x5000]  }
0x257: {  	v19 =	vld [tilespmem:s30+$0xFFFFFE00]  }
0x258: {  	v20 =	vld [tilespmem:s0+$0x5200]  }
0x259: {  	v21 =	vld [tilespmem:s30+$0x0]  }
0x25a: {  	v22 =	vld [tilespmem:s0+$0x5400]  }
0x25b: {  	v23 =	vld [tilespmem:s30+$0x200]  }
0x25c: {  	v24 =	vld [tilespmem:s0+$0x5600]  }
0x25d: {  	v25 =	vld [tilespmem:s30+$0x400]  }
0x25e: {  	v26 =	vld [tilespmem:s0+$0x5800]  }
0x25f: {  	v27 =	vld [tilespmem:s30+$0x600]  }
0x260: {  	v28 =	vld [tilespmem:s0+$0x5A00]  }
0x261: {  	v29 =	vld [tilespmem:s30+$0x800]  }
0x262: {  	v30 =	vld [tilespmem:s0+$0x5C00]  }
0x263: {  	v31 =	vld [tilespmem:s30+$0xA00]  }
0x264: {  	v32 =	vld [tilespmem:s0+$0x5E00]  }
0x265: {  	s1 =	simm.s32 $0x20;
	v33 =	vld [tilespmem:s30+$0xC00];
	s0 =	simm.s32 $0x5030;
	v3 =	vadd.f32 v4, v3  }
0x266: {  	s31 =	sand.u32 $0x1E0, s1;
	v4 =	vadd.f32 v7, v5;
	v7 =	vld [tilespmem:s0+$0xFFFFEFF0]  }
0x267: {  	v3 =	vadd.f32 v6, v3;
	v6 =	vld [tilespmem:s31+$0x4200]  }
0x268: {  	v4 =	vadd.f32 v9, v4;
	v9 =	vld [tilespmem:s0+$0xFFFFF000]  }
0x269: {  	v3 =	vadd.f32 v8, v3;
	v8 =	vld [tilespmem:s31+$0x4400]  }
0x26a: {  	v4 =	vadd.f32 v11, v4;
	v11 =	vld [tilespmem:s0+$0xFFFFF200]  }
0x26b: {  	v3 =	vadd.f32 v10, v3;
	v10 =	vld [tilespmem:s31+$0x4600]  }
0x26c: {  	v4 =	vadd.f32 v13, v4;
	v6 =	vadd.f32 v6, v7;
	v7 =	vld [tilespmem:s0+$0xFFFFF400]  }
0x26d: {  	v54 =	vld [tilespmem:s31+$0x4800];
	v3 =	vadd.f32 v12, v3  }
0x26e: {  	v4 =	vadd.f32 v15, v4;
	v6 =	vadd.f32 v8, v6;
	v8 =	vld [tilespmem:s0+$0xFFFFF600]  }
0x26f: {  	v55 =	vld [tilespmem:s31+$0x4A00];
	v9 =	vadd.f32 v11, v9;
	v3 =	vadd.f32 v14, v3  }
0x270: {  	v4 =	vadd.f32 v17, v4;
	v6 =	vadd.f32 v10, v6;
	v10 =	vld [tilespmem:s0+$0xFFFFF800]  }
0x271: {  	v11 =	vld [tilespmem:s31+$0x4C00];
	v7 =	vadd.f32 v7, v9  }
0x272: {  	v3 =	vadd.f32 v16, v3;
	v4 =	vadd.f32 v19, v4;
	v9 =	vld [tilespmem:s0+$0xFFFFFA00]  }
0x273: {  	v56 =	vld [tilespmem:s31+$0x4E00];
	v6 =	vadd.f32 v54, v6;
	v7 =	vadd.f32 v8, v7  }
0x274: {  	v3 =	vadd.f32 v18, v3;
	v4 =	vadd.f32 v21, v4;
	v8 =	vld [tilespmem:s0+$0xFFFFFC00]  }
0x275: {  	v57 =	vld [tilespmem:s31+$0x5000];
	v6 =	vadd.f32 v55, v6;
	v7 =	vadd.f32 v10, v7  }
0x276: {  	v3 =	vadd.f32 v20, v3;
	v4 =	vadd.f32 v23, v4;
	v10 =	vld [tilespmem:s0+$0xFFFFFE00]  }
0x277: {  	v6 =	vadd.f32 v11, v6;
	v11 =	vld [tilespmem:s31+$0x5200];
	v7 =	vadd.f32 v9, v7  }
0x278: {  	v3 =	vadd.f32 v22, v3;
	v4 =	vadd.f32 v25, v4;
	v9 =	vld [tilespmem:s0+$0x0]  }
0x279: {  	v58 =	vld [tilespmem:s31+$0x5400];
	v6 =	vadd.f32 v56, v6;
	v7 =	vadd.f32 v8, v7  }
0x27a: {  	v3 =	vadd.f32 v24, v3;
	v4 =	vadd.f32 v27, v4;
	v8 =	vld [tilespmem:s0+$0x200]  }
0x27b: {  	v59 =	vld [tilespmem:s31+$0x5600];
	v6 =	vadd.f32 v57, v6;
	v7 =	vadd.f32 v10, v7  }
0x27c: {  	v3 =	vadd.f32 v26, v3;
	v4 =	vadd.f32 v29, v4;
	v10 =	vld [tilespmem:s0+$0x400]  }
0x27d: {  	v5 =	vld [tilespmem:s30+$0xE00];
	v6 =	vadd.f32 v11, v6;
	v7 =	vadd.f32 v9, v7  }
0x27e: {  	v11 =	vld [tilespmem:s31+$0x5800];
	v3 =	vadd.f32 v28, v3;
	v4 =	vadd.f32 v31, v4  }
0x27f: {  	v9 =	vld [tilespmem:s0+$0x600];
	v6 =	vadd.f32 v58, v6;
	v7 =	vadd.f32 v8, v7  }
0x280: {  	v62 =	vld [tilespmem:s31+$0x5A00];
	v60 =	vadd.f32 v30, v3;
	v61 =	vadd.f32 v33, v4  }
0x281: {  	v6 =	vadd.f32 v59, v6;
	v10 =	vadd.f32 v10, v7;
	v7 =	vld [tilespmem:s0+$0x800]  }
0x282: {  	v4 =	vld [tilespmem:s31+$0x5C00];
	v8 =	vadd.f32 v32, v60  }
0x283: {  	s3 =	simm.s32 $0x6010;
	v63 =	vadd.f32 v5, v61;
	v5 =	vld [tilespmem:s0+$0xA00];
	v6 =	vadd.f32 v11, v6  }
0x284: {  	v3 =	vld [tilespmem:s31+$0x5E00];
	[tilespmem:s3+$0xFFFFFFF0] =	vst v8;
	v9 =	vadd.f32 v9, v10  }
0x285: {  	[tilespmem:s3+$0x0] =	vst v63;
	v8 =	vadd.f32 v62, v6;
	v6 =	vld [tilespmem:s0+$0xC00]  }
.LBB2_6:
0x286: {  	s1 =	sadd.s32 $0x20, s1;
	v7 =	vadd.f32 v7, v9;
	v9 =	vld [tilespmem:s0+$0xE00];
	s0 =	sadd.s32 $0x20, s0  }
0x287: {  	v10 =	vld [tilespmem:s0+$0xFFFFEFF0];
	s2 =	sand.u32 $0x1E0, s1;
	p0 =	slt.u32 s1, $0x1E0;
	v4 =	vadd.f32 v4, v8  }
0x288: {  	v8 =	vld [tilespmem:s2+$0x4200];
	v5 =	vadd.f32 v5, v7  }
0x289: {  	v7 =	vld [tilespmem:s0+$0xFFFFF000];
	v3 =	vadd.f32 v3, v4  }
0x28a: {  	s3 =	sadd.s32 $0x20, s3;
	v4 =	vld [tilespmem:s2+$0x4400];
	v5 =	vadd.f32 v6, v5  }
0x28b: {  	v6 =	vld [tilespmem:s0+$0xFFFFF200];
	[tilespmem:s3+$0xFFFFFFF0] =	vst v3  }
0x28c: {  	v3 =	vld [tilespmem:s2+$0x4600];
	v5 =	vadd.f32 v9, v5  }
0x28d: {  	v8 =	vadd.f32 v8, v10;
	v9 =	vld [tilespmem:s0+$0xFFFFF400]  }
0x28e: {  	v10 =	vld [tilespmem:s2+$0x4800];
	[tilespmem:s3+$0x0] =	vst v5  }
0x28f: {  	v4 =	vadd.f32 v4, v8;
	v5 =	vld [tilespmem:s0+$0xFFFFF600]  }
0x290: {  	v8 =	vld [tilespmem:s2+$0x4A00];
	v6 =	vadd.f32 v6, v7  }
0x291: {  	v3 =	vadd.f32 v3, v4;
	v4 =	vld [tilespmem:s0+$0xFFFFF800]  }
0x292: {  	v7 =	vld [tilespmem:s2+$0x4C00];
	v6 =	vadd.f32 v9, v6  }
0x293: {  	v3 =	vadd.f32 v10, v3;
	v9 =	vld [tilespmem:s0+$0xFFFFFA00]  }
0x294: {  	v10 =	vld [tilespmem:s2+$0x4E00];
	v5 =	vadd.f32 v5, v6  }
0x295: {  	v3 =	vadd.f32 v8, v3;
	v6 =	vld [tilespmem:s0+$0xFFFFFC00]  }
0x296: {  	v8 =	vld [tilespmem:s2+$0x5000];
	v4 =	vadd.f32 v4, v5  }
0x297: {  	v3 =	vadd.f32 v7, v3;
	v5 =	vld [tilespmem:s0+$0xFFFFFE00]  }
0x298: {  	v7 =	vld [tilespmem:s2+$0x5200];
	v4 =	vadd.f32 v9, v4  }
0x299: {  	v3 =	vadd.f32 v10, v3;
	v9 =	vld [tilespmem:s0+$0x0]  }
0x29a: {  	v10 =	vld [tilespmem:s2+$0x5400];
	v4 =	vadd.f32 v6, v4  }
0x29b: {  	v3 =	vadd.f32 v8, v3;
	v6 =	vld [tilespmem:s0+$0x200]  }
0x29c: {  	v8 =	vld [tilespmem:s2+$0x5600];
	v4 =	vadd.f32 v5, v4  }
0x29d: {  	v3 =	vadd.f32 v7, v3;
	v5 =	vld [tilespmem:s0+$0x400]  }
0x29e: {  	v11 =	vld [tilespmem:s2+$0x5800];
	v4 =	vadd.f32 v9, v4  }
0x29f: {  	v3 =	vadd.f32 v10, v3;
	v9 =	vld [tilespmem:s0+$0x600]  }
0x2a0: {  	v10 =	vld [tilespmem:s2+$0x5A00];
	v6 =	vadd.f32 v6, v4  }
.Ltmp2:
0x2a1: {  	v3 =	vadd.f32 v8, v3;
	v7 =	vld [tilespmem:s0+$0x800];
	(pc) =	sbr.rel @p0 .LBB2_6-.Ltmp2, $4  }
0x2a2: {  	v4 =	vld [tilespmem:s2+$0x5C00];
	v6 =	vadd.f32 v5, v6  }
0x2a3: {  	v8 =	vadd.f32 v11, v3;
	v5 =	vld [tilespmem:s0+$0xA00]  }
0x2a4: {  	v3 =	vld [tilespmem:s2+$0x5E00];
	v9 =	vadd.f32 v9, v6  }
0x2a5: {  	v8 =	vadd.f32 v10, v8;
	v6 =	vld [tilespmem:s0+$0xC00]  }
0x2a6: {  	v7 =	vadd.f32 v7, v9  }
0x2a7: {  	v62 =	vld [tilespmem:s0+$0xE00]  }
0x2a8: {  	v5 =	vadd.f32 v5, v7  }
0x2a9: {  	v4 =	vadd.f32 v4, v8  }
0x2aa: {  	v5 =	vadd.f32 v6, v5  }
0x2ab: {  	v3 =	vadd.f32 v3, v4  }
0x2ac: {  	s29 =	sadd.s32 $0x20, s3;
	v63 =	vadd.f32 v62, v5  }
0x2ad: {  	[tilespmem:s29+$0xFFFFFFF0] =	vst v3  }
0x2ae: {  	[tilespmem:s29+$0x0] =	vst v63  }
0x2af: {  	s0 =	sld [smem:$0x7FC];
	_ =	sdelay $0x1  }
0x2b0: {  	s1 =	simm.s32 $0x80;
	s2 =	simm.s32 $0x400;
	s30 =	simm.s32 $0x6000  }
0x2b1: {  	[hbm4b:s0+s1] =	stream.strided.scatter [tilespmem:s30], [sflag:$0x1], $0x200, s2, s1, $0x38;
	[tilespmem:$0x6200] =	vst v63  }
0x2b2: {  	s2 =	simm.s32 $0x1  }
0x2b3: {  	_ =	swait.ge [sflag:s2], $0x200  }
0x2b4: {  	s5 =	sld [smem:$0x7FA]  }
0x2b5: {  	s31 =	sld [smem:$0x7FD];
	_ =	sdelay $0x1  }
0x2b6: {  	s5 =	sadd.s32 $0x1, s5  }
0x2b7: {  	p0 =	sne.s32 s5, s31  }
.Ltmp3:
0x2b8: {  	_ = 	snop;
	(pc) =	sbr.rel @p0 .LBB2_1-.Ltmp3, $3  }
0x2b9: {  	_ =	sdelay $0x1  }
0x2ba: {  	[sflag:s2] =	ssyncset.done $0x0  }
0x2bb: {  	[sflag:s2] =	ssyncadd.s32 $0xFFFFFE00  }
0x2bc: {  	_ =	sfence.sel $0x180000  }
0x2bd: {  	[bflag:$0x0] =	sbarrier.arrive $0xFFFF  }
0x2be: {  	_ =	strace $0x9000004A  }
0x2bf: {  	s0 =	stileid.u32;
	[bflag:$0x2] =	sbarrier.arrive $0xFFFF  }
0x2c0: {  	p0 =	sne.s32 s0, $0x0;
	s0 =	rddreg [dreg:$0x1]  }
0x2c1: {  	s0 =	sadd.s32 @!p0 $0x100000, s0  }
0x2c2: {  	[sflag:s0] =	ssyncadd.tile.s32 @!p0 $0x1;
	_ =	shalt  }
.Lfunc_end2:
_tile_overlayer_lowered:
.L_overlay_start_2:
0x2c3: {  	(tag) =	ssettag $0x2  }
0x2c4: {  	s0 =	rddreg [dreg:$0x0];
	s2 =	stileid.u32  }
0x2c5: {  	s1 =	rddreg [dreg:$0x1];
	p0 =	sne.s32 s2, $0x0  }
0x2c6: {  	s3 =	rddreg [dreg:$0x2];
	[bflag:$0x3] =	sbarrier.arrive $0xFFFF;
	s2 =	simm.s32 @!p0 $0x1C01  }
0x2c7: {  	[timem:s3], [sflag:s2] =	dma.local @!p0 [hbm:s0], s1  }
0x2c8: {  	s0 =	simm.s32 @!p0 $0x1  }
0x2c9: {  	_ =	swait.ge @!p0 [sflag:s0], s1  }
0x2ca: {  	s1 =	ssub.s32 @!p0 $0x0, s1;
	[sflag:s0] =	ssyncset.done @!p0 $0x0  }
0x2cb: {  	[sflag:s0] =	ssyncadd.s32 @!p0 s1  }
0x2cc: {  	[bflag:$0x3] =	sbarrier.arrive $0xFFFF  }
0x2cd: {  	_ =	shalt  }

// kernel: kernel.7.cloned.1.call-start
scs
__scs_entry_jumppad:
0x0: {  	(pc) =	sbr.rel $0x88, $3  }
0x1: {  	(tag) =	ssettag $0x0;
	lr =	simm.s32 $0x1  }
0x2: {  	[smem:$0x3F9F] =	sst lr;
	_ =	strace $0xD0000000  }
0x3: {  	_ = 	snop  }
0x4: {  	_ = 	snop  }
0x5: {  	_ = 	snop  }
0x6: {  	_ = 	snop  }
0x7: {  	_ = 	snop  }
__scs_overlays_trampoline_lowered:
0x8: {  	[smem:$0x3FAE] =	sst s0  }
0x9: {  	[smem:$0x3FAF] =	sst s1  }
0xa: {  	[smem:$0x3FB0] =	sst s2  }
0xb: {  	[smem:$0x3FB1] =	sst s3  }
0xc: {  	[smem:$0x3FB2] =	sst s4  }
0xd: {  	[smem:$0x3FB3] =	sst s5  }
0xe: {  	[smem:$0x3FB4] =	sst s6  }
0xf: {  	[smem:$0x3FB5] =	sst s7  }
0x10: {  	[smem:$0x3FB6] =	sst s8  }
0x11: {  	[smem:$0x3FB7] =	sst s9;
	s0 =	simm.s32 @!p0 $0x0  }
0x12: {  	s1 =	sld [smem:$0x3F9D];
	s0 =	simm.s32 @p0 $0x1  }
0x13: {  	[smem:$0x3FB8] =	sst s0;
	s0 =	simm.s32 @!p1 $0x0  }
0x14: {  	s2 =	sld [smem:$0x3F9C];
	s0 =	simm.s32 @p1 $0x1  }
0x15: {  	[smem:$0x3FB9] =	sst s0;
	s0 =	simm.s32 @!p2 $0x0  }
0x16: {  	s3 =	sld [smem:$0x3FDB];
	s0 =	simm.s32 @p2 $0x1  }
0x17: {  	s4 =	simm.s32 $0x1BF5;
	[smem:$0x3FBB] =	sst s0  }
0x18: {  	s0 =	sld [smem:$0x3F9E];
	_ =	swait.ge [sflag:s4], $0x0  }
0x19: {  	s7 =	sld [smem:$0x3F9F]  }
0x1a: {  	s8 =	sadd.s32 $0xFFFFE003, lr  }
0x1b: {  	s9 =	sadd.s32 $0xFFFFFEF7, lr;
	s5 =	simm.s32 $0xFFFFFFFF;
	p2 =	slt.u32 s8, $0xFFFFF086  }
0x1c: {  	p1 =	slt.u32 s9, $0xF7A;
	s5 =	simm.s32 @!p2 $0x0  }
0x1d: {  	s5 =	simm.s32 @p1 $0x1;
	p0 =	seq.s32 s7, s2  }
0x1e: {  	s7 =	smul.u32 @!p0 $0xF7A, s2;
	p2 =	seq.s32 @!p0 s5, $0x0  }
0x1f: {  	s9 =	smul.u32 $0xF7A, s1;
	s8 =	simm.s32 @!p0 $0x1BF5;
	p2 =	por !p2, p0  }
0x20: {  	[sflag:s8] =	ssyncset.s32 @!p0 $0xFFFFF086;
	s6 =	sadd.s32 @!p0 s3, s7;
	s7 =	simm.s32 @!p0 $0x108  }
0x21: {  	s3 =	sadd.s32 s3, s9;
	s6 =	sadd.s32 @!p0 $0x88, s6;
	s7 =	simm.s32 @p2 $0x1082  }
0x22: {  	[simem:s7], [sflag:s8] =	dma.local @!p0 [hbm:s6], $0xF7A  }
0x23: {  	s9 =	sor.u32 $0xD0000000, s2;
	s6 =	simm.s32 $0x108;
	_ =	swait.ge @!p0 [sflag:s8], $0x0  }
0x24: {  	s3 =	sadd.s32 $0x88, s3;
	s6 =	simm.s32 @!p1 $0x1082;
	[sflag:s4] =	ssyncset.s32 $0xFFFFF086  }
0x25: {  	[simem:s6], [sflag:s4] =	dma.local [hbm:s3], $0xF7A  }
0x26: {  	[smem:$0x3F9F] =	sst s1;
	(tag) =	ssettag s2;
	_ =	strace s9  }
0x27: {  	s1 =	sld [smem:$0x3FAF]  }
0x28: {  	s2 =	sld [smem:$0x3FB0]  }
0x29: {  	s4 =	sld [smem:$0x3FB2]  }
0x2a: {  	p0 =	seq.s32 s5, $0x0;
	s5 =	sld [smem:$0x3FB3]  }
0x2b: {  	s6 =	sld [smem:$0x3FB4]  }
0x2c: {  	s7 =	sld [smem:$0x3FB5]  }
0x2d: {  	s3 =	simm.s32 $0x108;
	s8 =	sld [smem:$0x3FB6]  }
0x2e: {  	s3 =	simm.s32 @!p0 $0x1082;
	s9 =	sld [smem:$0x3FB7]  }
0x2f: {  	lr =	sadd.s32 s0, s3;
	s0 =	sld [smem:$0x3FAE]  }
0x30: {  	s3 =	sld [smem:$0x3FB1]  }
0x31: {  	[smem:$0x3FBA] =	sst s10  }
0x32: {  	s10 =	sld [smem:$0x3FB8];
	_ =	sdelay $0x3  }
0x33: {  	p0 =	seq.s32 s10, $0x1;
	s10 =	sld [smem:$0x3FBA];
	_ =	sdelay $0x3  }
0x34: {  	[smem:$0x3FBA] =	sst s10  }
0x35: {  	s10 =	sld [smem:$0x3FB9];
	_ =	sdelay $0x3  }
0x36: {  	p1 =	seq.s32 s10, $0x1;
	s10 =	sld [smem:$0x3FBA];
	_ =	sdelay $0x3  }
0x37: {  	[smem:$0x3FBA] =	sst s10  }
0x38: {  	s10 =	sld [smem:$0x3FBB]  }
0x39: {  	_ = 	snop;
	(pc) =	sbr.ind lr, $3  }
0x3a: {  	_ = 	snop  }
0x3b: {  	_ = 	snop  }
0x3c: {  	p2 =	seq.s32 s10, $0x1;
	s10 =	sld [smem:$0x3FBA]  }
0x3d: {  	_ =	shalt  }
0x3e: {  	_ =	shalt  }
0x3f: {  	_ =	shalt  }
0x40: {  	_ =	shalt  }
0x41: {  	_ =	shalt  }
0x42: {  	_ =	shalt  }
0x43: {  	_ =	shalt  }
0x44: {  	_ =	shalt  }
0x45: {  	_ =	shalt  }
0x46: {  	_ =	shalt  }
0x47: {  	_ =	shalt  }
0x48: {  	_ =	shalt  }
0x49: {  	_ =	shalt  }
0x4a: {  	_ =	shalt  }
0x4b: {  	_ =	shalt  }
0x4c: {  	_ =	shalt  }
0x4d: {  	_ =	shalt  }
0x4e: {  	_ =	shalt  }
0x4f: {  	_ =	shalt  }
0x50: {  	_ =	shalt  }
0x51: {  	_ =	shalt  }
0x52: {  	_ =	shalt  }
0x53: {  	_ =	shalt  }
0x54: {  	_ =	shalt  }
0x55: {  	_ =	shalt  }
0x56: {  	_ =	shalt  }
0x57: {  	_ =	shalt  }
0x58: {  	_ =	shalt  }
0x59: {  	_ =	shalt  }
0x5a: {  	_ =	shalt  }
0x5b: {  	_ =	shalt  }
0x5c: {  	_ =	shalt  }
0x5d: {  	_ =	shalt  }
0x5e: {  	_ =	shalt  }
0x5f: {  	_ =	shalt  }
0x60: {  	_ =	shalt  }
0x61: {  	_ =	shalt  }
0x62: {  	_ =	shalt  }
0x63: {  	_ =	shalt  }
0x64: {  	_ =	shalt  }
0x65: {  	_ =	shalt  }
0x66: {  	_ =	shalt  }
0x67: {  	_ =	shalt  }
0x68: {  	_ =	shalt  }
0x69: {  	_ =	shalt  }
0x6a: {  	_ =	shalt  }
0x6b: {  	_ =	shalt  }
0x6c: {  	_ =	shalt  }
0x6d: {  	_ =	shalt  }
0x6e: {  	_ =	shalt  }
0x6f: {  	_ =	shalt  }
0x70: {  	_ =	shalt  }
0x71: {  	_ =	shalt  }
0x72: {  	_ =	shalt  }
0x73: {  	_ =	shalt  }
0x74: {  	_ =	shalt  }
0x75: {  	_ =	shalt  }
0x76: {  	_ =	shalt  }
0x77: {  	_ =	shalt  }
0x78: {  	_ =	shalt  }
0x79: {  	_ =	shalt  }
0x7a: {  	_ =	shalt  }
0x7b: {  	_ =	shalt  }
0x7c: {  	_ =	shalt  }
0x7d: {  	_ =	shalt  }
0x7e: {  	_ =	shalt  }
0x7f: {  	_ =	shalt  }
0x80: {  	_ =	shalt  }
0x81: {  	_ =	shalt  }
0x82: {  	_ =	shalt  }
0x83: {  	_ =	shalt  }
0x84: {  	_ =	shalt  }
0x85: {  	_ =	shalt  }
0x86: {  	_ =	shalt  }
0x87: {  	_ =	shalt  }
.Lfunc_end0:
.L_simem_size_0:
called_computation_lowered:
.L_overlay_start_0:
0x88: {  	s2 =	sld [smem:$0x3FD9]  }
0x89: {  	s3 =	sld [smem:$0x3FFE];
	_ =	sdelay $0x1  }
0x8a: {  	s1 =	srdreg.scid  }
0x8b: {  	s0 =	sand.u32 $0x1, s1  }
0x8c: {  	s16 =	sshll.u32 s0, $0xA;
	s2 =	sadd.s32 s3, s2  }
0x8d: {  	s2 =	sadd.s32 s2, s16  }
0x8e: {  	[smem:$0x3FC6] =	sst s2  }
0x8f: {  	_ = 	snop  }
0x90: {  	(tm) =	ssettm $0x1  }
0x91: {  	s17 =	sld [smem:$0x3FFB];
	_ =	sdelay $0x3  }
0x92: {  	_ =	strace s17  }
0x93: {  	s2 =	sld [smem:$0x3FFC];
	_ =	sdelay $0x3  }
0x94: {  	_ =	strace s2  }
0x95: {  	s2 =	sld [smem:$0x3FFD];
	_ =	sdelay $0x3  }
0x96: {  	_ =	strace s2  }
0x97: {  	_ =	strace $0x8FFFFFFF  }
0x98: {  	s18 =	sld [smem:$0x3FDB];
	_ =	sdelay $0x1  }
0x99: {  	s19 =	simm.s32 $_scs_section_size  }
0x9a: {  	s4 =	simm.s32 $_size__tile_overlayer_lowered;
	s5 =	simm.s32 $_tile_overlayer_lowered  }
0x9b: {  	s22 =	simm.s32 $0x1BFF;
	s21 =	sshll.u32 s5, $0x1;
	s2 =	sadd.s32 s19, s18  }
0x9c: {  	s6 =	simm.s32 $0x0;
	s20 =	sshll.u32 s4, $0x1;
	s4 =	sadd.s32 s21, s2  }
0x9d: {  	[timem:s6], [sflag:s22] =	dma.local [hbm:s4], s20  }
0x9e: {  	_ =	swait.ge [sflag:s22], s20  }
0x9f: {  	s3 =	ssub.s32 $0x0, s20;
	[sflag:s22] =	ssyncset.done $0x0  }
0xa0: {  	[sflag:s22] =	ssyncadd.s32 s3;
	_ =	sdelay $0x1  }
0xa1: {  	s23 =	simm.s32 $0x1B8B  }
0xa2: {  	_ =	swait.ge [sflag:s23], $0x1  }
0xa3: {  	[sflag:s23] =	ssyncset.done $0x0  }
0xa4: {  	s25 =	simm.s32 $0x1B8E;
	s24 =	sld [smem:$0x3FFE];
	[sflag:s23] =	ssyncadd.s32 $0xFFFFFFFF  }
0xa5: {  	s26 =	simm.s32 $execute0_lowered;
	[smem:$0x3FD2] =	sst s25  }
0xa6: {  	s4 =	sshll.u32 s26, $0x1;
	_ =	strace $0x80000046;
	[dreg:$0x1] =	wrdreg $0xFFFFFFFF  }
0xa7: {  	s28 =	simm.s32 $_size_execute0_lowered;
	s2 =	sadd.s32 s2, s4;
	[dreg:$0x0] =	wrdreg $0x0  }
0xa8: {  	s4 =	sshll.u32 s28, $0x1;
	[dreg:$0x2] =	wrdreg s2  }
0xa9: {  	[dreg:$0x3] =	wrdreg s4  }
0xaa: {  	[dreg:$0x4] =	wrdreg $0xC0  }
0xab: {  	_ =	task [dreg:s6], $0x5FFFF  }
0xac: {  	[dreg:$0x1] =	wrdreg $0xFFFFFFFF  }
0xad: {  	[dreg:$0x0] =	wrdreg $0x60  }
0xae: {  	[dreg:$0x2] =	wrdreg s24  }
0xaf: {  	[dreg:$0x3] =	wrdreg $0x9  }
0xb0: {  	_ =	task.clear_ibuf [dreg:s6], $0x4FFFF;
	_ =	strace $0x90000046  }
0xb1: {  	s29 =	simm.s32 $0x9;
	_ =	strace $0x80000048  }
0xb2: {  	_ =	swait.ge [sflag:s29], $0x1  }
0xb3: {  	[sflag:s29] =	ssyncadd.s32 $0xFFFFFFFF  }
0xb4: {  	_ =	strace $0x90000048  }
0xb5: {  	_ =	sfence  }
0xb6: {  	s30 =	sld [smem:$0x0];
	_ =	sdelay $0x2  }
0xb7: {  	s31 =	sshll.u32 s1, $0xD;
	s1 =	sshrl.u32 s1, $0x2  }
0xb8: {  	s3 =	sand.u32 $0x4000, s31;
	s1 =	sadd.s32 s1, s30  }
0xb9: {  	s0 =	sor.u32 s3, s0;
	s1 =	sshll.u32 s1, $0x11  }
0xba: {  	s0 =	sor.u32 s1, s0  }
0xbb: {  	s0 =	sadd.s32 $0x8F2B, s0  }
0xbc: {  	[sflag:s0] =	ssyncadd.remote.s32 $0x1  }
0xbd: {  	_ =	sfence.sel $0xFFFF  }
0xbe: {  	[dreg:$0x0] =	wrdreg $0xFFFFFFFF;
	(pc) =	sbr.abs _section_cstart, $3  }
0xbf: {  	[dreg:$0x1] =	wrdreg $0xFFFFFFFF  }
0xc0: {  	_ =	task.clear_ibuf [dreg:s6], $0x2FFFF;
	_ =	strace $0x9FFFFFFF  }
0xc1: {  	(tm) =	ssettm $0x7FFFFFFF  }
tec
execute0_lowered:
.L_overlay_start_1:
0x0: {  	(tag) =	ssettag $0x1  }
0x1: {  	s0 =	rddreg [dreg:$0x0];
	s1 =	srdreg.scid;
	s5 =	simm.s32 $0x0  }
0x2: {  	s1 =	sand.u32 $0x1, s1;
	[smem:$0x7FF] =	sst s5  }
0x3: {  	s3 =	stileid.u32;
	s2 =	sshll.u32 s1, $0x4;
	_ =	strace $0x80000047  }
0x4: {  	s1 =	ssub.s32 $0x2, s1;
	s2 =	sor.u32 s3, s2;
	s3 =	sshll.u32 s3, $0x4  }
0x5: {  	s29 =	sshrl.u32 s1, $0x1;
	s4 =	smul.u32 $0x1800, s2;
	s3 =	sand.u32 $0x70, s3  }
0x6: {  	s2 =	sshll.u32 s2, $0x6;
	s1 =	ssub.s32 s1, s29;
	s3 =	sadd.s32 s3, s0  }
0x7: {  	s2 =	sand.u32 $0x600, s2;
	s31 =	smax.u32 s1, $0x1;
	s0 =	sadd.s32 s4, s0  }
0x8: {  	s2 =	sadd.s32 s2, s3;
	[smem:$0x7FD] =	sst s31;
	s0 =	sadd.s32 $0x1200, s0  }
0x9: {  	v1 =	vlaneseq.u32;
	s30 =	sadd.s32 $0x31200, s2;
	[smem:$0x7FB] =	sst s0  }
0xa: {  	s7 =	simm.s32 $0xC000;
	v0 =	vimm.f32 $0.0e+00;
	v2 =	vimm.f32 $1.000000000e+00;
	v1 =	vmul.u32 $0x200, v1;
	s2 =	simm.s32 $0x1;
	[smem:$0x7FC] =	sst s30  }
.LBB2_1:
0xb: {  	[smem:$0x7FA] =	sst s5;
	s0 =	simm.s32 $0xC040  }
0xc: {  	[tilespmem:s0+$0xFFFFFFC0] =	vst v0  }
0xd: {  	[tilespmem:s0+$0x30] =	vst v0  }
0xe: {  	[tilespmem:s0+$0x20] =	vst v0  }
0xf: {  	[tilespmem:s0+$0x10] =	vst v0  }
0x10: {  	[tilespmem:s0+$0x0] =	vst v0  }
0x11: {  	[tilespmem:s0+$0xFFFFFFF0] =	vst v0  }
0x12: {  	s1 =	simm.s32 $0x0;
	[tilespmem:s0+$0xFFFFFFE0] =	vst v0  }
.LBB2_2:
0x13: {  	s1 =	sadd.s32 $0x80, s1;
	[tilespmem:s0+$0xFFFFFFD0] =	vst v0;
	s0 =	sadd.s32 $0x80, s0  }
0x14: {  	[tilespmem:s0+$0xFFFFFFC0] =	vst v0;
	p0 =	slt.u32 s1, $0x1F80  }
0x15: {  	[tilespmem:s0+$0x30] =	vst v0  }
.Ltmp0:
0x16: {  	[tilespmem:s0+$0x20] =	vst v0;
	(pc) =	sbr.rel @p0 .LBB2_2-.Ltmp0, $4  }
0x17: {  	[tilespmem:s0+$0x10] =	vst v0  }
0x18: {  	[tilespmem:s0+$0x0] =	vst v0  }
0x19: {  	[tilespmem:s0+$0xFFFFFFF0] =	vst v0  }
0x1a: {  	[tilespmem:s0+$0xFFFFFFE0] =	vst v0  }
0x1b: {  	[tilespmem:s0+$0xFFFFFFD0] =	vst v0  }
0x1c: {  	s1 =	sld [smem:$0x7FB];
	_ =	sdelay $0x1  }
0x1d: {  	s9 =	simm.s32 $0x0  }
0x1e: {  	[tilespmem:s9], [sflag:$0x1] =	stream.linear.gather [hbm4b:s1+s9], $0xC000, $0x38;
	[tilespmem:$0xE200] =	vst v63  }
0x1f: {  	_ =	swait.ge [sflag:s2], $0xC000  }
0x20: {  	s10 =	sand.u32 $0xF000, s9;
	s0 =	sand.u32 $0x200, s9;
	[sflag:s2] =	ssyncset.done $0x0  }
0x21: {  	s0 =	sor.u32 s0, s10;
	[sflag:s2] =	ssyncadd.s32 $0xFFFF4000  }
0x22: {  	v3 =	vld [tilespmem:s0+$0x180];
	_ =	sdelay $0x4  }
0x23: {  	v3 =	vadd.s32 v1, v3;
	_ =	sdelay $0x4  }
0x24: {  	[tilespmem:v3+s7+$0x0] =	vst.idx.add.f32.msk $0xffff, v2  }
0x25: {  	v3 =	vld [tilespmem:s0+$0x190];
	_ =	sdelay $0x3  }
0x26: {  	v4 =	vld [tilespmem:s0+$0x0]  }
0x27: {  	v3 =	vadd.s32 v1, v3  }
0x28: {  	v5 =	vld [tilespmem:s0+$0x80];
	_ =	sdelay $0x2  }
0x29: {  	v6 =	vld [tilespmem:s0+$0x100];
	v4 =	vadd.s32 v1, v4  }
0x2a: {  	[tilespmem:v3+s7+$0x0] =	vst.idx.add.f32.msk $0xffff, v2  }
0x2b: {  	v3 =	vadd.s32 v1, v5;
	v5 =	vld [tilespmem:s0+$0x1A0];
	_ =	sdelay $0x2  }
0x2c: {  	v6 =	vadd.s32 v1, v6;
	[tilespmem:v4+s7+$0x0] =	vst.idx.add.f32.msk $0xffff, v2  }
0x2d: {  	v4 =	vld [tilespmem:s0+$0x10]  }
0x2e: {  	[tilespmem:v3+s7+$0x0] =	vst.idx.add.f32.msk $0xffff, v2;
	v3 =	vadd.s32 v1, v5  }
0x2f: {  	v5 =	vld [tilespmem:s0+$0x90];
	_ =	sdelay $0x1  }
0x30: {  	[tilespmem:v6+s7+$0x0] =	vst.idx.add.f32.msk $0xffff, v2  }
0x31: {  	v6 =	vld [tilespmem:s0+$0x110];
	v4 =	vadd.s32 v1, v4  }
0x32: {  	[tilespmem:v3+s7+$0x0] =	vst.idx.add.f32.msk $0xffff, v2  }
0x33: {  	v3 =	vadd.s32 v1, v5;
	v5 =	vld [tilespmem:s0+$0x1B0];
	_ =	sdelay $0x2  }
0x34: {  	v6 =	vadd.s32 v1, v6;
	[tilespmem:v4+s7+$0x0] =	vst.idx.add.f32.msk $0xffff, v2  }
0x35: {  	v4 =	vld [tilespmem:s0+$0x20]  }
0x36: {  	[tilespmem:v3+s7+$0x0] =	vst.idx.add.f32.msk $0xffff, v2;
	v3 =	vadd.s32 v1, v5  }
0x37: {  	v5 =	vld [tilespmem:s0+$0xA0];
	_ =	sdelay $0x1  }
0x38: {  	[tilespmem:v6+s7+$0x0] =	vst.idx.add.f32.msk $0xffff, v2  }
0x39: {  	v6 =	vld [tilespmem:s0+$0x120];
	v4 =	vadd.s32 v1, v4  }
0x3a: {  	[tilespmem:v3+s7+$0x0] =	vst.idx.add.f32.msk $0xffff, v2  }
0x3b: {  	v3 =	vadd.s32 v1, v5;
	v5 =	vld [tilespmem:s0+$0x1C0];
	_ =	sdelay $0x2  }
0x3c: {  	[tilespmem:v4+s7+$0x0] =	vst.idx.add.f32.msk $0xffff, v2;
	v4 =	vadd.s32 v1, v6  }
0x3d: {  	v6 =	vld [tilespmem:s0+$0x30]  }
0x3e: {  	[tilespmem:v3+s7+$0x0] =	vst.idx.add.f32.msk $0xffff, v2;
	v3 =	vadd.s32 v1, v5  }
0x3f: {  	v5 =	vld [tilespmem:s0+$0xB0];
	_ =	sdelay $0x1  }
0x40: {  	[tilespmem:v4+s7+$0x0] =	vst.idx.add.f32.msk $0xffff, v2  }
0x41: {  	v4 =	vadd.s32 v1, v6;
	v6 =	vld [tilespmem:s0+$0x130]  }
0x42: {  	[tilespmem:v3+s7+$0x0] =	vst.idx.add.f32.msk $0xffff, v2  }
0x43: {  	v3 =	vadd.s32 v1, v5;
	v5 =	vld [tilespmem:s0+$0x1D0];
	_ =	sdelay $0x2  }
0x44: {  	[tilespmem:v4+s7+$0x0] =	vst.idx.add.f32.msk $0xffff, v2;
	v4 =	vadd.s32 v1, v6  }
0x45: {  	v6 =	vld [tilespmem:s0+$0x40]  }
0x46: {  	[tilespmem:v3+s7+$0x0] =	vst.idx.add.f32.msk $0xffff, v2;
	v3 =	vadd.s32 v1, v5  }
0x47: {  	v5 =	vld [tilespmem:s0+$0xC0];
	_ =	sdelay $0x1  }
0x48: {  	[tilespmem:v4+s7+$0x0] =	vst.idx.add.f32.msk $0xffff, v2  }
0x49: {  	v4 =	vadd.s32 v1, v6;
	v6 =	vld [tilespmem:s0+$0x140]  }
0x4a: {  	[tilespmem:v3+s7+$0x0] =	vst.idx.add.f32.msk $0xffff, v2  }
0x4b: {  	v3 =	vadd.s32 v1, v5;
	v5 =	vld [tilespmem:s0+$0x1E0];
	_ =	sdelay $0x2  }
0x4c: {  	[tilespmem:v4+s7+$0x0] =	vst.idx.add.f32.msk $0xffff, v2;
	v4 =	vadd.s32 v1, v6  }
0x4d: {  	v6 =	vld [tilespmem:s0+$0x50]  }
0x4e: {  	[tilespmem:v3+s7+$0x0] =	vst.idx.add.f32.msk $0xffff, v2;
	v3 =	vadd.s32 v1, v5  }
0x4f: {  	v5 =	vld [tilespmem:s0+$0xD0];
	_ =	sdelay $0x1  }
0x50: {  	[tilespmem:v4+s7+$0x0] =	vst.idx.add.f32.msk $0xffff, v2  }
0x51: {  	v4 =	vadd.s32 v1, v6;
	v6 =	vld [tilespmem:s0+$0x150]  }
0x52: {  	[tilespmem:v3+s7+$0x0] =	vst.idx.add.f32.msk $0xffff, v2  }
0x53: {  	v3 =	vadd.s32 v1, v5;
	v5 =	vld [tilespmem:s0+$0x1F0];
	_ =	sdelay $0x2  }
0x54: {  	[tilespmem:v4+s7+$0x0] =	vst.idx.add.f32.msk $0xffff, v2;
	v4 =	vadd.s32 v1, v6  }
0x55: {  	v6 =	vld [tilespmem:s0+$0x60]  }
0x56: {  	[tilespmem:v3+s7+$0x0] =	vst.idx.add.f32.msk $0xffff, v2;
	v3 =	vadd.s32 v1, v5  }
0x57: {  	v5 =	vld [tilespmem:s0+$0xE0];
	_ =	sdelay $0x1  }
0x58: {  	[tilespmem:v4+s7+$0x0] =	vst.idx.add.f32.msk $0xffff, v2  }
0x59: {  	v4 =	vadd.s32 v1, v6;
	v6 =	vld [tilespmem:s0+$0x160]  }
0x5a: {  	[tilespmem:v3+s7+$0x0] =	vst.idx.add.f32.msk $0xffff, v2  }
0x5b: {  	v3 =	vadd.s32 v1, v5;
	v5 =	vld [tilespmem:s0+$0x580];
	_ =	sdelay $0x2  }
0x5c: {  	[tilespmem:v4+s7+$0x0] =	vst.idx.add.f32.msk $0xffff, v2;
	v4 =	vadd.s32 v1, v6  }
0x5d: {  	v6 =	vld [tilespmem:s0+$0x70]  }
0x5e: {  	[tilespmem:v3+s7+$0x0] =	vst.idx.add.f32.msk $0xffff, v2;
	v3 =	vadd.s32 v1, v5  }
0x5f: {  	v5 =	vld [tilespmem:s0+$0xF0];
	_ =	sdelay $0x1  }
0x60: {  	[tilespmem:v4+s7+$0x0] =	vst.idx.add.f32.msk $0xffff, v2  }
0x61: {  	v4 =	vadd.s32 v1, v6;
	v6 =	vld [tilespmem:s0+$0x170]  }
0x62: {  	[tilespmem:v3+s7+$0x0] =	vst.idx.add.f32.msk $0xffff, v2  }
0x63: {  	v3 =	vadd.s32 v1, v5;
	v5 =	vld [tilespmem:s0+$0x590];
	_ =	sdelay $0x2  }
0x64: {  	[tilespmem:v4+s7+$0x0] =	vst.idx.add.f32.msk $0xffff, v2;
	v4 =	vadd.s32 v1, v6  }
0x65: {  	v6 =	vld [tilespmem:s0+$0x400]  }
0x66: {  	[tilespmem:v3+s7+$0x0] =	vst.idx.add.f32.msk $0xffff, v2;
	v3 =	vadd.s32 v1, v5  }
0x67: {  	v5 =	vld [tilespmem:s0+$0x480];
	_ =	sdelay $0x1  }
0x68: {  	[tilespmem:v4+s7+$0x0] =	vst.idx.add.f32.msk $0xffff, v2  }
0x69: {  	v4 =	vadd.s32 v1, v6;
	v6 =	vld [tilespmem:s0+$0x500]  }
0x6a: {  	[tilespmem:v3+s7+$0x0] =	vst.idx.add.f32.msk $0xffff, v2  }
0x6b: {  	v3 =	vadd.s32 v1, v5;
	v5 =	vld [tilespmem:s0+$0x5A0];
	_ =	sdelay $0x2  }
0x6c: {  	[tilespmem:v4+s7+$0x0] =	vst.idx.add.f32.msk $0xffff, v2;
	v4 =	vadd.s32 v1, v6  }
0x6d: {  	v6 =	vld [tilespmem:s0+$0x410]  }
0x6e: {  	[tilespmem:v3+s7+$0x0] =	vst.idx.add.f32.msk $0xffff, v2;
	v3 =	vadd.s32 v1, v5  }
0x6f: {  	v5 =	vld [tilespmem:s0+$0x490];
	_ =	sdelay $0x1  }
0x70: {  	[tilespmem:v4+s7+$0x0] =	vst.idx.add.f32.msk $0xffff, v2  }
0x71: {  	v4 =	vadd.s32 v1, v6;
	v6 =	vld [tilespmem:s0+$0x510]  }
0x72: {  	[tilespmem:v3+s7+$0x0] =	vst.idx.add.f32.msk $0xffff, v2  }
0x73: {  	v3 =	vadd.s32 v1, v5;
	v5 =	vld [tilespmem:s0+$0x5B0];
	_ =	sdelay $0x2  }
0x74: {  	[tilespmem:v4+s7+$0x0] =	vst.idx.add.f32.msk $0xffff, v2;
	v4 =	vadd.s32 v1, v6  }
0x75: {  	v6 =	vld [tilespmem:s0+$0x420]  }
0x76: {  	[tilespmem:v3+s7+$0x0] =	vst.idx.add.f32.msk $0xffff, v2;
	v3 =	vadd.s32 v1, v5  }
0x77: {  	v5 =	vld [tilespmem:s0+$0x4A0];
	_ =	sdelay $0x1  }
0x78: {  	[tilespmem:v4+s7+$0x0] =	vst.idx.add.f32.msk $0xffff, v2  }
0x79: {  	v4 =	vadd.s32 v1, v6;
	v6 =	vld [tilespmem:s0+$0x520]  }
0x7a: {  	[tilespmem:v3+s7+$0x0] =	vst.idx.add.f32.msk $0xffff, v2  }
0x7b: {  	v3 =	vadd.s32 v1, v5;
	v5 =	vld [tilespmem:s0+$0x5C0];
	_ =	sdelay $0x2  }
0x7c: {  	[tilespmem:v4+s7+$0x0] =	vst.idx.add.f32.msk $0xffff, v2;
	v4 =	vadd.s32 v1, v6  }
0x7d: {  	v6 =	vld [tilespmem:s0+$0x430]  }
0x7e: {  	[tilespmem:v3+s7+$0x0] =	vst.idx.add.f32.msk $0xffff, v2;
	v3 =	vadd.s32 v1, v5  }
0x7f: {  	v5 =	vld [tilespmem:s0+$0x4B0];
	_ =	sdelay $0x1  }
0x80: {  	[tilespmem:v4+s7+$0x0] =	vst.idx.add.f32.msk $0xffff, v2  }
0x81: {  	v4 =	vadd.s32 v1, v6;
	v6 =	vld [tilespmem:s0+$0x530]  }
0x82: {  	[tilespmem:v3+s7+$0x0] =	vst.idx.add.f32.msk $0xffff, v2  }
0x83: {  	v3 =	vadd.s32 v1, v5;
	v5 =	vld [tilespmem:s0+$0x5D0];
	_ =	sdelay $0x2  }
0x84: {  	[tilespmem:v4+s7+$0x0] =	vst.idx.add.f32.msk $0xffff, v2;
	v4 =	vadd.s32 v1, v6  }
0x85: {  	v6 =	vld [tilespmem:s0+$0x440]  }
0x86: {  	[tilespmem:v3+s7+$0x0] =	vst.idx.add.f32.msk $0xffff, v2;
	v3 =	vadd.s32 v1, v5  }
0x87: {  	v5 =	vld [tilespmem:s0+$0x4C0];
	_ =	sdelay $0x1  }
0x88: {  	[tilespmem:v4+s7+$0x0] =	vst.idx.add.f32.msk $0xffff, v2  }
0x89: {  	v4 =	vadd.s32 v1, v6;
	v6 =	vld [tilespmem:s0+$0x540]  }
0x8a: {  	[tilespmem:v3+s7+$0x0] =	vst.idx.add.f32.msk $0xffff, v2  }
0x8b: {  	v3 =	vadd.s32 v1, v5;
	v5 =	vld [tilespmem:s0+$0x5E0];
	_ =	sdelay $0x2  }
0x8c: {  	[tilespmem:v4+s7+$0x0] =	vst.idx.add.f32.msk $0xffff, v2;
	v4 =	vadd.s32 v1, v6  }
0x8d: {  	v6 =	vld [tilespmem:s0+$0x450]  }
0x8e: {  	[tilespmem:v3+s7+$0x0] =	vst.idx.add.f32.msk $0xffff, v2;
	v3 =	vadd.s32 v1, v5  }
0x8f: {  	v5 =	vld [tilespmem:s0+$0x4D0];
	_ =	sdelay $0x1  }
0x90: {  	[tilespmem:v4+s7+$0x0] =	vst.idx.add.f32.msk $0xffff, v2  }
0x91: {  	v4 =	vadd.s32 v1, v6;
	v6 =	vld [tilespmem:s0+$0x550]  }
0x92: {  	[tilespmem:v3+s7+$0x0] =	vst.idx.add.f32.msk $0xffff, v2  }
0x93: {  	v3 =	vadd.s32 v1, v5;
	v5 =	vld [tilespmem:s0+$0x5F0];
	_ =	sdelay $0x2  }
0x94: {  	[tilespmem:v4+s7+$0x0] =	vst.idx.add.f32.msk $0xffff, v2;
	v4 =	vadd.s32 v1, v6  }
0x95: {  	v6 =	vld [tilespmem:s0+$0x460]  }
0x96: {  	p0 =	por $0x0, $0x0;
	s1 =	simm.s32 $0x1;
	[tilespmem:v3+s7+$0x0] =	vst.idx.add.f32.msk $0xffff, v2;
	v3 =	vadd.s32 v1, v5  }
0x97: {  	s1 =	simm.s32 @!p0 $0x0;
	v5 =	vld [tilespmem:s0+$0x4E0]  }
0x98: {  	s1 =	sshll.u32 s1, $0x9  }
0x99: {  	s1 =	sadd.s32 $0x0, s1;
	[tilespmem:v4+s7+$0x0] =	vst.idx.add.f32.msk $0xffff, v2  }
0x9a: {  	s21 =	sadd.s32 $0x180, s1;
	v4 =	vadd.s32 v1, v6;
	v6 =	vld [tilespmem:s0+$0x560]  }
0x9b: {  	s11 =	sor.u32 $0x800, s21;
	[tilespmem:v3+s7+$0x0] =	vst.idx.add.f32.msk $0xffff, v2  }
0x9c: {  	v3 =	vadd.s32 v1, v5;
	v5 =	vld [tilespmem:s11+$0x0];
	_ =	sdelay $0x2  }
0x9d: {  	[tilespmem:v4+s7+$0x0] =	vst.idx.add.f32.msk $0xffff, v2;
	v4 =	vadd.s32 v1, v6  }
0x9e: {  	v6 =	vld [tilespmem:s0+$0x470]  }
0x9f: {  	[tilespmem:v3+s7+$0x0] =	vst.idx.add.f32.msk $0xffff, v2;
	v3 =	vadd.s32 v1, v5  }
0xa0: {  	v5 =	vld [tilespmem:s0+$0x4F0];
	_ =	sdelay $0x1  }
0xa1: {  	[tilespmem:v4+s7+$0x0] =	vst.idx.add.f32.msk $0xffff, v2  }
0xa2: {  	v4 =	vadd.s32 v1, v6;
	v6 =	vld [tilespmem:s0+$0x570]  }
0xa3: {  	s12 =	sor.u32 $0x810, s21;
	[tilespmem:v3+s7+$0x0] =	vst.idx.add.f32.msk $0xffff, v2  }
0xa4: {  	v3 =	vadd.s32 v1, v5;
	v5 =	vld [tilespmem:s12+$0x0];
	_ =	sdelay $0x2  }
0xa5: {  	s13 =	sor.u32 $0x800, s1;
	[tilespmem:v4+s7+$0x0] =	vst.idx.add.f32.msk $0xffff, v2;
	v4 =	vadd.s32 v1, v6  }
0xa6: {  	s4 =	sadd.s32 $0x80, s1;
	v6 =	vld [tilespmem:s13+$0x0]  }
0xa7: {  	s14 =	sor.u32 $0x800, s4;
	[tilespmem:v3+s7+$0x0] =	vst.idx.add.f32.msk $0xffff, v2;
	v3 =	vadd.s32 v1, v5  }
0xa8: {  	v5 =	vld [tilespmem:s14+$0x0]  }
0xa9: {  	s3 =	sadd.s32 $0x100, s1  }
0xaa: {  	s15 =	sor.u32 $0x800, s3;
	[tilespmem:v4+s7+$0x0] =	vst.idx.add.f32.msk $0xffff, v2  }
0xab: {  	v4 =	vadd.s32 v1, v6;
	v6 =	vld [tilespmem:s15+$0x0]  }
0xac: {  	s16 =	sor.u32 $0x820, s21;
	[tilespmem:v3+s7+$0x0] =	vst.idx.add.f32.msk $0xffff, v2  }
0xad: {  	v3 =	vadd.s32 v1, v5;
	v5 =	vld [tilespmem:s16+$0x0];
	_ =	sdelay $0x2  }
0xae: {  	s17 =	sor.u32 $0x810, s1;
	[tilespmem:v4+s7+$0x0] =	vst.idx.add.f32.msk $0xffff, v2;
	v4 =	vadd.s32 v1, v6  }
0xaf: {  	v6 =	vld [tilespmem:s17+$0x0]  }
0xb0: {  	s18 =	sor.u32 $0x810, s4;
	[tilespmem:v3+s7+$0x0] =	vst.idx.add.f32.msk $0xffff, v2;
	v3 =	vadd.s32 v1, v5  }
0xb1: {  	v5 =	vld [tilespmem:s18+$0x0];
	_ =	sdelay $0x1  }
0xb2: {  	s19 =	sor.u32 $0x810, s3;
	[tilespmem:v4+s7+$0x0] =	vst.idx.add.f32.msk $0xffff, v2  }
0xb3: {  	v4 =	vadd.s32 v1, v6;
	v6 =	vld [tilespmem:s19+$0x0]  }
0xb4: {  	s20 =	sor.u32 $0x830, s21;
	[tilespmem:v3+s7+$0x0] =	vst.idx.add.f32.msk $0xffff, v2  }
0xb5: {  	v3 =	vadd.s32 v1, v5;
	v5 =	vld [tilespmem:s20+$0x0];
	_ =	sdelay $0x2  }
0xb6: {  	s22 =	sor.u32 $0x820, s1;
	[tilespmem:v4+s7+$0x0] =	vst.idx.add.f32.msk $0xffff, v2;
	v4 =	vadd.s32 v1, v6  }
0xb7: {  	v6 =	vld [tilespmem:s22+$0x0]  }
0xb8: {  	s23 =	sor.u32 $0x820, s4;
	[tilespmem:v3+s7+$0x0] =	vst.idx.add.f32.msk $0xffff, v2;
	v3 =	vadd.s32 v1, v5  }
0xb9: {  	v5 =	vld [tilespmem:s23+$0x0];
	_ =	sdelay $0x1  }
0xba: {  	s24 =	sor.u32 $0x820, s3;
	[tilespmem:v4+s7+$0x0] =	vst.idx.add.f32.msk $0xffff, v2  }
0xbb: {  	v4 =	vadd.s32 v1, v6;
	v6 =	vld [tilespmem:s24+$0x0]  }
0xbc: {  	s25 =	sor.u32 $0x840, s21;
	[tilespmem:v3+s7+$0x0] =	vst.idx.add.f32.msk $0xffff, v2  }
0xbd: {  	v3 =	vadd.s32 v1, v5;
	v5 =	vld [tilespmem:s25+$0x0];
	_ =	sdelay $0x2  }
0xbe: {  	s26 =	sor.u32 $0x830, s1;
	[tilespmem:v4+s7+$0x0] =	vst.idx.add.f32.msk $0xffff, v2;
	v4 =	vadd.s32 v1, v6  }
0xbf: {  	v6 =	vld [tilespmem:s26+$0x0]  }
0xc0: {  	s2 =	sor.u32 $0x830, s4;
	[tilespmem:v3+s7+$0x0] =	vst.idx.add.f32.msk $0xffff, v2;
	v3 =	vadd.s32 v1, v5  }
0xc1: {  	v5 =	vld [tilespmem:s2+$0x0];
	_ =	sdelay $0x1  }
0xc2: {  	s5 =	sor.u32 $0x830, s3;
	[tilespmem:v4+s7+$0x0] =	vst.idx.add.f32.msk $0xffff, v2  }
0xc3: {  	v4 =	vadd.s32 v1, v6;
	v6 =	vld [tilespmem:s5+$0x0]  }
0xc4: {  	s6 =	sor.u32 $0x850, s21;
	[tilespmem:v3+s7+$0x0] =	vst.idx.add.f32.msk $0xffff, v2  }
0xc5: {  	v3 =	vadd.s32 v1, v5;
	v5 =	vld [tilespmem:s6+$0x0];
	_ =	sdelay $0x2  }
0xc6: {  	s8 =	sor.u32 $0x840, s1;
	[tilespmem:v4+s7+$0x0] =	vst.idx.add.f32.msk $0xffff, v2;
	v4 =	vadd.s32 v1, v6  }
0xc7: {  	v6 =	vld [tilespmem:s8+$0x0]  }
0xc8: {  	s9 =	sor.u32 $0x840, s4;
	[tilespmem:v3+s7+$0x0] =	vst.idx.add.f32.msk $0xffff, v2;
	v3 =	vadd.s32 v1, v5  }
0xc9: {  	v5 =	vld [tilespmem:s9+$0x0];
	_ =	sdelay $0x1  }
0xca: {  	s10 =	sor.u32 $0x840, s3;
	[tilespmem:v4+s7+$0x0] =	vst.idx.add.f32.msk $0xffff, v2  }
0xcb: {  	s29 =	sor.u32 $0x870, s4;
	s28 =	sor.u32 $0x870, s3;
	v4 =	vadd.s32 v1, v6;
	v6 =	vld [tilespmem:s10+$0x0]  }
0xcc: {  	s31 =	sor.u32 $0xC10, s4;
	s30 =	sor.u32 $0xC40, s3;
	s8 =	sor.u32 $0x860, s4;
	[tilespmem:v3+s7+$0x0] =	vst.idx.add.f32.msk $0xffff, v2  }
0xcd: {  	s13 =	sor.u32 $0x860, s21;
	s14 =	sor.u32 $0x860, s3;
	v3 =	vadd.s32 v1, v5;
	[dreg:$0xa] =	wrdreg s8  }
0xce: {  	s11 =	sor.u32 $0x850, s4;
	s15 =	sor.u32 $0x860, s1;
	v5 =	vld [tilespmem:s13+$0x0];
	[dreg:$0x9] =	wrdreg s14  }
0xcf: {  	s0 =	simm.s32 $0x800;
	s16 =	sor.u32 $0x870, s1;
	[dreg:$0xb] =	wrdreg s15  }
0xd0: {  	s12 =	sor.u32 $0xC40, s1;
	s17 =	sor.u32 $0xC50, s1;
	[dreg:$0x8] =	wrdreg s16  }
0xd1: {  	s19 =	sor.u32 $0xC60, s1;
	s22 =	sor.u32 $0x870, s21;
	s18 =	sor.u32 $0xC30, s1;
	[tilespmem:v4+s7+$0x0] =	vst.idx.add.f32.msk $0xffff, v2;
	v4 =	vadd.s32 v1, v6  }
0xd2: {  	s24 =	sor.u32 $0xC30, s3;
	s20 =	sor.u32 $0xC20, s1;
	s6 =	sor.u32 $0x850, s1;
	[tilespmem:v3+s7+$0x0] =	vst.idx.add.f32.msk $0xffff, v2  }
0xd3: {  	s26 =	sor.u32 $0xC10, s3;
	s5 =	sor.u32 $0x850, s3;
	v6 =	vld [tilespmem:s6+$0x0];
	[dreg:$0x6] =	wrdreg s17;
	v3 =	vadd.s32 v1, v5  }
0xd4: {  	s23 =	sor.u32 $0xC60, s4;
	s25 =	sor.u32 $0xC50, s4;
	s2 =	sor.u32 $0xC00, s4;
	v5 =	vld [tilespmem:s11+$0x0]  }
0xd5: {  	s10 =	sor.u32 $0xC00, s1;
	s9 =	sor.u32 $0xC40, s4;
	[dreg:$0x7] =	wrdreg s19  }
0xd6: {  	s8 =	sor.u32 $0xC20, s3;
	s16 =	sor.u32 $0xC00, s3;
	s14 =	sor.u32 $0xC10, s1;
	[tilespmem:v4+s7+$0x0] =	vst.idx.add.f32.msk $0xffff, v2  }
0xd7: {  	s15 =	sor.u32 $0xC20, s4;
	s13 =	sor.u32 $0xC30, s4;
	s1 =	sor.u32 $0xC70, s1;
	v4 =	vld [tilespmem:s5+$0x0]  }
0xd8: {  	s6 =	sor.u32 $0xC70, s4;
	s4 =	simm.s32 $0x0;
	s17 =	sor.u32 $0xC50, s3;
	[tilespmem:v3+s7+$0x0] =	vst.idx.add.f32.msk $0xffff, v2  }
0xd9: {  	s19 =	sor.u32 $0xC60, s3;
	s3 =	sor.u32 $0xC70, s3;
	v6 =	vadd.s32 v1, v6;
	s5 =	simm.s32 $0x200;
	v5 =	vadd.s32 v1, v5;
	v3 =	vld [tilespmem:s22+$0x0]  }
.LBB2_4:
0xda: {  	[dreg:$0xe] =	wrdreg s3  }
0xdb: {  	[dreg:$0x4] =	wrdreg s0  }
0xdc: {  	s4 =	sadd.s32 $0x4, s4;
	s0 =	rddreg [dreg:$0x4]  }
0xdd: {  	s3 =	sand.u32 $0x200, s5;
	[dreg:$0x2] =	wrdreg s4  }
0xde: {  	[tilespmem:v6+s7+$0x0] =	vst.idx.add.f32.msk $0xffff, v2;
	p1 =	slt.u32 s4, $0x5C;
	s4 =	rddreg [dreg:$0xb];
	s0 =	sand.u32 $0xF000, s0  }
0xdf: {  	[dreg:$0x3] =	wrdreg s5;
	v6 =	vld [tilespmem:s4+$0x0];
	s5 =	sor.u32 s3, s0  }
0xe0: {  	v4 =	vadd.s32 v1, v4;
	v7 =	vld [tilespmem:s5+$0x180]  }
0xe1: {  	v8 =	vld [tilespmem:s5+$0x0]  }
0xe2: {  	v9 =	vld [tilespmem:s5+$0x80];
	v3 =	vadd.s32 v1, v3  }
0xe3: {  	v10 =	vld [tilespmem:s5+$0x100]  }
0xe4: {  	[dreg:$0x10] =	wrdreg s6;
	[tilespmem:v5+s7+$0x0] =	vst.idx.add.f32.msk $0xffff, v2  }
0xe5: {  	s6 =	rddreg [dreg:$0xa];
	[tilespmem:v4+s7+$0x0] =	vst.idx.add.f32.msk $0xffff, v2;
	v5 =	vadd.s32 v1, v7  }
0xe6: {  	[dreg:$0x17] =	wrdreg s19;
	v4 =	vadd.s32 v1, v8;
	v7 =	vld [tilespmem:s6+$0x0]  }
0xe7: {  	s19 =	rddreg [dreg:$0x9];
	v8 =	vadd.s32 v1, v9;
	[tilespmem:v3+s7+$0x0] =	vst.idx.add.f32.msk $0xffff, v2  }
0xe8: {  	s11 =	sor.u32 $0xC00, s21;
	v46 =	vld [tilespmem:s19+$0x0]  }
0xe9: {  	v3 =	vadd.s32 v1, v10;
	v45 =	vld [tilespmem:s11+$0x0]  }
0xea: {  	[tilespmem:v5+s7+$0x0] =	vst.idx.add.f32.msk $0xffff, v2  }
0xeb: {  	[tilespmem:v4+s7+$0x0] =	vst.idx.add.f32.msk $0xffff, v2  }
0xec: {  	[tilespmem:v8+s7+$0x0] =	vst.idx.add.f32.msk $0xffff, v2  }
0xed: {  	v6 =	vadd.s32 v1, v6;
	v5 =	vld [tilespmem:s5+$0x190]  }
0xee: {  	v7 =	vadd.s32 v1, v7;
	[tilespmem:v3+s7+$0x0] =	vst.idx.add.f32.msk $0xffff, v2  }
0xef: {  	v4 =	vadd.s32 v1, v45;
	v8 =	vld [tilespmem:s5+$0x10]  }
0xf0: {  	v47 =	vld [tilespmem:s5+$0x90]  }
0xf1: {  	v3 =	vadd.s32 v1, v46;
	v48 =	vld [tilespmem:s5+$0x110]  }
0xf2: {  	[tilespmem:v6+s7+$0x0] =	vst.idx.add.f32.msk $0xffff, v2;
	v5 =	vadd.s32 v1, v5  }
0xf3: {  	[tilespmem:v7+s7+$0x0] =	vst.idx.add.f32.msk $0xffff, v2  }
0xf4: {  	s22 =	sor.u32 $0xC10, s21;
	[tilespmem:v4+s7+$0x0] =	vst.idx.add.f32.msk $0xffff, v2;
	v8 =	vadd.s32 v1, v8  }
0xf5: {  	v6 =	vadd.s32 v1, v47;
	v4 =	vld [tilespmem:s22+$0x0]  }
0xf6: {  	[tilespmem:v3+s7+$0x0] =	vst.idx.add.f32.msk $0xffff, v2  }
0xf7: {  	[tilespmem:v5+s7+$0x0] =	vst.idx.add.f32.msk $0xffff, v2;
	v5 =	vadd.s32 v1, v48  }
0xf8: {  	v49 =	vld [tilespmem:s5+$0x1A0]  }
0xf9: {  	[tilespmem:v8+s7+$0x0] =	vst.idx.add.f32.msk $0xffff, v2  }
0xfa: {  	[tilespmem:v6+s7+$0x0] =	vst.idx.add.f32.msk $0xffff, v2;
	v3 =	vadd.s32 v1, v4  }
0xfb: {  	v6 =	vld [tilespmem:s5+$0xA0]  }
0xfc: {  	[tilespmem:v5+s7+$0x0] =	vst.idx.add.f32.msk $0xffff, v2  }
0xfd: {  	v5 =	vld [tilespmem:s5+$0x20];
	v4 =	vadd.s32 v1, v49  }
0xfe: {  	[dreg:$0x1b] =	wrdreg s23;
	v7 =	vld [tilespmem:s5+$0x120]  }
0xff: {  	[dreg:$0x5] =	wrdreg s1;
	s23 =	sor.u32 $0xC20, s21;
	[tilespmem:v3+s7+$0x0] =	vst.idx.add.f32.msk $0xffff, v2  }
0x100: {  	s1 =	rddreg [dreg:$0x8];
	v3 =	vld [tilespmem:s23+$0x0]  }
0x101: {  	v8 =	vld [tilespmem:s1+$0x0];
	v6 =	vadd.s32 v1, v6  }
0x102: {  	[tilespmem:v4+s7+$0x0] =	vst.idx.add.f32.msk $0xffff, v2;
	v4 =	vadd.s32 v1, v5  }
0x103: {  	v7 =	vadd.s32 v1, v7;
	v5 =	vld [tilespmem:s5+$0x1B0]  }
0x104: {  	v50 =	vld [tilespmem:s29+$0x0]  }
0x105: {  	v51 =	vld [tilespmem:s28+$0x0];
	v3 =	vadd.s32 v1, v3  }
0x106: {  	[tilespmem:v6+s7+$0x0] =	vst.idx.add.f32.msk $0xffff, v2  }
0x107: {  	[tilespmem:v4+s7+$0x0] =	vst.idx.add.f32.msk $0xffff, v2  }
0x108: {  	[tilespmem:v7+s7+$0x0] =	vst.idx.add.f32.msk $0xffff, v2;
	v4 =	vadd.s32 v1, v5  }
0x109: {  	v5 =	vld [tilespmem:s5+$0x30]  }
0x10a: {  	s3 =	sor.u32 $0xC30, s21;
	[tilespmem:v3+s7+$0x0] =	vst.idx.add.f32.msk $0xffff, v2  }
0x10b: {  	v52 =	vld [tilespmem:s3+$0x0]  }
0x10c: {  	v8 =	vadd.s32 v1, v8;
	v7 =	vld [tilespmem:s5+$0xB0]  }
0x10d: {  	v3 =	vadd.s32 v1, v50;
	[tilespmem:v4+s7+$0x0] =	vst.idx.add.f32.msk $0xffff, v2  }
0x10e: {  	v4 =	vadd.s32 v1, v5;
	v5 =	vld [tilespmem:s5+$0x1C0];
	_ =	sdelay $0x1  }
0x10f: {  	v53 =	vld [tilespmem:s5+$0x130];
	v9 =	vadd.s32 v1, v52  }
0x110: {  	[tilespmem:v8+s7+$0x0] =	vst.idx.add.f32.msk $0xffff, v2  }
0x111: {  	v7 =	vadd.s32 v1, v7;
	[tilespmem:v3+s7+$0x0] =	vst.idx.add.f32.msk $0xffff, v2  }
0x112: {  	[tilespmem:v4+s7+$0x0] =	vst.idx.add.f32.msk $0xffff, v2;
	v4 =	vadd.s32 v1, v5  }
0x113: {  	v5 =	vld [tilespmem:s5+$0x40]  }
0x114: {  	s4 =	sor.u32 $0xC40, s21;
	v8 =	vadd.s32 v1, v53;
	[tilespmem:v9+s7+$0x0] =	vst.idx.add.f32.msk $0xffff, v2  }
0x115: {  	v9 =	vld [tilespmem:s4+$0x0]  }
0x116: {  	[tilespmem:v7+s7+$0x0] =	vst.idx.add.f32.msk $0xffff, v2  }
0x117: {  	[tilespmem:v4+s7+$0x0] =	vst.idx.add.f32.msk $0xffff, v2  }
0x118: {  	v3 =	vadd.s32 v1, v5;
	v4 =	vld [tilespmem:s5+$0x1D0]  }
0x119: {  	[tilespmem:v8+s7+$0x0] =	vst.idx.add.f32.msk $0xffff, v2  }
0x11a: {  	v8 =	vld [tilespmem:s5+$0x140];
	v5 =	vadd.s32 v1, v9  }
0x11b: {  	v7 =	vld [tilespmem:s5+$0xC0]  }
0x11c: {  	v6 =	vadd.s32 v1, v51  }
0x11d: {  	[tilespmem:v3+s7+$0x0] =	vst.idx.add.f32.msk $0xffff, v2;
	v3 =	vadd.s32 v1, v4  }
0x11e: {  	v4 =	vld [tilespmem:s5+$0x50]  }
0x11f: {  	s6 =	sor.u32 $0xC50, s21;
	v8 =	vadd.s32 v1, v8;
	[tilespmem:v5+s7+$0x0] =	vst.idx.add.f32.msk $0xffff, v2  }
0x120: {  	v5 =	vadd.s32 v1, v7;
	v7 =	vld [tilespmem:s6+$0x0]  }
0x121: {  	[tilespmem:v6+s7+$0x0] =	vst.idx.add.f32.msk $0xffff, v2  }
0x122: {  	[tilespmem:v3+s7+$0x0] =	vst.idx.add.f32.msk $0xffff, v2  }
0x123: {  	v3 =	vadd.s32 v1, v4;
	v4 =	vld [tilespmem:s5+$0x1E0]  }
0x124: {  	[tilespmem:v8+s7+$0x0] =	vst.idx.add.f32.msk $0xffff, v2  }
0x125: {  	[tilespmem:v5+s7+$0x0] =	vst.idx.add.f32.msk $0xffff, v2;
	v5 =	vadd.s32 v1, v7  }
0x126: {  	v6 =	vld [tilespmem:s10+$0x0]  }
0x127: {  	v8 =	vld [tilespmem:s5+$0x150]  }
0x128: {  	v7 =	vld [tilespmem:s5+$0xD0];
	v4 =	vadd.s32 v1, v4  }
0x129: {  	[tilespmem:v3+s7+$0x0] =	vst.idx.add.f32.msk $0xffff, v2  }
0x12a: {  	s10 =	sor.u32 $0xC60, s21;
	[tilespmem:v5+s7+$0x0] =	vst.idx.add.f32.msk $0xffff, v2  }
0x12b: {  	v5 =	vld [tilespmem:s10+$0x0]  }
0x12c: {  	v8 =	vadd.s32 v1, v8;
	v3 =	vadd.s32 v1, v6;
	v6 =	vld [tilespmem:s5+$0x60]  }
0x12d: {  	v7 =	vadd.s32 v1, v7;
	[tilespmem:v4+s7+$0x0] =	vst.idx.add.f32.msk $0xffff, v2  }
0x12e: {  	v4 =	vld [tilespmem:s5+$0x1F0]  }
0x12f: {  	v55 =	vld [tilespmem:s16+$0x0]  }
0x130: {  	v54 =	vld [tilespmem:s2+$0x0];
	v5 =	vadd.s32 v1, v5  }
0x131: {  	[tilespmem:v8+s7+$0x0] =	vst.idx.add.f32.msk $0xffff, v2  }
0x132: {  	v6 =	vadd.s32 v1, v6;
	[tilespmem:v7+s7+$0x0] =	vst.idx.add.f32.msk $0xffff, v2  }
0x133: {  	v7 =	vld [tilespmem:s5+$0xE0];
	v4 =	vadd.s32 v1, v4  }
0x134: {  	v8 =	vld [tilespmem:s5+$0x160]  }
0x135: {  	s11 =	sor.u32 $0xC70, s21;
	[tilespmem:v5+s7+$0x0] =	vst.idx.add.f32.msk $0xffff, v2  }
0x136: {  	v5 =	vld [tilespmem:s11+$0x0]  }
0x137: {  	v9 =	vadd.s32 v1, v54;
	[tilespmem:v6+s7+$0x0] =	vst.idx.add.f32.msk $0xffff, v2  }
0x138: {  	v6 =	vadd.s32 v1, v7;
	[tilespmem:v4+s7+$0x0] =	vst.idx.add.f32.msk $0xffff, v2  }
0x139: {  	v4 =	vadd.s32 v1, v8;
	v7 =	vld [tilespmem:s5+$0x580]  }
0x13a: {  	v8 =	vld [tilespmem:s5+$0x70]  }
0x13b: {  	[tilespmem:v3+s7+$0x0] =	vst.idx.add.f32.msk $0xffff, v2;
	v3 =	vadd.s32 v1, v5  }
0x13c: {  	[tilespmem:v9+s7+$0x0] =	vst.idx.add.f32.msk $0xffff, v2  }
0x13d: {  	[tilespmem:v6+s7+$0x0] =	vst.idx.add.f32.msk $0xffff, v2  }
0x13e: {  	[tilespmem:v4+s7+$0x0] =	vst.idx.add.f32.msk $0xffff, v2;
	v4 =	vadd.s32 v1, v7  }
0x13f: {  	v6 =	vld [tilespmem:s5+$0xF0]  }
0x140: {  	v10 =	vadd.s32 v1, v55;
	[tilespmem:v3+s7+$0x0] =	vst.idx.add.f32.msk $0xffff, v2  }
0x141: {  	v5 =	vadd.s32 v1, v8;
	v3 =	vld [tilespmem:s5+$0x170]  }
0x142: {  	v8 =	vld [tilespmem:s31+$0x0]  }
0x143: {  	[tilespmem:v4+s7+$0x0] =	vst.idx.add.f32.msk $0xffff, v2  }
0x144: {  	v4 =	vadd.s32 v1, v6;
	v6 =	vld [tilespmem:s5+$0x590]  }
0x145: {  	[tilespmem:v10+s7+$0x0] =	vst.idx.add.f32.msk $0xffff, v2  }
0x146: {  	[tilespmem:v5+s7+$0x0] =	vst.idx.add.f32.msk $0xffff, v2;
	v3 =	vadd.s32 v1, v3  }
0x147: {  	v5 =	vld [tilespmem:s5+$0x400]  }
0x148: {  	v7 =	vld [tilespmem:s14+$0x0]  }
0x149: {  	[tilespmem:v4+s7+$0x0] =	vst.idx.add.f32.msk $0xffff, v2;
	v4 =	vadd.s32 v1, v6  }
0x14a: {  	v6 =	vld [tilespmem:s5+$0x480]  }
0x14b: {  	v8 =	vadd.s32 v1, v8;
	[tilespmem:v3+s7+$0x0] =	vst.idx.add.f32.msk $0xffff, v2  }
0x14c: {  	v5 =	vadd.s32 v1, v5;
	v3 =	vld [tilespmem:s5+$0x500]  }
0x14d: {  	v56 =	vld [tilespmem:s26+$0x0]  }
0x14e: {  	v7 =	vadd.s32 v1, v7;
	[tilespmem:v4+s7+$0x0] =	vst.idx.add.f32.msk $0xffff, v2  }
0x14f: {  	v4 =	vadd.s32 v1, v6;
	v6 =	vld [tilespmem:s5+$0x5A0]  }
0x150: {  	[tilespmem:v8+s7+$0x0] =	vst.idx.add.f32.msk $0xffff, v2  }
0x151: {  	[tilespmem:v5+s7+$0x0] =	vst.idx.add.f32.msk $0xffff, v2;
	v3 =	vadd.s32 v1, v3  }
0x152: {  	v5 =	vld [tilespmem:s5+$0x410]  }
0x153: {  	[tilespmem:v7+s7+$0x0] =	vst.idx.add.f32.msk $0xffff, v2;
	v7 =	vadd.s32 v1, v56  }
0x154: {  	[tilespmem:v4+s7+$0x0] =	vst.idx.add.f32.msk $0xffff, v2;
	v4 =	vadd.s32 v1, v6  }
0x155: {  	v6 =	vld [tilespmem:s5+$0x490]  }
0x156: {  	[tilespmem:v3+s7+$0x0] =	vst.idx.add.f32.msk $0xffff, v2  }
0x157: {  	v5 =	vadd.s32 v1, v5;
	v3 =	vld [tilespmem:s5+$0x510]  }
0x158: {  	[tilespmem:v7+s7+$0x0] =	vst.idx.add.f32.msk $0xffff, v2  }
0x159: {  	[tilespmem:v4+s7+$0x0] =	vst.idx.add.f32.msk $0xffff, v2  }
0x15a: {  	v4 =	vadd.s32 v1, v6;
	v6 =	vld [tilespmem:s5+$0x5B0]  }
0x15b: {  	v8 =	vld [tilespmem:s15+$0x0]  }
0x15c: {  	[tilespmem:v5+s7+$0x0] =	vst.idx.add.f32.msk $0xffff, v2;
	v3 =	vadd.s32 v1, v3  }
0x15d: {  	v5 =	vld [tilespmem:s5+$0x420]  }
0x15e: {  	v7 =	vld [tilespmem:s20+$0x0]  }
0x15f: {  	[tilespmem:v4+s7+$0x0] =	vst.idx.add.f32.msk $0xffff, v2;
	v4 =	vadd.s32 v1, v6  }
0x160: {  	v6 =	vld [tilespmem:s5+$0x4A0]  }
0x161: {  	v8 =	vadd.s32 v1, v8;
	[tilespmem:v3+s7+$0x0] =	vst.idx.add.f32.msk $0xffff, v2  }
0x162: {  	v5 =	vadd.s32 v1, v5;
	v3 =	vld [tilespmem:s5+$0x520]  }
0x163: {  	v57 =	vld [tilespmem:s8+$0x0]  }
0x164: {  	v7 =	vadd.s32 v1, v7;
	[tilespmem:v4+s7+$0x0] =	vst.idx.add.f32.msk $0xffff, v2  }
0x165: {  	v4 =	vadd.s32 v1, v6;
	v6 =	vld [tilespmem:s5+$0x5C0]  }
0x166: {  	[tilespmem:v8+s7+$0x0] =	vst.idx.add.f32.msk $0xffff, v2  }
0x167: {  	[tilespmem:v5+s7+$0x0] =	vst.idx.add.f32.msk $0xffff, v2;
	v3 =	vadd.s32 v1, v3  }
0x168: {  	v5 =	vld [tilespmem:s5+$0x430]  }
0x169: {  	[tilespmem:v7+s7+$0x0] =	vst.idx.add.f32.msk $0xffff, v2;
	v7 =	vadd.s32 v1, v57  }
0x16a: {  	[tilespmem:v4+s7+$0x0] =	vst.idx.add.f32.msk $0xffff, v2;
	v4 =	vadd.s32 v1, v6  }
0x16b: {  	v6 =	vld [tilespmem:s5+$0x4B0]  }
0x16c: {  	[tilespmem:v3+s7+$0x0] =	vst.idx.add.f32.msk $0xffff, v2  }
0x16d: {  	v5 =	vadd.s32 v1, v5;
	v3 =	vld [tilespmem:s5+$0x530]  }
0x16e: {  	[tilespmem:v7+s7+$0x0] =	vst.idx.add.f32.msk $0xffff, v2  }
0x16f: {  	[tilespmem:v4+s7+$0x0] =	vst.idx.add.f32.msk $0xffff, v2  }
0x170: {  	v4 =	vadd.s32 v1, v6;
	v6 =	vld [tilespmem:s5+$0x5D0]  }
0x171: {  	v8 =	vld [tilespmem:s13+$0x0]  }
0x172: {  	[tilespmem:v5+s7+$0x0] =	vst.idx.add.f32.msk $0xffff, v2;
	v3 =	vadd.s32 v1, v3  }
0x173: {  	v5 =	vld [tilespmem:s5+$0x440]  }
0x174: {  	v7 =	vld [tilespmem:s18+$0x0]  }
0x175: {  	[tilespmem:v4+s7+$0x0] =	vst.idx.add.f32.msk $0xffff, v2;
	v4 =	vadd.s32 v1, v6  }
0x176: {  	v6 =	vld [tilespmem:s5+$0x4C0]  }
0x177: {  	v8 =	vadd.s32 v1, v8;
	[tilespmem:v3+s7+$0x0] =	vst.idx.add.f32.msk $0xffff, v2  }
0x178: {  	v5 =	vadd.s32 v1, v5;
	v3 =	vld [tilespmem:s5+$0x540]  }
0x179: {  	v58 =	vld [tilespmem:s24+$0x0]  }
0x17a: {  	v7 =	vadd.s32 v1, v7;
	[tilespmem:v4+s7+$0x0] =	vst.idx.add.f32.msk $0xffff, v2  }
0x17b: {  	v4 =	vadd.s32 v1, v6;
	v6 =	vld [tilespmem:s5+$0x5E0]  }
0x17c: {  	[tilespmem:v8+s7+$0x0] =	vst.idx.add.f32.msk $0xffff, v2  }
0x17d: {  	[tilespmem:v5+s7+$0x0] =	vst.idx.add.f32.msk $0xffff, v2;
	v3 =	vadd.s32 v1, v3  }
0x17e: {  	v5 =	vld [tilespmem:s5+$0x450]  }
0x17f: {  	[tilespmem:v7+s7+$0x0] =	vst.idx.add.f32.msk $0xffff, v2;
	v7 =	vadd.s32 v1, v58  }
0x180: {  	[tilespmem:v4+s7+$0x0] =	vst.idx.add.f32.msk $0xffff, v2;
	v4 =	vadd.s32 v1, v6  }
0x181: {  	v6 =	vld [tilespmem:s5+$0x4D0]  }
0x182: {  	[tilespmem:v3+s7+$0x0] =	vst.idx.add.f32.msk $0xffff, v2  }
0x183: {  	v5 =	vadd.s32 v1, v5;
	v3 =	vld [tilespmem:s5+$0x550]  }
0x184: {  	[tilespmem:v7+s7+$0x0] =	vst.idx.add.f32.msk $0xffff, v2  }
0x185: {  	[tilespmem:v4+s7+$0x0] =	vst.idx.add.f32.msk $0xffff, v2  }
0x186: {  	v4 =	vadd.s32 v1, v6;
	v6 =	vld [tilespmem:s5+$0x5F0]  }
0x187: {  	v8 =	vld [tilespmem:s9+$0x0]  }
0x188: {  	[tilespmem:v5+s7+$0x0] =	vst.idx.add.f32.msk $0xffff, v2;
	v3 =	vadd.s32 v1, v3  }
0x189: {  	v5 =	vld [tilespmem:s5+$0x460]  }
0x18a: {  	v7 =	vld [tilespmem:s12+$0x0]  }
0x18b: {  	p0 =	por !p0, !p0;
	s0 =	simm.s32 $0x1;
	[tilespmem:v4+s7+$0x0] =	vst.idx.add.f32.msk $0xffff, v2;
	v4 =	vadd.s32 v1, v6  }
0x18c: {  	s0 =	simm.s32 @!p0 $0x0;
	v6 =	vld [tilespmem:s5+$0x4E0]  }
0x18d: {  	s0 =	sshll.u32 s0, $0x9;
	s13 =	rddreg [dreg:$0x4];
	v8 =	vadd.s32 v1, v8;
	[tilespmem:v3+s7+$0x0] =	vst.idx.add.f32.msk $0xffff, v2  }
0x18e: {  	s4 =	sadd.s32 s0, s13;
	v5 =	vadd.s32 v1, v5;
	v3 =	vld [tilespmem:s5+$0x560]  }
0x18f: {  	s21 =	sadd.s32 $0x180, s4;
	v59 =	vld [tilespmem:s30+$0x0]  }
0x190: {  	s14 =	sor.u32 $0x800, s21;
	v7 =	vadd.s32 v1, v7;
	[tilespmem:v4+s7+$0x0] =	vst.idx.add.f32.msk $0xffff, v2  }
0x191: {  	v4 =	vadd.s32 v1, v6;
	v6 =	vld [tilespmem:s14+$0x0]  }
0x192: {  	[tilespmem:v8+s7+$0x0] =	vst.idx.add.f32.msk $0xffff, v2  }
0x193: {  	[tilespmem:v5+s7+$0x0] =	vst.idx.add.f32.msk $0xffff, v2;
	v3 =	vadd.s32 v1, v3  }
0x194: {  	v5 =	vld [tilespmem:s5+$0x470]  }
0x195: {  	[tilespmem:v7+s7+$0x0] =	vst.idx.add.f32.msk $0xffff, v2;
	v7 =	vadd.s32 v1, v59  }
0x196: {  	[tilespmem:v4+s7+$0x0] =	vst.idx.add.f32.msk $0xffff, v2;
	v4 =	vadd.s32 v1, v6  }
0x197: {  	v6 =	vld [tilespmem:s5+$0x4F0]  }
0x198: {  	[tilespmem:v3+s7+$0x0] =	vst.idx.add.f32.msk $0xffff, v2  }
0x199: {  	s9 =	sadd.s32 $0x80, s4;
	v5 =	vadd.s32 v1, v5;
	v3 =	vld [tilespmem:s5+$0x570]  }
0x19a: {  	s23 =	sor.u32 $0x830, s9;
	[tilespmem:v7+s7+$0x0] =	vst.idx.add.f32.msk $0xffff, v2  }
0x19b: {  	[dreg:$0x15] =	wrdreg s23;
	s23 =	sor.u32 $0x810, s21;
	[tilespmem:v4+s7+$0x0] =	vst.idx.add.f32.msk $0xffff, v2  }
0x19c: {  	s3 =	smov.u32 s25;
	v4 =	vadd.s32 v1, v6;
	v6 =	vld [tilespmem:s23+$0x0]  }
0x19d: {  	v8 =	vld [tilespmem:s3+$0x0]  }
0x19e: {  	s18 =	sor.u32 $0x800, s4;
	[tilespmem:v5+s7+$0x0] =	vst.idx.add.f32.msk $0xffff, v2;
	v3 =	vadd.s32 v1, v3  }
0x19f: {  	s5 =	rddreg [dreg:$0x6];
	v5 =	vld [tilespmem:s18+$0x0]  }
0x1a0: {  	v7 =	vld [tilespmem:s5+$0x0]  }
0x1a1: {  	s8 =	smov.u32 s17;
	s17 =	sor.u32 $0x800, s9;
	[tilespmem:v4+s7+$0x0] =	vst.idx.add.f32.msk $0xffff, v2;
	v4 =	vadd.s32 v1, v6  }
0x1a2: {  	s25 =	sadd.s32 $0x100, s4;
	v6 =	vld [tilespmem:s17+$0x0]  }
0x1a3: {  	s1 =	sor.u32 $0x810, s4;
	s22 =	sor.u32 $0x820, s4;
	s6 =	sor.u32 $0x800, s25;
	v8 =	vadd.s32 v1, v8;
	[tilespmem:v3+s7+$0x0] =	vst.idx.add.f32.msk $0xffff, v2  }
0x1a4: {  	s26 =	sor.u32 $0x830, s4;
	s11 =	sor.u32 $0x840, s4;
	[dreg:$0x1d] =	wrdreg s22;
	v5 =	vadd.s32 v1, v5;
	v3 =	vld [tilespmem:s6+$0x0]  }
0x1a5: {  	s16 =	sor.u32 $0x810, s25;
	s20 =	sor.u32 $0x820, s25;
	[dreg:$0x16] =	wrdreg s26;
	v60 =	vld [tilespmem:s8+$0x0]  }
0x1a6: {  	s10 =	sor.u32 $0x840, s25;
	[dreg:$0x13] =	wrdreg s11;
	v7 =	vadd.s32 v1, v7;
	s8 =	sor.u32 $0x820, s21;
	[tilespmem:v4+s7+$0x0] =	vst.idx.add.f32.msk $0xffff, v2  }
0x1a7: {  	s13 =	sor.u32 $0x850, s25;
	[dreg:$0x1e] =	wrdreg s16;
	s16 =	sor.u32 $0x860, s25;
	v4 =	vadd.s32 v1, v6;
	v6 =	vld [tilespmem:s8+$0x0]  }
0x1a8: {  	s28 =	sor.u32 $0x870, s25;
	[dreg:$0x9] =	wrdreg s16;
	s24 =	sor.u32 $0x830, s25;
	[tilespmem:v8+s7+$0x0] =	vst.idx.add.f32.msk $0xffff, v2  }
0x1a9: {  	s0 =	sor.u32 $0xC00, s25;
	[dreg:$0x14] =	wrdreg s24;
	s15 =	sor.u32 $0x810, s9;
	[tilespmem:v5+s7+$0x0] =	vst.idx.add.f32.msk $0xffff, v2;
	v3 =	vadd.s32 v1, v3  }
0x1aa: {  	s26 =	sor.u32 $0xC30, s25;
	s11 =	sor.u32 $0xC40, s9;
	[dreg:$0x1f] =	wrdreg s15;
	v5 =	vld [tilespmem:s1+$0x0]  }
0x1ab: {  	s16 =	sor.u32 $0xC10, s25;
	[dreg:$0x19] =	wrdreg s11;
	s11 =	sor.u32 $0xC50, s25;
	[tilespmem:v7+s7+$0x0] =	vst.idx.add.f32.msk $0xffff, v2;
	v7 =	vadd.s32 v1, v60  }
0x1ac: {  	s24 =	sor.u32 $0xC20, s25;
	s17 =	smov.u32 s11;
	s11 =	rddreg [dreg:$0x1f];
	[tilespmem:v4+s7+$0x0] =	vst.idx.add.f32.msk $0xffff, v2;
	v4 =	vadd.s32 v1, v6  }
0x1ad: {  	s30 =	sor.u32 $0xC40, s25;
	s18 =	sor.u32 $0xC60, s25;
	s23 =	sor.u32 $0xC50, s9;
	v6 =	vld [tilespmem:s11+$0x0]  }
0x1ae: {  	s5 =	sor.u32 $0xC70, s25;
	s25 =	smov.u32 s23;
	s23 =	rddreg [dreg:$0x1e];
	[tilespmem:v3+s7+$0x0] =	vst.idx.add.f32.msk $0xffff, v2  }
0x1af: {  	[dreg:$0x18] =	wrdreg s20;
	v5 =	vadd.s32 v1, v5;
	v3 =	vld [tilespmem:s23+$0x0]  }
0x1b0: {  	[dreg:$0x1a] =	wrdreg s26;
	s19 =	sor.u32 $0x820, s9;
	[tilespmem:v7+s7+$0x0] =	vst.idx.add.f32.msk $0xffff, v2  }
0x1b1: {  	s26 =	sor.u32 $0xC50, s4;
	[dreg:$0x1c] =	wrdreg s19;
	s1 =	sor.u32 $0x830, s21;
	[tilespmem:v4+s7+$0x0] =	vst.idx.add.f32.msk $0xffff, v2  }
0x1b2: {  	s3 =	smov.u32 s26;
	s11 =	rddreg [dreg:$0x1b];
	v4 =	vadd.s32 v1, v6;
	v6 =	vld [tilespmem:s1+$0x0]  }
0x1b3: {  	[dreg:$0x6] =	wrdreg s3;
	v8 =	vld [tilespmem:s11+$0x0]  }
0x1b4: {  	s3 =	rddreg [dreg:$0x1d];
	[tilespmem:v5+s7+$0x0] =	vst.idx.add.f32.msk $0xffff, v2;
	v3 =	vadd.s32 v1, v3  }
0x1b5: {  	s19 =	sor.u32 $0x860, s4;
	s6 =	rddreg [dreg:$0x7];
	v5 =	vld [tilespmem:s3+$0x0]  }
0x1b6: {  	[dreg:$0xb] =	wrdreg s19;
	s19 =	sor.u32 $0xC60, s9;
	v7 =	vld [tilespmem:s6+$0x0]  }
0x1b7: {  	s22 =	sor.u32 $0xC20, s9;
	s23 =	smov.u32 s19;
	s19 =	rddreg [dreg:$0x1c];
	[tilespmem:v4+s7+$0x0] =	vst.idx.add.f32.msk $0xffff, v2;
	v4 =	vadd.s32 v1, v6  }
0x1b8: {  	[smem:$0x7F9] =	sst s22;
	s22 =	sor.u32 $0xC60, s4;
	v6 =	vld [tilespmem:s19+$0x0]  }
0x1b9: {  	s8 =	smov.u32 s22;
	s22 =	rddreg [dreg:$0x18];
	v8 =	vadd.s32 v1, v8;
	[tilespmem:v3+s7+$0x0] =	vst.idx.add.f32.msk $0xffff, v2  }
0x1ba: {  	s1 =	rddreg [dreg:$0x17];
	v5 =	vadd.s32 v1, v5;
	v3 =	vld [tilespmem:s22+$0x0]  }
0x1bb: {  	v61 =	vld [tilespmem:s1+$0x0]  }
0x1bc: {  	s3 =	sor.u32 $0x840, s21;
	v7 =	vadd.s32 v1, v7;
	[tilespmem:v4+s7+$0x0] =	vst.idx.add.f32.msk $0xffff, v2  }
0x1bd: {  	v4 =	vadd.s32 v1, v6;
	v6 =	vld [tilespmem:s3+$0x0]  }
0x1be: {  	[tilespmem:v8+s7+$0x0] =	vst.idx.add.f32.msk $0xffff, v2  }
0x1bf: {  	s6 =	rddreg [dreg:$0x16];
	[tilespmem:v5+s7+$0x0] =	vst.idx.add.f32.msk $0xffff, v2;
	v3 =	vadd.s32 v1, v3  }
0x1c0: {  	v5 =	vld [tilespmem:s6+$0x0]  }
0x1c1: {  	[tilespmem:v7+s7+$0x0] =	vst.idx.add.f32.msk $0xffff, v2;
	v7 =	vadd.s32 v1, v61  }
0x1c2: {  	s11 =	rddreg [dreg:$0x15];
	[tilespmem:v4+s7+$0x0] =	vst.idx.add.f32.msk $0xffff, v2;
	v4 =	vadd.s32 v1, v6  }
0x1c3: {  	v6 =	vld [tilespmem:s11+$0x0]  }
0x1c4: {  	s22 =	rddreg [dreg:$0x14];
	[tilespmem:v3+s7+$0x0] =	vst.idx.add.f32.msk $0xffff, v2  }
0x1c5: {  	v5 =	vadd.s32 v1, v5;
	v3 =	vld [tilespmem:s22+$0x0]  }
0x1c6: {  	[tilespmem:v7+s7+$0x0] =	vst.idx.add.f32.msk $0xffff, v2  }
0x1c7: {  	[dreg:$0x7] =	wrdreg s8;
	s8 =	smov.u32 s24;
	s24 =	sor.u32 $0x850, s21;
	[tilespmem:v4+s7+$0x0] =	vst.idx.add.f32.msk $0xffff, v2  }
0x1c8: {  	s6 =	rddreg [dreg:$0x10];
	v4 =	vadd.s32 v1, v6;
	v6 =	vld [tilespmem:s24+$0x0]  }
0x1c9: {  	v8 =	vld [tilespmem:s6+$0x0]  }
0x1ca: {  	s1 =	rddreg [dreg:$0x13];
	[tilespmem:v5+s7+$0x0] =	vst.idx.add.f32.msk $0xffff, v2;
	v3 =	vadd.s32 v1, v3  }
0x1cb: {  	s2 =	sor.u32 $0x840, s9;
	s3 =	rddreg [dreg:$0x5];
	v5 =	vld [tilespmem:s1+$0x0]  }
0x1cc: {  	[dreg:$0x12] =	wrdreg s2;
	v7 =	vld [tilespmem:s3+$0x0]  }
0x1cd: {  	s11 =	rddreg [dreg:$0x12];
	[tilespmem:v4+s7+$0x0] =	vst.idx.add.f32.msk $0xffff, v2;
	v4 =	vadd.s32 v1, v6  }
0x1ce: {  	[dreg:$0x11] =	wrdreg s10;
	v6 =	vld [tilespmem:s11+$0x0]  }
0x1cf: {  	s22 =	rddreg [dreg:$0x11];
	v8 =	vadd.s32 v1, v8;
	[tilespmem:v3+s7+$0x0] =	vst.idx.add.f32.msk $0xffff, v2  }
0x1d0: {  	s3 =	rddreg [dreg:$0xe];
	v5 =	vadd.s32 v1, v5;
	v3 =	vld [tilespmem:s22+$0x0]  }
0x1d1: {  	[dreg:$0xc] =	wrdreg s13;
	s20 =	sor.u32 $0x870, s4;
	s10 =	sor.u32 $0xC00, s4;
	v62 =	vld [tilespmem:s3+$0x0]  }
0x1d2: {  	[dreg:$0x8] =	wrdreg s20;
	s15 =	sor.u32 $0x860, s9;
	v7 =	vadd.s32 v1, v7;
	s11 =	sor.u32 $0x860, s21;
	[tilespmem:v4+s7+$0x0] =	vst.idx.add.f32.msk $0xffff, v2  }
0x1d3: {  	s20 =	sor.u32 $0xC20, s4;
	[dreg:$0xa] =	wrdreg s15;
	s14 =	sor.u32 $0x850, s4;
	v4 =	vadd.s32 v1, v6;
	v6 =	vld [tilespmem:s11+$0x0]  }
0x1d4: {  	s29 =	sor.u32 $0x870, s9;
	s31 =	sor.u32 $0xC10, s9;
	[dreg:$0xf] =	wrdreg s14;
	[tilespmem:v8+s7+$0x0] =	vst.idx.add.f32.msk $0xffff, v2  }
0x1d5: {  	s13 =	sor.u32 $0xC30, s9;
	s12 =	sor.u32 $0x850, s9;
	s22 =	rddreg [dreg:$0xf];
	[tilespmem:v5+s7+$0x0] =	vst.idx.add.f32.msk $0xffff, v2;
	v3 =	vadd.s32 v1, v3  }
0x1d6: {  	s2 =	sor.u32 $0xC00, s9;
	s15 =	sor.u32 $0xC30, s4;
	[dreg:$0xd] =	wrdreg s12;
	v5 =	vld [tilespmem:s22+$0x0]  }
0x1d7: {  	s19 =	smov.u32 s18;
	s18 =	smov.u32 s15;
	s15 =	sld [smem:$0x7F9];
	[tilespmem:v7+s7+$0x0] =	vst.idx.add.f32.msk $0xffff, v2;
	v7 =	vadd.s32 v1, v62  }
0x1d8: {  	s12 =	sor.u32 $0xC40, s4;
	s9 =	sor.u32 $0xC70, s9;
	s11 =	rddreg [dreg:$0xd];
	[tilespmem:v4+s7+$0x0] =	vst.idx.add.f32.msk $0xffff, v2;
	v8 =	vadd.s32 v1, v6  }
0x1d9: {  	s14 =	sor.u32 $0xC10, s4;
	s6 =	smov.u32 s9;
	s9 =	rddreg [dreg:$0x19];
	v63 =	vld [tilespmem:s11+$0x0]  }
.Ltmp1:
0x1da: {  	s4 =	sor.u32 $0xC70, s4;
	s22 =	rddreg [dreg:$0xc];
	[tilespmem:v3+s7+$0x0] =	vst.idx.add.f32.msk $0xffff, v2;
	(pc) =	sbr.rel @p1 .LBB2_4-.Ltmp1, $4  }
0x1db: {  	s1 =	smov.u32 s4;
	s4 =	rddreg [dreg:$0x2];
	v4 =	vld [tilespmem:s22+$0x0]  }
0x1dc: {  	s26 =	smov.u32 s16;
	s3 =	smov.u32 s5;
	s5 =	rddreg [dreg:$0x3];
	[tilespmem:v7+s7+$0x0] =	vst.idx.add.f32.msk $0xffff, v2  }
0x1dd: {  	s16 =	smov.u32 s0;
	s11 =	sor.u32 $0x870, s21;
	s22 =	rddreg [dreg:$0x4];
	[tilespmem:v8+s7+$0x0] =	vst.idx.add.f32.msk $0xffff, v2  }
0x1de: {  	s24 =	rddreg [dreg:$0x1a];
	s5 =	sadd.s32 $0x200, s5;
	v6 =	vadd.s32 v1, v5;
	s0 =	sadd.s32 $0x800, s22;
	v5 =	vadd.s32 v1, v63;
	v3 =	vld [tilespmem:s11+$0x0]  }
0x1df: {  	_ =	sdelay $0x3  }
0x1e0: {  	[tilespmem:v6+s7+$0x0] =	vst.idx.add.f32.msk $0xffff, v2  }
0x1e1: {  	s0 =	rddreg [dreg:$0xb];
	[tilespmem:v5+s7+$0x0] =	vst.idx.add.f32.msk $0xffff, v2  }
0x1e2: {  	v6 =	vld [tilespmem:s0+$0x0];
	s11 =	rddreg [dreg:$0xa]  }
0x1e3: {  	v5 =	vld [tilespmem:s11+$0x0]  }
0x1e4: {  	v4 =	vadd.s32 v1, v4;
	_ =	sdelay $0x2  }
0x1e5: {  	v6 =	vadd.s32 v1, v6  }
0x1e6: {  	v5 =	vadd.s32 v1, v5  }
0x1e7: {  	[tilespmem:v4+s7+$0x0] =	vst.idx.add.f32.msk $0xffff, v2  }
0x1e8: {  	s22 =	rddreg [dreg:$0x9]  }
0x1e9: {  	v4 =	vld [tilespmem:s22+$0x0]  }
0x1ea: {  	[tilespmem:v6+s7+$0x0] =	vst.idx.add.f32.msk $0xffff, v2  }
0x1eb: {  	s4 =	rddreg [dreg:$0x8];
	[tilespmem:v5+s7+$0x0] =	vst.idx.add.f32.msk $0xffff, v2  }
0x1ec: {  	v6 =	vld [tilespmem:s4+$0x0]  }
0x1ed: {  	v3 =	vadd.s32 v1, v3;
	v5 =	vld [tilespmem:s29+$0x0];
	_ =	sdelay $0x1  }
0x1ee: {  	v4 =	vadd.s32 v1, v4;
	_ =	sdelay $0x1  }
0x1ef: {  	v6 =	vadd.s32 v1, v6  }
0x1f0: {  	s5 =	sor.u32 $0xC00, s21;
	[tilespmem:v3+s7+$0x0] =	vst.idx.add.f32.msk $0xffff, v2;
	v5 =	vadd.s32 v1, v5  }
0x1f1: {  	v3 =	vld [tilespmem:s5+$0x0]  }
0x1f2: {  	[tilespmem:v4+s7+$0x0] =	vst.idx.add.f32.msk $0xffff, v2  }
0x1f3: {  	v4 =	vld [tilespmem:s28+$0x0]  }
0x1f4: {  	[tilespmem:v6+s7+$0x0] =	vst.idx.add.f32.msk $0xffff, v2  }
0x1f5: {  	[tilespmem:v5+s7+$0x0] =	vst.idx.add.f32.msk $0xffff, v2  }
0x1f6: {  	v6 =	vld [tilespmem:s10+$0x0]  }
0x1f7: {  	v3 =	vadd.s32 v1, v3;
	v5 =	vld [tilespmem:s2+$0x0];
	_ =	sdelay $0x1  }
0x1f8: {  	v4 =	vadd.s32 v1, v4;
	_ =	sdelay $0x1  }
0x1f9: {  	v6 =	vadd.s32 v1, v6  }
0x1fa: {  	s11 =	sor.u32 $0xC10, s21;
	[tilespmem:v3+s7+$0x0] =	vst.idx.add.f32.msk $0xffff, v2;
	v5 =	vadd.s32 v1, v5  }
0x1fb: {  	v3 =	vld [tilespmem:s11+$0x0]  }
0x1fc: {  	[tilespmem:v4+s7+$0x0] =	vst.idx.add.f32.msk $0xffff, v2  }
0x1fd: {  	v4 =	vld [tilespmem:s16+$0x0]  }
0x1fe: {  	[tilespmem:v6+s7+$0x0] =	vst.idx.add.f32.msk $0xffff, v2  }
0x1ff: {  	[tilespmem:v5+s7+$0x0] =	vst.idx.add.f32.msk $0xffff, v2  }
0x200: {  	v6 =	vld [tilespmem:s14+$0x0]  }
0x201: {  	v3 =	vadd.s32 v1, v3;
	v5 =	vld [tilespmem:s31+$0x0]  }
0x202: {  	v4 =	vadd.s32 v1, v4;
	_ =	sdelay $0x2  }
0x203: {  	v6 =	vadd.s32 v1, v6  }
0x204: {  	[tilespmem:v3+s7+$0x0] =	vst.idx.add.f32.msk $0xffff, v2;
	v5 =	vadd.s32 v1, v5  }
0x205: {  	[tilespmem:v4+s7+$0x0] =	vst.idx.add.f32.msk $0xffff, v2  }
0x206: {  	s14 =	sor.u32 $0xC20, s21;
	v4 =	vld [tilespmem:s26+$0x0]  }
0x207: {  	v3 =	vld [tilespmem:s14+$0x0]  }
0x208: {  	[tilespmem:v6+s7+$0x0] =	vst.idx.add.f32.msk $0xffff, v2  }
0x209: {  	[tilespmem:v5+s7+$0x0] =	vst.idx.add.f32.msk $0xffff, v2  }
0x20a: {  	v6 =	vld [tilespmem:s20+$0x0]  }
0x20b: {  	v4 =	vadd.s32 v1, v4;
	v5 =	vld [tilespmem:s15+$0x0];
	_ =	sdelay $0x1  }
0x20c: {  	v3 =	vadd.s32 v1, v3;
	_ =	sdelay $0x1  }
0x20d: {  	v6 =	vadd.s32 v1, v6  }
0x20e: {  	[tilespmem:v4+s7+$0x0] =	vst.idx.add.f32.msk $0xffff, v2;
	v5 =	vadd.s32 v1, v5  }
0x20f: {  	v4 =	vld [tilespmem:s8+$0x0]  }
0x210: {  	s16 =	sor.u32 $0xC30, s21;
	[tilespmem:v3+s7+$0x0] =	vst.idx.add.f32.msk $0xffff, v2  }
0x211: {  	v3 =	vld [tilespmem:s16+$0x0]  }
0x212: {  	[tilespmem:v6+s7+$0x0] =	vst.idx.add.f32.msk $0xffff, v2  }
0x213: {  	[tilespmem:v5+s7+$0x0] =	vst.idx.add.f32.msk $0xffff, v2  }
0x214: {  	v4 =	vadd.s32 v1, v4;
	v6 =	vld [tilespmem:s18+$0x0]  }
0x215: {  	v5 =	vld [tilespmem:s13+$0x0];
	_ =	sdelay $0x1  }
0x216: {  	v3 =	vadd.s32 v1, v3;
	_ =	sdelay $0x1  }
0x217: {  	[tilespmem:v4+s7+$0x0] =	vst.idx.add.f32.msk $0xffff, v2;
	v6 =	vadd.s32 v1, v6  }
0x218: {  	v4 =	vld [tilespmem:s24+$0x0];
	v5 =	vadd.s32 v1, v5;
	_ =	sdelay $0x1  }
0x219: {  	s20 =	sor.u32 $0xC40, s21;
	[tilespmem:v3+s7+$0x0] =	vst.idx.add.f32.msk $0xffff, v2  }
0x21a: {  	v3 =	vld [tilespmem:s20+$0x0]  }
0x21b: {  	[tilespmem:v6+s7+$0x0] =	vst.idx.add.f32.msk $0xffff, v2  }
0x21c: {  	v4 =	vadd.s32 v1, v4;
	[tilespmem:v5+s7+$0x0] =	vst.idx.add.f32.msk $0xffff, v2  }
0x21d: {  	v6 =	vld [tilespmem:s12+$0x0]  }
0x21e: {  	v5 =	vld [tilespmem:s9+$0x0];
	_ =	sdelay $0x1  }
0x21f: {  	v3 =	vadd.s32 v1, v3  }
0x220: {  	[tilespmem:v4+s7+$0x0] =	vst.idx.add.f32.msk $0xffff, v2  }
0x221: {  	v4 =	vld [tilespmem:s30+$0x0];
	v6 =	vadd.s32 v1, v6  }
0x222: {  	v5 =	vadd.s32 v1, v5;
	_ =	sdelay $0x1  }
0x223: {  	s22 =	sor.u32 $0xC50, s21;
	[tilespmem:v3+s7+$0x0] =	vst.idx.add.f32.msk $0xffff, v2  }
0x224: {  	v3 =	vld [tilespmem:s22+$0x0]  }
0x225: {  	v4 =	vadd.s32 v1, v4;
	[tilespmem:v6+s7+$0x0] =	vst.idx.add.f32.msk $0xffff, v2  }
0x226: {  	s24 =	rddreg [dreg:$0x6];
	[tilespmem:v5+s7+$0x0] =	vst.idx.add.f32.msk $0xffff, v2  }
0x227: {  	v6 =	vld [tilespmem:s24+$0x0]  }
0x228: {  	v5 =	vld [tilespmem:s25+$0x0];
	_ =	sdelay $0x1  }
0x229: {  	v3 =	vadd.s32 v1, v3;
	[tilespmem:v4+s7+$0x0] =	vst.idx.add.f32.msk $0xffff, v2  }
0x22a: {  	v4 =	vld [tilespmem:s17+$0x0]  }
0x22b: {  	v6 =	vadd.s32 v1, v6  }
0x22c: {  	v5 =	vadd.s32 v1, v5;
	_ =	sdelay $0x1  }
0x22d: {  	[tilespmem:v3+s7+$0x0] =	vst.idx.add.f32.msk $0xffff, v2;
	s25 =	sor.u32 $0xC60, s21  }
0x22e: {  	v3 =	vld [tilespmem:s25+$0x0];
	v4 =	vadd.s32 v1, v4  }
0x22f: {  	[tilespmem:v6+s7+$0x0] =	vst.idx.add.f32.msk $0xffff, v2  }
0x230: {  	s26 =	rddreg [dreg:$0x7];
	[tilespmem:v5+s7+$0x0] =	vst.idx.add.f32.msk $0xffff, v2  }
0x231: {  	v6 =	vld [tilespmem:s26+$0x0]  }
0x232: {  	v5 =	vld [tilespmem:s23+$0x0]  }
0x233: {  	[tilespmem:v4+s7+$0x0] =	vst.idx.add.f32.msk $0xffff, v2  }
0x234: {  	v3 =	vadd.s32 v1, v3;
	v4 =	vld [tilespmem:s19+$0x0];
	_ =	sdelay $0x1  }
0x235: {  	v6 =	vadd.s32 v1, v6  }
0x236: {  	v5 =	vadd.s32 v1, v5;
	_ =	sdelay $0x1  }
0x237: {  	s28 =	sor.u32 $0xC70, s21;
	[tilespmem:v3+s7+$0x0] =	vst.idx.add.f32.msk $0xffff, v2;
	v3 =	vadd.s32 v1, v4  }
0x238: {  	v4 =	vld [tilespmem:s28+$0x0]  }
0x239: {  	[tilespmem:v6+s7+$0x0] =	vst.idx.add.f32.msk $0xffff, v2  }
0x23a: {  	[tilespmem:v5+s7+$0x0] =	vst.idx.add.f32.msk $0xffff, v2  }
0x23b: {  	v6 =	vld [tilespmem:s1+$0x0]  }
0x23c: {  	[tilespmem:v3+s7+$0x0] =	vst.idx.add.f32.msk $0xffff, v2  }
0x23d: {  	v3 =	vld [tilespmem:s6+$0x0]  }
0x23e: {  	v5 =	vld [tilespmem:s3+$0x0];
	_ =	sdelay $0x1  }
0x23f: {  	v4 =	vadd.s32 v1, v4  }
0x240: {  	v6 =	vadd.s32 v1, v6  }
0x241: {  	v3 =	vadd.s32 v1, v3  }
0x242: {  	v5 =	vadd.s32 v1, v5;
	_ =	sdelay $0x1  }
0x243: {  	[tilespmem:v4+s7+$0x0] =	vst.idx.add.f32.msk $0xffff, v2  }
0x244: {  	[tilespmem:v6+s7+$0x0] =	vst.idx.add.f32.msk $0xffff, v2  }
0x245: {  	[tilespmem:v3+s7+$0x0] =	vst.idx.add.f32.msk $0xffff, v2  }
0x246: {  	s29 =	simm.s32 $0x0;
	s30 =	simm.s32 $0xD010;
	[tilespmem:v5+s7+$0x0] =	vst.idx.add.f32.msk $0xffff, v2  }
0x247: {  	s0 =	sand.u32 $0x1E0, s29;
	v3 =	vld [tilespmem:s30+$0xFFFFEFF0]  }
0x248: {  	v4 =	vld [tilespmem:s0+$0xC200]  }
0x249: {  	v5 =	vld [tilespmem:s30+$0xFFFFF000]  }
0x24a: {  	v6 =	vld [tilespmem:s0+$0xC400]  }
0x24b: {  	v7 =	vld [tilespmem:s30+$0xFFFFF200]  }
0x24c: {  	v8 =	vld [tilespmem:s0+$0xC600]  }
0x24d: {  	v9 =	vld [tilespmem:s30+$0xFFFFF400]  }
0x24e: {  	v10 =	vld [tilespmem:s0+$0xC800]  }
0x24f: {  	v11 =	vld [tilespmem:s30+$0xFFFFF600]  }
0x250: {  	v12 =	vld [tilespmem:s0+$0xCA00]  }
0x251: {  	v13 =	vld [tilespmem:s30+$0xFFFFF800]  }
0x252: {  	v14 =	vld [tilespmem:s0+$0xCC00]  }
0x253: {  	v15 =	vld [tilespmem:s30+$0xFFFFFA00]  }
0x254: {  	v16 =	vld [tilespmem:s0+$0xCE00]  }
0x255: {  	v17 =	vld [tilespmem:s30+$0xFFFFFC00]  }
0x256: {  	v18 =	vld [tilespmem:s0+$0xD000]  }
0x257: {  	v19 =	vld [tilespmem:s30+$0xFFFFFE00]  }
0x258: {  	v20 =	vld [tilespmem:s0+$0xD200]  }
0x259: {  	v21 =	vld [tilespmem:s30+$0x0]  }
0x25a: {  	v22 =	vld [tilespmem:s0+$0xD400]  }
0x25b: {  	v23 =	vld [tilespmem:s30+$0x200]  }
0x25c: {  	v24 =	vld [tilespmem:s0+$0xD600]  }
0x25d: {  	v25 =	vld [tilespmem:s30+$0x400]  }
0x25e: {  	v26 =	vld [tilespmem:s0+$0xD800]  }
0x25f: {  	v27 =	vld [tilespmem:s30+$0x600]  }
0x260: {  	v28 =	vld [tilespmem:s0+$0xDA00]  }
0x261: {  	v29 =	vld [tilespmem:s30+$0x800]  }
0x262: {  	v30 =	vld [tilespmem:s0+$0xDC00]  }
0x263: {  	v31 =	vld [tilespmem:s30+$0xA00]  }
0x264: {  	v32 =	vld [tilespmem:s0+$0xDE00]  }
0x265: {  	s1 =	simm.s32 $0x20;
	v33 =	vld [tilespmem:s30+$0xC00];
	s0 =	simm.s32 $0xD030;
	v3 =	vadd.f32 v4, v3  }
0x266: {  	s31 =	sand.u32 $0x1E0, s1;
	v4 =	vadd.f32 v7, v5;
	v7 =	vld [tilespmem:s0+$0xFFFFEFF0]  }
0x267: {  	v3 =	vadd.f32 v6, v3;
	v6 =	vld [tilespmem:s31+$0xC200]  }
0x268: {  	v4 =	vadd.f32 v9, v4;
	v9 =	vld [tilespmem:s0+$0xFFFFF000]  }
0x269: {  	v3 =	vadd.f32 v8, v3;
	v8 =	vld [tilespmem:s31+$0xC400]  }
0x26a: {  	v4 =	vadd.f32 v11, v4;
	v11 =	vld [tilespmem:s0+$0xFFFFF200]  }
0x26b: {  	v3 =	vadd.f32 v10, v3;
	v10 =	vld [tilespmem:s31+$0xC600]  }
0x26c: {  	v4 =	vadd.f32 v13, v4;
	v6 =	vadd.f32 v6, v7;
	v7 =	vld [tilespmem:s0+$0xFFFFF400]  }
0x26d: {  	v54 =	vld [tilespmem:s31+$0xC800];
	v3 =	vadd.f32 v12, v3  }
0x26e: {  	v4 =	vadd.f32 v15, v4;
	v6 =	vadd.f32 v8, v6;
	v8 =	vld [tilespmem:s0+$0xFFFFF600]  }
0x26f: {  	v55 =	vld [tilespmem:s31+$0xCA00];
	v9 =	vadd.f32 v11, v9;
	v3 =	vadd.f32 v14, v3  }
0x270: {  	v4 =	vadd.f32 v17, v4;
	v6 =	vadd.f32 v10, v6;
	v10 =	vld [tilespmem:s0+$0xFFFFF800]  }
0x271: {  	v11 =	vld [tilespmem:s31+$0xCC00];
	v7 =	vadd.f32 v7, v9  }
0x272: {  	v3 =	vadd.f32 v16, v3;
	v4 =	vadd.f32 v19, v4;
	v9 =	vld [tilespmem:s0+$0xFFFFFA00]  }
0x273: {  	v56 =	vld [tilespmem:s31+$0xCE00];
	v6 =	vadd.f32 v54, v6;
	v7 =	vadd.f32 v8, v7  }
0x274: {  	v3 =	vadd.f32 v18, v3;
	v4 =	vadd.f32 v21, v4;
	v8 =	vld [tilespmem:s0+$0xFFFFFC00]  }
0x275: {  	v57 =	vld [tilespmem:s31+$0xD000];
	v6 =	vadd.f32 v55, v6;
	v7 =	vadd.f32 v10, v7  }
0x276: {  	v3 =	vadd.f32 v20, v3;
	v4 =	vadd.f32 v23, v4;
	v10 =	vld [tilespmem:s0+$0xFFFFFE00]  }
0x277: {  	v6 =	vadd.f32 v11, v6;
	v11 =	vld [tilespmem:s31+$0xD200];
	v7 =	vadd.f32 v9, v7  }
0x278: {  	v3 =	vadd.f32 v22, v3;
	v4 =	vadd.f32 v25, v4;
	v9 =	vld [tilespmem:s0+$0x0]  }
0x279: {  	v58 =	vld [tilespmem:s31+$0xD400];
	v6 =	vadd.f32 v56, v6;
	v7 =	vadd.f32 v8, v7  }
0x27a: {  	v3 =	vadd.f32 v24, v3;
	v4 =	vadd.f32 v27, v4;
	v8 =	vld [tilespmem:s0+$0x200]  }
0x27b: {  	v59 =	vld [tilespmem:s31+$0xD600];
	v6 =	vadd.f32 v57, v6;
	v7 =	vadd.f32 v10, v7  }
0x27c: {  	v3 =	vadd.f32 v26, v3;
	v4 =	vadd.f32 v29, v4;
	v10 =	vld [tilespmem:s0+$0x400]  }
0x27d: {  	v5 =	vld [tilespmem:s30+$0xE00];
	v6 =	vadd.f32 v11, v6;
	v7 =	vadd.f32 v9, v7  }
0x27e: {  	v11 =	vld [tilespmem:s31+$0xD800];
	v3 =	vadd.f32 v28, v3;
	v4 =	vadd.f32 v31, v4  }
0x27f: {  	v9 =	vld [tilespmem:s0+$0x600];
	v6 =	vadd.f32 v58, v6;
	v7 =	vadd.f32 v8, v7  }
0x280: {  	v62 =	vld [tilespmem:s31+$0xDA00];
	v60 =	vadd.f32 v30, v3;
	v61 =	vadd.f32 v33, v4  }
0x281: {  	v6 =	vadd.f32 v59, v6;
	v10 =	vadd.f32 v10, v7;
	v7 =	vld [tilespmem:s0+$0x800]  }
0x282: {  	v4 =	vld [tilespmem:s31+$0xDC00];
	v8 =	vadd.f32 v32, v60  }
0x283: {  	s3 =	simm.s32 $0xE010;
	v63 =	vadd.f32 v5, v61;
	v5 =	vld [tilespmem:s0+$0xA00];
	v6 =	vadd.f32 v11, v6  }
0x284: {  	v3 =	vld [tilespmem:s31+$0xDE00];
	[tilespmem:s3+$0xFFFFFFF0] =	vst v8;
	v9 =	vadd.f32 v9, v10  }
0x285: {  	[tilespmem:s3+$0x0] =	vst v63;
	v8 =	vadd.f32 v62, v6;
	v6 =	vld [tilespmem:s0+$0xC00]  }
.LBB2_6:
0x286: {  	s1 =	sadd.s32 $0x20, s1;
	v7 =	vadd.f32 v7, v9;
	v9 =	vld [tilespmem:s0+$0xE00];
	s0 =	sadd.s32 $0x20, s0  }
0x287: {  	v10 =	vld [tilespmem:s0+$0xFFFFEFF0];
	s2 =	sand.u32 $0x1E0, s1;
	p0 =	slt.u32 s1, $0x1E0;
	v4 =	vadd.f32 v4, v8  }
0x288: {  	v8 =	vld [tilespmem:s2+$0xC200];
	v5 =	vadd.f32 v5, v7  }
0x289: {  	v7 =	vld [tilespmem:s0+$0xFFFFF000];
	v3 =	vadd.f32 v3, v4  }
0x28a: {  	s3 =	sadd.s32 $0x20, s3;
	v4 =	vld [tilespmem:s2+$0xC400];
	v5 =	vadd.f32 v6, v5  }
0x28b: {  	v6 =	vld [tilespmem:s0+$0xFFFFF200];
	[tilespmem:s3+$0xFFFFFFF0] =	vst v3  }
0x28c: {  	v3 =	vld [tilespmem:s2+$0xC600];
	v5 =	vadd.f32 v9, v5  }
0x28d: {  	v8 =	vadd.f32 v8, v10;
	v9 =	vld [tilespmem:s0+$0xFFFFF400]  }
0x28e: {  	v10 =	vld [tilespmem:s2+$0xC800];
	[tilespmem:s3+$0x0] =	vst v5  }
0x28f: {  	v4 =	vadd.f32 v4, v8;
	v5 =	vld [tilespmem:s0+$0xFFFFF600]  }
0x290: {  	v8 =	vld [tilespmem:s2+$0xCA00];
	v6 =	vadd.f32 v6, v7  }
0x291: {  	v3 =	vadd.f32 v3, v4;
	v4 =	vld [tilespmem:s0+$0xFFFFF800]  }
0x292: {  	v7 =	vld [tilespmem:s2+$0xCC00];
	v6 =	vadd.f32 v9, v6  }
0x293: {  	v3 =	vadd.f32 v10, v3;
	v9 =	vld [tilespmem:s0+$0xFFFFFA00]  }
0x294: {  	v10 =	vld [tilespmem:s2+$0xCE00];
	v5 =	vadd.f32 v5, v6  }
0x295: {  	v3 =	vadd.f32 v8, v3;
	v6 =	vld [tilespmem:s0+$0xFFFFFC00]  }
0x296: {  	v8 =	vld [tilespmem:s2+$0xD000];
	v4 =	vadd.f32 v4, v5  }
0x297: {  	v3 =	vadd.f32 v7, v3;
	v5 =	vld [tilespmem:s0+$0xFFFFFE00]  }
0x298: {  	v7 =	vld [tilespmem:s2+$0xD200];
	v4 =	vadd.f32 v9, v4  }
0x299: {  	v3 =	vadd.f32 v10, v3;
	v9 =	vld [tilespmem:s0+$0x0]  }
0x29a: {  	v10 =	vld [tilespmem:s2+$0xD400];
	v4 =	vadd.f32 v6, v4  }
0x29b: {  	v3 =	vadd.f32 v8, v3;
	v6 =	vld [tilespmem:s0+$0x200]  }
0x29c: {  	v8 =	vld [tilespmem:s2+$0xD600];
	v4 =	vadd.f32 v5, v4  }
0x29d: {  	v3 =	vadd.f32 v7, v3;
	v5 =	vld [tilespmem:s0+$0x400]  }
0x29e: {  	v11 =	vld [tilespmem:s2+$0xD800];
	v4 =	vadd.f32 v9, v4  }
0x29f: {  	v3 =	vadd.f32 v10, v3;
	v9 =	vld [tilespmem:s0+$0x600]  }
0x2a0: {  	v10 =	vld [tilespmem:s2+$0xDA00];
	v6 =	vadd.f32 v6, v4  }
.Ltmp2:
0x2a1: {  	v3 =	vadd.f32 v8, v3;
	v7 =	vld [tilespmem:s0+$0x800];
	(pc) =	sbr.rel @p0 .LBB2_6-.Ltmp2, $4  }
0x2a2: {  	v4 =	vld [tilespmem:s2+$0xDC00];
	v6 =	vadd.f32 v5, v6  }
0x2a3: {  	v8 =	vadd.f32 v11, v3;
	v5 =	vld [tilespmem:s0+$0xA00]  }
0x2a4: {  	v3 =	vld [tilespmem:s2+$0xDE00];
	v9 =	vadd.f32 v9, v6  }
0x2a5: {  	v8 =	vadd.f32 v10, v8;
	v6 =	vld [tilespmem:s0+$0xC00]  }
0x2a6: {  	v7 =	vadd.f32 v7, v9  }
0x2a7: {  	v62 =	vld [tilespmem:s0+$0xE00]  }
0x2a8: {  	v5 =	vadd.f32 v5, v7  }
0x2a9: {  	v4 =	vadd.f32 v4, v8  }
0x2aa: {  	v5 =	vadd.f32 v6, v5  }
0x2ab: {  	v3 =	vadd.f32 v3, v4  }
0x2ac: {  	s29 =	sadd.s32 $0x20, s3;
	v63 =	vadd.f32 v62, v5  }
0x2ad: {  	[tilespmem:s29+$0xFFFFFFF0] =	vst v3  }
0x2ae: {  	[tilespmem:s29+$0x0] =	vst v63  }
0x2af: {  	s0 =	sld [smem:$0x7FC];
	_ =	sdelay $0x1  }
0x2b0: {  	s1 =	simm.s32 $0x80;
	s2 =	simm.s32 $0x400;
	s30 =	simm.s32 $0xE000  }
0x2b1: {  	[hbm4b:s0+s1] =	stream.strided.scatter [tilespmem:s30], [sflag:$0x1], $0x200, s2, s1, $0x38;
	[tilespmem:$0xE200] =	vst v63  }
0x2b2: {  	s2 =	simm.s32 $0x1  }
0x2b3: {  	_ =	swait.ge [sflag:s2], $0x200  }
0x2b4: {  	s5 =	sld [smem:$0x7FA]  }
0x2b5: {  	s31 =	sld [smem:$0x7FD];
	_ =	sdelay $0x1  }
0x2b6: {  	s5 =	sadd.s32 $0x1, s5  }
0x2b7: {  	p0 =	sne.s32 s5, s31  }
.Ltmp3:
0x2b8: {  	_ = 	snop;
	(pc) =	sbr.rel @p0 .LBB2_1-.Ltmp3, $3  }
0x2b9: {  	_ =	sdelay $0x1  }
0x2ba: {  	[sflag:s2] =	ssyncset.done $0x0  }
0x2bb: {  	[sflag:s2] =	ssyncadd.s32 $0xFFFFFE00  }
0x2bc: {  	_ =	sfence.sel $0x180000  }
0x2bd: {  	[bflag:$0x0] =	sbarrier.arrive $0xFFFF  }
0x2be: {  	_ =	strace $0x90000047  }
0x2bf: {  	s0 =	stileid.u32;
	[bflag:$0x2] =	sbarrier.arrive $0xFFFF  }
0x2c0: {  	p0 =	sne.s32 s0, $0x0;
	s0 =	rddreg [dreg:$0x1]  }
0x2c1: {  	s0 =	sadd.s32 @!p0 $0x100000, s0  }
0x2c2: {  	[sflag:s0] =	ssyncadd.tile.s32 @!p0 $0x1;
	_ =	shalt  }
.Lfunc_end2:
_tile_overlayer_lowered:
.L_overlay_start_2:
0x2c3: {  	(tag) =	ssettag $0x2  }
0x2c4: {  	s0 =	rddreg [dreg:$0x0];
	s2 =	stileid.u32  }
0x2c5: {  	s1 =	rddreg [dreg:$0x1];
	p0 =	sne.s32 s2, $0x0  }
0x2c6: {  	s3 =	rddreg [dreg:$0x2];
	[bflag:$0x3] =	sbarrier.arrive $0xFFFF;
	s2 =	simm.s32 @!p0 $0x1C01  }
0x2c7: {  	[timem:s3], [sflag:s2] =	dma.local @!p0 [hbm:s0], s1  }
0x2c8: {  	s0 =	simm.s32 @!p0 $0x1  }
0x2c9: {  	_ =	swait.ge @!p0 [sflag:s0], s1  }
0x2ca: {  	s1 =	ssub.s32 @!p0 $0x0, s1;
	[sflag:s0] =	ssyncset.done @!p0 $0x0  }
0x2cb: {  	[sflag:s0] =	ssyncadd.s32 @!p0 s1  }
0x2cc: {  	[bflag:$0x3] =	sbarrier.arrive $0xFFFF  }
0x2cd: {  	_ =	shalt  }

</sc_bundles>
